<compile_context>
chip_gen: v7x
topology: tpu7x:2x2x1
jax: 0.10.2.dev20260603
libtpu: 0.0.44.dev20260713+nightly
codegen_flags: <defaults>
</compile_context>

<pallas_src>
import jax
import jax.numpy as jnp
from jax import lax
from jax.experimental import pallas as pl
from jax.experimental.pallas import tpu as pltpu
from jax.experimental.pallas import tpu_sc as plsc

B = 16384
D = 128
NC = 2
NS = 16
NW = NC * NS
RPW = B // NW
CH = 64
NCH = RPW // CH
NBLK = CH // 16


def _dot_chunk(ubuf, ibuf, outv, xpose, chunk, off):

  @plsc.parallel_loop(0, NBLK, 1, unroll=2)
  def blk_body(blk):
    lane = lax.iota(jnp.int32, 16)
    blkv = jnp.full((16,), blk, jnp.int32)
    for t in range(16):
      r = off + blk * 16 + t
      acc = ubuf[r, pl.ds(0, 16)] * ibuf[r, pl.ds(0, 16)]
      for k in range(1, D // 16):
        acc = acc + (ubuf[r, pl.ds(k * 16, 16)]
                     * ibuf[r, pl.ds(k * 16, 16)])
      xpose[blk, t, pl.ds(0, 16)] = acc
    acc_out = plsc.load_gather(
        xpose, [blkv, lane, jnp.zeros((16,), jnp.int32)])
    for j in range(1, 16):
      acc_out = acc_out + plsc.load_gather(
          xpose, [blkv, lane, jnp.full((16,), j, jnp.int32)])
    outv[pl.ds(chunk * CH + blk * 16, 16)] = acc_out


def _mf_kernel(user_hbm, item_hbm, uf_hbm, if_hbm, out_hbm,
               uidx, iidx, ubuf, ibuf, outv, xpose,
               sem_x, su0, su1, su2, si0, si1, si2, sem_o):
  sems_u = (su0, su1, su2)
  sems_i = (si0, si1, si2)
  wid = lax.axis_index("s") * NC + lax.axis_index("c")
  base = wid * RPW

  pltpu.async_copy(user_hbm.at[pl.ds(base, RPW)], uidx, sem_x)
  pltpu.async_copy(item_hbm.at[pl.ds(base, RPW)], iidx, sem_x)
  pltpu.make_async_copy(user_hbm.at[pl.ds(base, RPW)], uidx, sem_x).wait()
  pltpu.make_async_copy(item_hbm.at[pl.ds(base, RPW)], iidx, sem_x).wait()

  def start(j, slot):
    pltpu.async_copy(uf_hbm.at[uidx.at[pl.ds(j * CH, CH)]],
                     ubuf.at[pl.ds(slot * CH, CH)], sems_u[slot])
    pltpu.async_copy(if_hbm.at[iidx.at[pl.ds(j * CH, CH)]],
                     ibuf.at[pl.ds(slot * CH, CH)], sems_i[slot])

  def drain(j, slot):
    pltpu.make_async_copy(uf_hbm.at[uidx.at[pl.ds(j * CH, CH)]],
                          ubuf.at[pl.ds(slot * CH, CH)], sems_u[slot]).wait()
    pltpu.make_async_copy(if_hbm.at[iidx.at[pl.ds(j * CH, CH)]],
                          ibuf.at[pl.ds(slot * CH, CH)], sems_i[slot]).wait()

  start(0, 0)
  start(1, 1)

  def chunk_body(j, _):
    nxt = j + 2
    cur = j % 3

    for s in range(3):
      @pl.when(jnp.logical_and(nxt < NCH, (nxt % 3) == s))
      def _(s=s):
        start(nxt, s)

    for s in range(3):
      @pl.when(cur == s)
      def _(s=s):
        drain(j, s)

    _dot_chunk(ubuf, ibuf, outv, xpose, j, cur * CH)
    pltpu.async_copy(outv.at[pl.ds(j * CH, CH)],
                     out_hbm.at[pl.ds(base + j * CH, CH)], sem_o)
    return 0

  lax.fori_loop(0, NCH, chunk_body, 0)

  for j in range(NCH):
    pltpu.make_async_copy(outv.at[pl.ds(j * CH, CH)],
                          out_hbm.at[pl.ds(base + j * CH, CH)], sem_o).wait()


@jax.jit
def kernel(user, item, user_factors, item_factors):
  mesh = plsc.VectorSubcoreMesh(
      core_axis_name="c", subcore_axis_name="s",
      num_cores=NC, num_subcores=NS)
  return pl.kernel(
      _mf_kernel,
      out_type=jax.ShapeDtypeStruct((B,), jnp.float32),
      mesh=mesh,
      compiler_params=pltpu.CompilerParams(needs_layout_passes=False),
      scratch_types=[
          pltpu.VMEM((RPW,), jnp.int32),
          pltpu.VMEM((RPW,), jnp.int32),
          pltpu.VMEM((3 * CH, D), jnp.float32),
          pltpu.VMEM((3 * CH, D), jnp.float32),
          pltpu.VMEM((RPW,), jnp.float32),
          pltpu.VMEM((NBLK, 16, 17), jnp.float32),
          pltpu.SemaphoreType.DMA,
          pltpu.SemaphoreType.DMA,
          pltpu.SemaphoreType.DMA,
          pltpu.SemaphoreType.DMA,
          pltpu.SemaphoreType.DMA,
          pltpu.SemaphoreType.DMA,
          pltpu.SemaphoreType.DMA,
          pltpu.SemaphoreType.DMA,
      ],
  )(user, item, user_factors, item_factors)

# --- scband reference (transcript-rebuilt; emitter-appended) ---
"""Pipeline reference for scband-matrix-factorization-84670985274034 (READ-ONLY COPY).

The authoritative reference and input builder live on the scoring server;
editing this copy changes nothing except your own understanding.
"""

import jax, jax.numpy as jnp
import numpy as np

N_USERS = 100000
N_ITEMS = 100000
N_FACTORS = 128
BATCH = 16384

def setup_inputs(seed: int = 0) -> dict:
    key = jax.random.key(seed)
    k1, k2, k3, k4 = jax.random.split(key, 4)
    user = jax.random.randint(k1, (BATCH,), 0, N_USERS, dtype=jnp.int64 if jax.config.jax_enable_x64 else jnp.int32).astype(jnp.int32)
    item = jax.random.randint(k2, (BATCH,), 0, N_ITEMS, dtype=jnp.int32)
    user_factors = jax.random.normal(k3, (N_USERS, N_FACTORS), dtype=jnp.float32)
    item_factors = jax.random.normal(k4, (N_ITEMS, N_FACTORS), dtype=jnp.float32)
    return {"user": user, "item": item, "user_factors": user_factors, "item_factors": item_factors}

def reference(user, item, user_factors, item_factors):
    # Embedding lookups (gather)
    user_emb = jnp.take(user_factors, user, axis=0)
    item_emb = jnp.take(item_factors, item, axis=0)
    # Dropout is identity at inference (eval mode)
    return (user_emb * item_emb).sum(axis=1)

if __name__ == "__main__":
    import jax
    _d = setup_inputs()
    print(jax.jit(kernel)(*tuple(_d.values())))

</pallas_src>

<mosaic_0001>
#map = affine_map<(d0, d1) -> (0)>
#map1 = affine_map<(d0, d1) -> (0, 0)>
module attributes {stable_mosaic.version = 14 : i64} {
  func.func @_mf_kernel(%arg0: i32, %arg1: i32, %arg2: memref<16384xi32, #tpu.memory_space<hbm>>, %arg3: memref<16384xi32, #tpu.memory_space<hbm>>, %arg4: memref<100000x128xf32, #tpu.memory_space<hbm>>, %arg5: memref<100000x128xf32, #tpu.memory_space<hbm>>, %arg6: memref<16384xf32, #tpu.memory_space<hbm>>, %arg7: memref<512xi32, #tpu.memory_space<vmem>>, %arg8: memref<512xi32, #tpu.memory_space<vmem>>, %arg9: memref<192x128xf32, #tpu.memory_space<vmem>>, %arg10: memref<192x128xf32, #tpu.memory_space<vmem>>, %arg11: memref<512xf32, #tpu.memory_space<vmem>>, %arg12: memref<4x16x17xf32, #tpu.memory_space<vmem>>, %arg13: memref<!tpu.dma_semaphore, #tpu.memory_space<semaphore_mem>>, %arg14: memref<!tpu.dma_semaphore, #tpu.memory_space<semaphore_mem>>, %arg15: memref<!tpu.dma_semaphore, #tpu.memory_space<semaphore_mem>>, %arg16: memref<!tpu.dma_semaphore, #tpu.memory_space<semaphore_mem>>, %arg17: memref<!tpu.dma_semaphore, #tpu.memory_space<semaphore_mem>>, %arg18: memref<!tpu.dma_semaphore, #tpu.memory_space<semaphore_mem>>, %arg19: memref<!tpu.dma_semaphore, #tpu.memory_space<semaphore_mem>>, %arg20: memref<!tpu.dma_semaphore, #tpu.memory_space<semaphore_mem>>) attributes {dimension_semantics = [#tpu.dimension_semantics<core_parallel>, #tpu.dimension_semantics<subcore_parallel>], iteration_bounds = array<i64: 2, 16>, scalar_prefetch = 0 : i64, scratch_operands = 14 : i64, tpu.core_type = #tpu.core_type<sc_vector_subcore>, window_params = [{transform_indices = #map}, {transform_indices = #map}, {transform_indices = #map1}, {transform_indices = #map1}, {transform_indices = #map}]} {
    %mul3A = arith.constant 2 : i32
    %mul3A_0 = arith.muli %arg1, %mul3A : i32
    %add3A = arith.addi %mul3A_0, %arg0 : i32
    %mul3A_1 = arith.constant 512 : i32
    %mul3A_2 = arith.muli %add3A, %mul3A_1 : i32
    %dma_start3A = tpu.memref_slice %arg2[%mul3A_2] : memref<16384xi32, #tpu.memory_space<hbm>> -> memref<512xi32, #tpu.memory_space<hbm>>
    %dma_start3A_3 = tpu.memref_slice %arg2[%mul3A_2] : memref<16384xi32, #tpu.memory_space<hbm>> -> memref<512xi32, #tpu.memory_space<hbm>>
    tpu.enqueue_dma source(%dma_start3A_3 : memref<512xi32, #tpu.memory_space<hbm>>) target(%arg7 : memref<512xi32, #tpu.memory_space<vmem>>) target_semaphore(%arg13 : memref<!tpu.dma_semaphore, #tpu.memory_space<semaphore_mem>>)
    %dma_start3A_4 = tpu.memref_slice %arg3[%mul3A_2] : memref<16384xi32, #tpu.memory_space<hbm>> -> memref<512xi32, #tpu.memory_space<hbm>>
    %dma_start3A_5 = tpu.memref_slice %arg3[%mul3A_2] : memref<16384xi32, #tpu.memory_space<hbm>> -> memref<512xi32, #tpu.memory_space<hbm>>
    tpu.enqueue_dma source(%dma_start3A_5 : memref<512xi32, #tpu.memory_space<hbm>>) target(%arg8 : memref<512xi32, #tpu.memory_space<vmem>>) target_semaphore(%arg13 : memref<!tpu.dma_semaphore, #tpu.memory_space<semaphore_mem>>)
    %dma_wait3A = tpu.memref_slice %arg2[%mul3A_2] : memref<16384xi32, #tpu.memory_space<hbm>> -> memref<512xi32, #tpu.memory_space<hbm>>
    %dma_wait3A_6 = tpu.memref_slice %arg2[%mul3A_2] : memref<16384xi32, #tpu.memory_space<hbm>> -> memref<512xi32, #tpu.memory_space<hbm>>
    tpu.wait_dma2 semaphore(%arg13 : memref<!tpu.dma_semaphore, #tpu.memory_space<semaphore_mem>>) src(%dma_wait3A_6 : memref<512xi32, #tpu.memory_space<hbm>>) dst(%arg7 : memref<512xi32, #tpu.memory_space<vmem>>)
    %dma_wait3A_7 = tpu.memref_slice %arg3[%mul3A_2] : memref<16384xi32, #tpu.memory_space<hbm>> -> memref<512xi32, #tpu.memory_space<hbm>>
    %dma_wait3A_8 = tpu.memref_slice %arg3[%mul3A_2] : memref<16384xi32, #tpu.memory_space<hbm>> -> memref<512xi32, #tpu.memory_space<hbm>>
    tpu.wait_dma2 semaphore(%arg13 : memref<!tpu.dma_semaphore, #tpu.memory_space<semaphore_mem>>) src(%dma_wait3A_8 : memref<512xi32, #tpu.memory_space<hbm>>) dst(%arg8 : memref<512xi32, #tpu.memory_space<vmem>>)
    %dma_start3A_9 = arith.constant 0 : i32
    %dma_start3A_10 = arith.constant 0 : i32
    %dma_start3A_11 = tpu.memref_slice %arg9[%dma_start3A_9, %dma_start3A_10] : memref<192x128xf32, #tpu.memory_space<vmem>> -> memref<64x128xf32, #tpu.memory_space<vmem>>
    %dma_start3A_12 = arith.constant 0 : i32
    %dma_start3A_13 = tpu.memref_slice %arg7[%dma_start3A_12] : memref<512xi32, #tpu.memory_space<vmem>> -> memref<64xi32, #tpu.memory_space<vmem>>
    %dma_start3A_14 = arith.constant 0 : i32
    %dma_start3A_15 = arith.constant 0 : i32
    %dma_start3A_16 = tpu.memref_slice %arg4[%dma_start3A_14, %dma_start3A_15] : memref<100000x128xf32, #tpu.memory_space<hbm>> -> memref<100000x128xf32, #tpu.memory_space<hbm>>
    tpu.enqueue_indirect_dma source(%dma_start3A_16 : memref<100000x128xf32, #tpu.memory_space<hbm>>) target(%dma_start3A_11 : memref<64x128xf32, #tpu.memory_space<vmem>>) offsets(%dma_start3A_13 : memref<64xi32, #tpu.memory_space<vmem>>) semaphore(%arg14 : memref<!tpu.dma_semaphore, #tpu.memory_space<semaphore_mem>>)
    %dma_start3A_17 = arith.constant 0 : i32
    %dma_start3A_18 = arith.constant 0 : i32
    %dma_start3A_19 = tpu.memref_slice %arg10[%dma_start3A_17, %dma_start3A_18] : memref<192x128xf32, #tpu.memory_space<vmem>> -> memref<64x128xf32, #tpu.memory_space<vmem>>
    %dma_start3A_20 = arith.constant 0 : i32
    %dma_start3A_21 = tpu.memref_slice %arg8[%dma_start3A_20] : memref<512xi32, #tpu.memory_space<vmem>> -> memref<64xi32, #tpu.memory_space<vmem>>
    %dma_start3A_22 = arith.constant 0 : i32
    %dma_start3A_23 = arith.constant 0 : i32
    %dma_start3A_24 = tpu.memref_slice %arg5[%dma_start3A_22, %dma_start3A_23] : memref<100000x128xf32, #tpu.memory_space<hbm>> -> memref<100000x128xf32, #tpu.memory_space<hbm>>
    tpu.enqueue_indirect_dma source(%dma_start3A_24 : memref<100000x128xf32, #tpu.memory_space<hbm>>) target(%dma_start3A_19 : memref<64x128xf32, #tpu.memory_space<vmem>>) offsets(%dma_start3A_21 : memref<64xi32, #tpu.memory_space<vmem>>) semaphore(%arg17 : memref<!tpu.dma_semaphore, #tpu.memory_space<semaphore_mem>>)
    %dma_start3A_25 = arith.constant 64 : i32
    %dma_start3A_26 = arith.constant 0 : i32
    %dma_start3A_27 = tpu.memref_slice %arg9[%dma_start3A_25, %dma_start3A_26] : memref<192x128xf32, #tpu.memory_space<vmem>> -> memref<64x128xf32, #tpu.memory_space<vmem>>
    %dma_start3A_28 = arith.constant 64 : i32
    %dma_start3A_29 = tpu.memref_slice %arg7[%dma_start3A_28] : memref<512xi32, #tpu.memory_space<vmem>> -> memref<64xi32, #tpu.memory_space<vmem>>
    %dma_start3A_30 = arith.constant 0 : i32
    %dma_start3A_31 = arith.constant 0 : i32
    %dma_start3A_32 = tpu.memref_slice %arg4[%dma_start3A_30, %dma_start3A_31] : memref<100000x128xf32, #tpu.memory_space<hbm>> -> memref<100000x128xf32, #tpu.memory_space<hbm>>
    tpu.enqueue_indirect_dma source(%dma_start3A_32 : memref<100000x128xf32, #tpu.memory_space<hbm>>) target(%dma_start3A_27 : memref<64x128xf32, #tpu.memory_space<vmem>>) offsets(%dma_start3A_29 : memref<64xi32, #tpu.memory_space<vmem>>) semaphore(%arg15 : memref<!tpu.dma_semaphore, #tpu.memory_space<semaphore_mem>>)
    %dma_start3A_33 = arith.constant 64 : i32
    %dma_start3A_34 = arith.constant 0 : i32
    %dma_start3A_35 = tpu.memref_slice %arg10[%dma_start3A_33, %dma_start3A_34] : memref<192x128xf32, #tpu.memory_space<vmem>> -> memref<64x128xf32, #tpu.memory_space<vmem>>
    %dma_start3A_36 = arith.constant 64 : i32
    %dma_start3A_37 = tpu.memref_slice %arg8[%dma_start3A_36] : memref<512xi32, #tpu.memory_space<vmem>> -> memref<64xi32, #tpu.memory_space<vmem>>
    %dma_start3A_38 = arith.constant 0 : i32
    %dma_start3A_39 = arith.constant 0 : i32
    %dma_start3A_40 = tpu.memref_slice %arg5[%dma_start3A_38, %dma_start3A_39] : memref<100000x128xf32, #tpu.memory_space<hbm>> -> memref<100000x128xf32, #tpu.memory_space<hbm>>
    tpu.enqueue_indirect_dma source(%dma_start3A_40 : memref<100000x128xf32, #tpu.memory_space<hbm>>) target(%dma_start3A_35 : memref<64x128xf32, #tpu.memory_space<vmem>>) offsets(%dma_start3A_37 : memref<64xi32, #tpu.memory_space<vmem>>) semaphore(%arg18 : memref<!tpu.dma_semaphore, #tpu.memory_space<semaphore_mem>>)
    %scan3A = arith.constant 0 : i32
    %scan3A_41 = arith.constant 0 : i32
    %scan3A_42 = arith.constant 8 : i32
    %scan3A_43 = arith.addi %scan3A_41, %scan3A_42 : i32
    %scan3A_44 = arith.constant 1 : i32
    %scan3A_45 = scf.for %scan3A_111 = %scan3A_41 to %scan3A_43 step %scan3A_44 iter_args(%scan3A_112 = %scan3A) -> (i32)  : i32 {
      %add3A_113 = arith.constant 2 : i32
      %add3A_114 = arith.addi %scan3A_111, %add3A_113 : i32
      %jit3A = arith.constant 3 : i32
      %eq3A = arith.constant 0 : i32
      %eq3A_115 = arith.cmpi eq, %jit3A, %eq3A : i32
      %jit3A_116 = arith.constant 1 : i32
      %select_n3A = arith.select %eq3A_115, %jit3A_116, %jit3A : i32
      %rem3A = arith.remsi %scan3A_111, %select_n3A : i32
      %ne3A = arith.constant 0 : i32
      %ne3A_117 = arith.cmpi ne, %rem3A, %ne3A : i32
      %lt3A = arith.constant 0 : i32
      %lt3A_118 = arith.cmpi slt, %rem3A, %lt3A : i32
      %lt3A_119 = arith.constant 0 : i32
      %lt3A_120 = arith.cmpi slt, %select_n3A, %lt3A_119 : i32
      %ne3A_121 = arith.xori %lt3A_118, %lt3A_120 : i1
      %and3A = arith.andi %ne3A_121, %ne3A_117 : i1
      %add3A_122 = arith.addi %rem3A, %select_n3A : i32
      %select_n3A_123 = arith.select %and3A, %add3A_122, %rem3A : i32
      %lt3A_124 = arith.constant 8 : i32
      %lt3A_125 = arith.cmpi slt, %add3A_114, %lt3A_124 : i32
      %jit3A_126 = arith.constant 3 : i32
      %eq3A_127 = arith.constant 0 : i32
      %eq3A_128 = arith.cmpi eq, %jit3A_126, %eq3A_127 : i32
      %jit3A_129 = arith.constant 1 : i32
      %select_n3A_130 = arith.select %eq3A_128, %jit3A_129, %jit3A_126 : i32
      %rem3A_131 = arith.remsi %add3A_114, %select_n3A_130 : i32
      %ne3A_132 = arith.constant 0 : i32
      %ne3A_133 = arith.cmpi ne, %rem3A_131, %ne3A_132 : i32
      %lt3A_134 = arith.constant 0 : i32
      %lt3A_135 = arith.cmpi slt, %rem3A_131, %lt3A_134 : i32
      %lt3A_136 = arith.constant 0 : i32
      %lt3A_137 = arith.cmpi slt, %select_n3A_130, %lt3A_136 : i32
      %ne3A_138 = arith.xori %lt3A_135, %lt3A_137 : i1
      %and3A_139 = arith.andi %ne3A_138, %ne3A_133 : i1
      %add3A_140 = arith.addi %rem3A_131, %select_n3A_130 : i32
      %select_n3A_141 = arith.select %and3A_139, %add3A_140, %rem3A_131 : i32
      %eq3A_142 = arith.constant 0 : i32
      %eq3A_143 = arith.cmpi eq, %select_n3A_141, %eq3A_142 : i32
      %and3A_144 = arith.andi %lt3A_125, %eq3A_143 : i1
      %convert_element_type3A = arith.extui %and3A_144 : i1 to i32
      %cond3A = arith.constant 0 : i32
      %cond3A_145 = arith.cmpi ne, %convert_element_type3A, %cond3A : i32
      scf.if %cond3A_145 {
        %mul3A_223 = arith.constant 64 : i32
        %mul3A_224 = arith.muli %add3A_114, %mul3A_223 : i32
        %dma_start3A_225 = arith.constant 0 : i32
        %dma_start3A_226 = arith.constant 0 : i32
        %dma_start3A_227 = tpu.memref_slice %arg9[%dma_start3A_225, %dma_start3A_226] : memref<192x128xf32, #tpu.memory_space<vmem>> -> memref<64x128xf32, #tpu.memory_space<vmem>>
        %dma_start3A_228 = tpu.memref_slice %arg7[%mul3A_224] : memref<512xi32, #tpu.memory_space<vmem>> -> memref<64xi32, #tpu.memory_space<vmem>>
        %dma_start3A_229 = arith.constant 0 : i32
        %dma_start3A_230 = arith.constant 0 : i32
        %dma_start3A_231 = tpu.memref_slice %arg4[%dma_start3A_229, %dma_start3A_230] : memref<100000x128xf32, #tpu.memory_space<hbm>> -> memref<100000x128xf32, #tpu.memory_space<hbm>>
        tpu.enqueue_indirect_dma source(%dma_start3A_231 : memref<100000x128xf32, #tpu.memory_space<hbm>>) target(%dma_start3A_227 : memref<64x128xf32, #tpu.memory_space<vmem>>) offsets(%dma_start3A_228 : memref<64xi32, #tpu.memory_space<vmem>>) semaphore(%arg14 : memref<!tpu.dma_semaphore, #tpu.memory_space<semaphore_mem>>)
        %mul3A_232 = arith.constant 64 : i32
        %mul3A_233 = arith.muli %add3A_114, %mul3A_232 : i32
        %dma_start3A_234 = arith.constant 0 : i32
        %dma_start3A_235 = arith.constant 0 : i32
        %dma_start3A_236 = tpu.memref_slice %arg10[%dma_start3A_234, %dma_start3A_235] : memref<192x128xf32, #tpu.memory_space<vmem>> -> memref<64x128xf32, #tpu.memory_space<vmem>>
        %dma_start3A_237 = tpu.memref_slice %arg8[%mul3A_233] : memref<512xi32, #tpu.memory_space<vmem>> -> memref<64xi32, #tpu.memory_space<vmem>>
        %dma_start3A_238 = arith.constant 0 : i32
        %dma_start3A_239 = arith.constant 0 : i32
        %dma_start3A_240 = tpu.memref_slice %arg5[%dma_start3A_238, %dma_start3A_239] : memref<100000x128xf32, #tpu.memory_space<hbm>> -> memref<100000x128xf32, #tpu.memory_space<hbm>>
        tpu.enqueue_indirect_dma source(%dma_start3A_240 : memref<100000x128xf32, #tpu.memory_space<hbm>>) target(%dma_start3A_236 : memref<64x128xf32, #tpu.memory_space<vmem>>) offsets(%dma_start3A_237 : memref<64xi32, #tpu.memory_space<vmem>>) semaphore(%arg17 : memref<!tpu.dma_semaphore, #tpu.memory_space<semaphore_mem>>)
      } else {
      }
      %lt3A_146 = arith.constant 8 : i32
      %lt3A_147 = arith.cmpi slt, %add3A_114, %lt3A_146 : i32
      %jit3A_148 = arith.constant 3 : i32
      %eq3A_149 = arith.constant 0 : i32
      %eq3A_150 = arith.cmpi eq, %jit3A_148, %eq3A_149 : i32
      %jit3A_151 = arith.constant 1 : i32
      %select_n3A_152 = arith.select %eq3A_150, %jit3A_151, %jit3A_148 : i32
      %rem3A_153 = arith.remsi %add3A_114, %select_n3A_152 : i32
      %ne3A_154 = arith.constant 0 : i32
      %ne3A_155 = arith.cmpi ne, %rem3A_153, %ne3A_154 : i32
      %lt3A_156 = arith.constant 0 : i32
      %lt3A_157 = arith.cmpi slt, %rem3A_153, %lt3A_156 : i32
      %lt3A_158 = arith.constant 0 : i32
      %lt3A_159 = arith.cmpi slt, %select_n3A_152, %lt3A_158 : i32
      %ne3A_160 = arith.xori %lt3A_157, %lt3A_159 : i1
      %and3A_161 = arith.andi %ne3A_160, %ne3A_155 : i1
      %add3A_162 = arith.addi %rem3A_153, %select_n3A_152 : i32
      %select_n3A_163 = arith.select %and3A_161, %add3A_162, %rem3A_153 : i32
      %eq3A_164 = arith.constant 1 : i32
      %eq3A_165 = arith.cmpi eq, %select_n3A_163, %eq3A_164 : i32
      %and3A_166 = arith.andi %lt3A_147, %eq3A_165 : i1
      %convert_element_type3A_167 = arith.extui %and3A_166 : i1 to i32
      %cond3A_168 = arith.constant 0 : i32
      %cond3A_169 = arith.cmpi ne, %convert_element_type3A_167, %cond3A_168 : i32
      scf.if %cond3A_169 {
        %mul3A_223 = arith.constant 64 : i32
        %mul3A_224 = arith.muli %add3A_114, %mul3A_223 : i32
        %dma_start3A_225 = arith.constant 64 : i32
        %dma_start3A_226 = arith.constant 0 : i32
        %dma_start3A_227 = tpu.memref_slice %arg9[%dma_start3A_225, %dma_start3A_226] : memref<192x128xf32, #tpu.memory_space<vmem>> -> memref<64x128xf32, #tpu.memory_space<vmem>>
        %dma_start3A_228 = tpu.memref_slice %arg7[%mul3A_224] : memref<512xi32, #tpu.memory_space<vmem>> -> memref<64xi32, #tpu.memory_space<vmem>>
        %dma_start3A_229 = arith.constant 0 : i32
        %dma_start3A_230 = arith.constant 0 : i32
        %dma_start3A_231 = tpu.memref_slice %arg4[%dma_start3A_229, %dma_start3A_230] : memref<100000x128xf32, #tpu.memory_space<hbm>> -> memref<100000x128xf32, #tpu.memory_space<hbm>>
        tpu.enqueue_indirect_dma source(%dma_start3A_231 : memref<100000x128xf32, #tpu.memory_space<hbm>>) target(%dma_start3A_227 : memref<64x128xf32, #tpu.memory_space<vmem>>) offsets(%dma_start3A_228 : memref<64xi32, #tpu.memory_space<vmem>>) semaphore(%arg15 : memref<!tpu.dma_semaphore, #tpu.memory_space<semaphore_mem>>)
        %mul3A_232 = arith.constant 64 : i32
        %mul3A_233 = arith.muli %add3A_114, %mul3A_232 : i32
        %dma_start3A_234 = arith.constant 64 : i32
        %dma_start3A_235 = arith.constant 0 : i32
        %dma_start3A_236 = tpu.memref_slice %arg10[%dma_start3A_234, %dma_start3A_235] : memref<192x128xf32, #tpu.memory_space<vmem>> -> memref<64x128xf32, #tpu.memory_space<vmem>>
        %dma_start3A_237 = tpu.memref_slice %arg8[%mul3A_233] : memref<512xi32, #tpu.memory_space<vmem>> -> memref<64xi32, #tpu.memory_space<vmem>>
        %dma_start3A_238 = arith.constant 0 : i32
        %dma_start3A_239 = arith.constant 0 : i32
        %dma_start3A_240 = tpu.memref_slice %arg5[%dma_start3A_238, %dma_start3A_239] : memref<100000x128xf32, #tpu.memory_space<hbm>> -> memref<100000x128xf32, #tpu.memory_space<hbm>>
        tpu.enqueue_indirect_dma source(%dma_start3A_240 : memref<100000x128xf32, #tpu.memory_space<hbm>>) target(%dma_start3A_236 : memref<64x128xf32, #tpu.memory_space<vmem>>) offsets(%dma_start3A_237 : memref<64xi32, #tpu.memory_space<vmem>>) semaphore(%arg18 : memref<!tpu.dma_semaphore, #tpu.memory_space<semaphore_mem>>)
      } else {
      }
      %lt3A_170 = arith.constant 8 : i32
      %lt3A_171 = arith.cmpi slt, %add3A_114, %lt3A_170 : i32
      %jit3A_172 = arith.constant 3 : i32
      %eq3A_173 = arith.constant 0 : i32
      %eq3A_174 = arith.cmpi eq, %jit3A_172, %eq3A_173 : i32
      %jit3A_175 = arith.constant 1 : i32
      %select_n3A_176 = arith.select %eq3A_174, %jit3A_175, %jit3A_172 : i32
      %rem3A_177 = arith.remsi %add3A_114, %select_n3A_176 : i32
      %ne3A_178 = arith.constant 0 : i32
      %ne3A_179 = arith.cmpi ne, %rem3A_177, %ne3A_178 : i32
      %lt3A_180 = arith.constant 0 : i32
      %lt3A_181 = arith.cmpi slt, %rem3A_177, %lt3A_180 : i32
      %lt3A_182 = arith.constant 0 : i32
      %lt3A_183 = arith.cmpi slt, %select_n3A_176, %lt3A_182 : i32
      %ne3A_184 = arith.xori %lt3A_181, %lt3A_183 : i1
      %and3A_185 = arith.andi %ne3A_184, %ne3A_179 : i1
      %add3A_186 = arith.addi %rem3A_177, %select_n3A_176 : i32
      %select_n3A_187 = arith.select %and3A_185, %add3A_186, %rem3A_177 : i32
      %eq3A_188 = arith.constant 2 : i32
      %eq3A_189 = arith.cmpi eq, %select_n3A_187, %eq3A_188 : i32
      %and3A_190 = arith.andi %lt3A_171, %eq3A_189 : i1
      %convert_element_type3A_191 = arith.extui %and3A_190 : i1 to i32
      %cond3A_192 = arith.constant 0 : i32
      %cond3A_193 = arith.cmpi ne, %convert_element_type3A_191, %cond3A_192 : i32
      scf.if %cond3A_193 {
        %mul3A_223 = arith.constant 64 : i32
        %mul3A_224 = arith.muli %add3A_114, %mul3A_223 : i32
        %dma_start3A_225 = arith.constant 128 : i32
        %dma_start3A_226 = arith.constant 0 : i32
        %dma_start3A_227 = tpu.memref_slice %arg9[%dma_start3A_225, %dma_start3A_226] : memref<192x128xf32, #tpu.memory_space<vmem>> -> memref<64x128xf32, #tpu.memory_space<vmem>>
        %dma_start3A_228 = tpu.memref_slice %arg7[%mul3A_224] : memref<512xi32, #tpu.memory_space<vmem>> -> memref<64xi32, #tpu.memory_space<vmem>>
        %dma_start3A_229 = arith.constant 0 : i32
        %dma_start3A_230 = arith.constant 0 : i32
        %dma_start3A_231 = tpu.memref_slice %arg4[%dma_start3A_229, %dma_start3A_230] : memref<100000x128xf32, #tpu.memory_space<hbm>> -> memref<100000x128xf32, #tpu.memory_space<hbm>>
        tpu.enqueue_indirect_dma source(%dma_start3A_231 : memref<100000x128xf32, #tpu.memory_space<hbm>>) target(%dma_start3A_227 : memref<64x128xf32, #tpu.memory_space<vmem>>) offsets(%dma_start3A_228 : memref<64xi32, #tpu.memory_space<vmem>>) semaphore(%arg16 : memref<!tpu.dma_semaphore, #tpu.memory_space<semaphore_mem>>)
        %mul3A_232 = arith.constant 64 : i32
        %mul3A_233 = arith.muli %add3A_114, %mul3A_232 : i32
        %dma_start3A_234 = arith.constant 128 : i32
        %dma_start3A_235 = arith.constant 0 : i32
        %dma_start3A_236 = tpu.memref_slice %arg10[%dma_start3A_234, %dma_start3A_235] : memref<192x128xf32, #tpu.memory_space<vmem>> -> memref<64x128xf32, #tpu.memory_space<vmem>>
        %dma_start3A_237 = tpu.memref_slice %arg8[%mul3A_233] : memref<512xi32, #tpu.memory_space<vmem>> -> memref<64xi32, #tpu.memory_space<vmem>>
        %dma_start3A_238 = arith.constant 0 : i32
        %dma_start3A_239 = arith.constant 0 : i32
        %dma_start3A_240 = tpu.memref_slice %arg5[%dma_start3A_238, %dma_start3A_239] : memref<100000x128xf32, #tpu.memory_space<hbm>> -> memref<100000x128xf32, #tpu.memory_space<hbm>>
        tpu.enqueue_indirect_dma source(%dma_start3A_240 : memref<100000x128xf32, #tpu.memory_space<hbm>>) target(%dma_start3A_236 : memref<64x128xf32, #tpu.memory_space<vmem>>) offsets(%dma_start3A_237 : memref<64xi32, #tpu.memory_space<vmem>>) semaphore(%arg19 : memref<!tpu.dma_semaphore, #tpu.memory_space<semaphore_mem>>)
      } else {
      }
      %eq3A_194 = arith.constant 0 : i32
      %eq3A_195 = arith.cmpi eq, %select_n3A_123, %eq3A_194 : i32
      %convert_element_type3A_196 = arith.extui %eq3A_195 : i1 to i32
      %cond3A_197 = arith.constant 0 : i32
      %cond3A_198 = arith.cmpi ne, %convert_element_type3A_196, %cond3A_197 : i32
      scf.if %cond3A_198 {
        %mul3A_223 = arith.constant 64 : i32
        %mul3A_224 = arith.muli %scan3A_111, %mul3A_223 : i32
        %dma_wait3A_225 = arith.constant 0 : i32
        %dma_wait3A_226 = arith.constant 0 : i32
        %dma_wait3A_227 = tpu.memref_slice %arg9[%dma_wait3A_225, %dma_wait3A_226] : memref<192x128xf32, #tpu.memory_space<vmem>> -> memref<64x128xf32, #tpu.memory_space<vmem>>
        %dma_wait3A_228 = tpu.memref_slice %arg7[%mul3A_224] : memref<512xi32, #tpu.memory_space<vmem>> -> memref<64xi32, #tpu.memory_space<vmem>>
        %dma_wait3A_229 = arith.constant 0 : i32
        %dma_wait3A_230 = arith.constant 0 : i32
        %dma_wait3A_231 = tpu.memref_slice %arg4[%dma_wait3A_229, %dma_wait3A_230] : memref<100000x128xf32, #tpu.memory_space<hbm>> -> memref<100000x128xf32, #tpu.memory_space<hbm>>
        tpu.wait_indirect_dma semaphore(%arg14 : memref<!tpu.dma_semaphore, #tpu.memory_space<semaphore_mem>>) src(%dma_wait3A_231 : memref<100000x128xf32, #tpu.memory_space<hbm>>) dst(%dma_wait3A_227 : memref<64x128xf32, #tpu.memory_space<vmem>>)
        %mul3A_232 = arith.constant 64 : i32
        %mul3A_233 = arith.muli %scan3A_111, %mul3A_232 : i32
        %dma_wait3A_234 = arith.constant 0 : i32
        %dma_wait3A_235 = arith.constant 0 : i32
        %dma_wait3A_236 = tpu.memref_slice %arg10[%dma_wait3A_234, %dma_wait3A_235] : memref<192x128xf32, #tpu.memory_space<vmem>> -> memref<64x128xf32, #tpu.memory_space<vmem>>
        %dma_wait3A_237 = tpu.memref_slice %arg8[%mul3A_233] : memref<512xi32, #tpu.memory_space<vmem>> -> memref<64xi32, #tpu.memory_space<vmem>>
        %dma_wait3A_238 = arith.constant 0 : i32
        %dma_wait3A_239 = arith.constant 0 : i32
        %dma_wait3A_240 = tpu.memref_slice %arg5[%dma_wait3A_238, %dma_wait3A_239] : memref<100000x128xf32, #tpu.memory_space<hbm>> -> memref<100000x128xf32, #tpu.memory_space<hbm>>
        tpu.wait_indirect_dma semaphore(%arg17 : memref<!tpu.dma_semaphore, #tpu.memory_space<semaphore_mem>>) src(%dma_wait3A_240 : memref<100000x128xf32, #tpu.memory_space<hbm>>) dst(%dma_wait3A_236 : memref<64x128xf32, #tpu.memory_space<vmem>>)
      } else {
      }
      %eq3A_199 = arith.constant 1 : i32
      %eq3A_200 = arith.cmpi eq, %select_n3A_123, %eq3A_199 : i32
      %convert_element_type3A_201 = arith.extui %eq3A_200 : i1 to i32
      %cond3A_202 = arith.constant 0 : i32
      %cond3A_203 = arith.cmpi ne, %convert_element_type3A_201, %cond3A_202 : i32
      scf.if %cond3A_203 {
        %mul3A_223 = arith.constant 64 : i32
        %mul3A_224 = arith.muli %scan3A_111, %mul3A_223 : i32
        %dma_wait3A_225 = arith.constant 64 : i32
        %dma_wait3A_226 = arith.constant 0 : i32
        %dma_wait3A_227 = tpu.memref_slice %arg9[%dma_wait3A_225, %dma_wait3A_226] : memref<192x128xf32, #tpu.memory_space<vmem>> -> memref<64x128xf32, #tpu.memory_space<vmem>>
        %dma_wait3A_228 = tpu.memref_slice %arg7[%mul3A_224] : memref<512xi32, #tpu.memory_space<vmem>> -> memref<64xi32, #tpu.memory_space<vmem>>
        %dma_wait3A_229 = arith.constant 0 : i32
        %dma_wait3A_230 = arith.constant 0 : i32
        %dma_wait3A_231 = tpu.memref_slice %arg4[%dma_wait3A_229, %dma_wait3A_230] : memref<100000x128xf32, #tpu.memory_space<hbm>> -> memref<100000x128xf32, #tpu.memory_space<hbm>>
        tpu.wait_indirect_dma semaphore(%arg15 : memref<!tpu.dma_semaphore, #tpu.memory_space<semaphore_mem>>) src(%dma_wait3A_231 : memref<100000x128xf32, #tpu.memory_space<hbm>>) dst(%dma_wait3A_227 : memref<64x128xf32, #tpu.memory_space<vmem>>)
        %mul3A_232 = arith.constant 64 : i32
        %mul3A_233 = arith.muli %scan3A_111, %mul3A_232 : i32
        %dma_wait3A_234 = arith.constant 64 : i32
        %dma_wait3A_235 = arith.constant 0 : i32
        %dma_wait3A_236 = tpu.memref_slice %arg10[%dma_wait3A_234, %dma_wait3A_235] : memref<192x128xf32, #tpu.memory_space<vmem>> -> memref<64x128xf32, #tpu.memory_space<vmem>>
        %dma_wait3A_237 = tpu.memref_slice %arg8[%mul3A_233] : memref<512xi32, #tpu.memory_space<vmem>> -> memref<64xi32, #tpu.memory_space<vmem>>
        %dma_wait3A_238 = arith.constant 0 : i32
        %dma_wait3A_239 = arith.constant 0 : i32
        %dma_wait3A_240 = tpu.memref_slice %arg5[%dma_wait3A_238, %dma_wait3A_239] : memref<100000x128xf32, #tpu.memory_space<hbm>> -> memref<100000x128xf32, #tpu.memory_space<hbm>>
        tpu.wait_indirect_dma semaphore(%arg18 : memref<!tpu.dma_semaphore, #tpu.memory_space<semaphore_mem>>) src(%dma_wait3A_240 : memref<100000x128xf32, #tpu.memory_space<hbm>>) dst(%dma_wait3A_236 : memref<64x128xf32, #tpu.memory_space<vmem>>)
      } else {
      }
      %eq3A_204 = arith.constant 2 : i32
      %eq3A_205 = arith.cmpi eq, %select_n3A_123, %eq3A_204 : i32
      %convert_element_type3A_206 = arith.extui %eq3A_205 : i1 to i32
      %cond3A_207 = arith.constant 0 : i32
      %cond3A_208 = arith.cmpi ne, %convert_element_type3A_206, %cond3A_207 : i32
      scf.if %cond3A_208 {
        %mul3A_223 = arith.constant 64 : i32
        %mul3A_224 = arith.muli %scan3A_111, %mul3A_223 : i32
        %dma_wait3A_225 = arith.constant 128 : i32
        %dma_wait3A_226 = arith.constant 0 : i32
        %dma_wait3A_227 = tpu.memref_slice %arg9[%dma_wait3A_225, %dma_wait3A_226] : memref<192x128xf32, #tpu.memory_space<vmem>> -> memref<64x128xf32, #tpu.memory_space<vmem>>
        %dma_wait3A_228 = tpu.memref_slice %arg7[%mul3A_224] : memref<512xi32, #tpu.memory_space<vmem>> -> memref<64xi32, #tpu.memory_space<vmem>>
        %dma_wait3A_229 = arith.constant 0 : i32
        %dma_wait3A_230 = arith.constant 0 : i32
        %dma_wait3A_231 = tpu.memref_slice %arg4[%dma_wait3A_229, %dma_wait3A_230] : memref<100000x128xf32, #tpu.memory_space<hbm>> -> memref<100000x128xf32, #tpu.memory_space<hbm>>
        tpu.wait_indirect_dma semaphore(%arg16 : memref<!tpu.dma_semaphore, #tpu.memory_space<semaphore_mem>>) src(%dma_wait3A_231 : memref<100000x128xf32, #tpu.memory_space<hbm>>) dst(%dma_wait3A_227 : memref<64x128xf32, #tpu.memory_space<vmem>>)
        %mul3A_232 = arith.constant 64 : i32
        %mul3A_233 = arith.muli %scan3A_111, %mul3A_232 : i32
        %dma_wait3A_234 = arith.constant 128 : i32
        %dma_wait3A_235 = arith.constant 0 : i32
        %dma_wait3A_236 = tpu.memref_slice %arg10[%dma_wait3A_234, %dma_wait3A_235] : memref<192x128xf32, #tpu.memory_space<vmem>> -> memref<64x128xf32, #tpu.memory_space<vmem>>
        %dma_wait3A_237 = tpu.memref_slice %arg8[%mul3A_233] : memref<512xi32, #tpu.memory_space<vmem>> -> memref<64xi32, #tpu.memory_space<vmem>>
        %dma_wait3A_238 = arith.constant 0 : i32
        %dma_wait3A_239 = arith.constant 0 : i32
        %dma_wait3A_240 = tpu.memref_slice %arg5[%dma_wait3A_238, %dma_wait3A_239] : memref<100000x128xf32, #tpu.memory_space<hbm>> -> memref<100000x128xf32, #tpu.memory_space<hbm>>
        tpu.wait_indirect_dma semaphore(%arg19 : memref<!tpu.dma_semaphore, #tpu.memory_space<semaphore_mem>>) src(%dma_wait3A_240 : memref<100000x128xf32, #tpu.memory_space<hbm>>) dst(%dma_wait3A_236 : memref<64x128xf32, #tpu.memory_space<vmem>>)
      } else {
      }
      %mul3A_209 = arith.constant 64 : i32
      %mul3A_210 = arith.muli %select_n3A_123, %mul3A_209 : i32
      %parallel_loop3A = arith.constant 0 : i32
      %parallel_loop3A_211 = arith.constant 4 : i32
      %parallel_loop3A_212 = arith.constant 1 : i32
      scf.for %parallel_loop3A_223 = %parallel_loop3A to %parallel_loop3A_211 step %parallel_loop3A_212  : i32 {
        %parallel_loop3A_224 = tpu.iota {dimensions = array<i32: 0>} : vector<16xi32>
        %parallel_loop3A_225 = vector.broadcast %parallel_loop3A_223 : i32 to vector<16xi32>
        %parallel_loop3A_226 = arith.constant 16 : i32
        %parallel_loop3A_227 = arith.muli %parallel_loop3A_223, %parallel_loop3A_226 : i32
        %parallel_loop3A_228 = arith.addi %mul3A_210, %parallel_loop3A_227 : i32
        %parallel_loop3A_229 = arith.constant 0 : i32
        %parallel_loop3A_230 = arith.addi %parallel_loop3A_228, %parallel_loop3A_229 : i32
        %parallel_loop3A_231 = arith.index_cast %parallel_loop3A_230 : i32 to index
        %parallel_loop3A_232 = arith.constant 0 : index
        %parallel_loop3A_233 = tpu.vector_load %arg9[%parallel_loop3A_231, %parallel_loop3A_232] {strides = array<i32>} : memref<192x128xf32, #tpu.memory_space<vmem>>, vector<16xf32>,
        %parallel_loop3A_234 = arith.index_cast %parallel_loop3A_230 : i32 to index
        %parallel_loop3A_235 = arith.constant 0 : index
        %parallel_loop3A_236 = tpu.vector_load %arg10[%parallel_loop3A_234, %parallel_loop3A_235] {strides = array<i32>} : memref<192x128xf32, #tpu.memory_space<vmem>>, vector<16xf32>,
        %parallel_loop3A_237 = arith.mulf %parallel_loop3A_233, %parallel_loop3A_236 : vector<16xf32>
        %parallel_loop3A_238 = arith.index_cast %parallel_loop3A_230 : i32 to index
        %parallel_loop3A_239 = arith.constant 16 : index
        %parallel_loop3A_240 = tpu.vector_load %arg9[%parallel_loop3A_238, %parallel_loop3A_239] {strides = array<i32>} : memref<192x128xf32, #tpu.memory_space<vmem>>, vector<16xf32>,
        %parallel_loop3A_241 = arith.index_cast %parallel_loop3A_230 : i32 to index
        %parallel_loop3A_242 = arith.constant 16 : index
        %parallel_loop3A_243 = tpu.vector_load %arg10[%parallel_loop3A_241, %parallel_loop3A_242] {strides = array<i32>} : memref<192x128xf32, #tpu.memory_space<vmem>>, vector<16xf32>,
        %parallel_loop3A_244 = arith.mulf %parallel_loop3A_240, %parallel_loop3A_243 : vector<16xf32>
        %parallel_loop3A_245 = arith.addf %parallel_loop3A_237, %parallel_loop3A_244 : vector<16xf32>
        %parallel_loop3A_246 = arith.index_cast %parallel_loop3A_230 : i32 to index
        %parallel_loop3A_247 = arith.constant 32 : index
        %parallel_loop3A_248 = tpu.vector_load %arg9[%parallel_loop3A_246, %parallel_loop3A_247] {strides = array<i32>} : memref<192x128xf32, #tpu.memory_space<vmem>>, vector<16xf32>,
        %parallel_loop3A_249 = arith.index_cast %parallel_loop3A_230 : i32 to index
        %parallel_loop3A_250 = arith.constant 32 : index
        %parallel_loop3A_251 = tpu.vector_load %arg10[%parallel_loop3A_249, %parallel_loop3A_250] {strides = array<i32>} : memref<192x128xf32, #tpu.memory_space<vmem>>, vector<16xf32>,
        %parallel_loop3A_252 = arith.mulf %parallel_loop3A_248, %parallel_loop3A_251 : vector<16xf32>
        %parallel_loop3A_253 = arith.addf %parallel_loop3A_245, %parallel_loop3A_252 : vector<16xf32>
        %parallel_loop3A_254 = arith.index_cast %parallel_loop3A_230 : i32 to index
        %parallel_loop3A_255 = arith.constant 48 : index
        %parallel_loop3A_256 = tpu.vector_load %arg9[%parallel_loop3A_254, %parallel_loop3A_255] {strides = array<i32>} : memref<192x128xf32, #tpu.memory_space<vmem>>, vector<16xf32>,
        %parallel_loop3A_257 = arith.index_cast %parallel_loop3A_230 : i32 to index
        %parallel_loop3A_258 = arith.constant 48 : index
        %parallel_loop3A_259 = tpu.vector_load %arg10[%parallel_loop3A_257, %parallel_loop3A_258] {strides = array<i32>} : memref<192x128xf32, #tpu.memory_space<vmem>>, vector<16xf32>,
        %parallel_loop3A_260 = arith.mulf %parallel_loop3A_256, %parallel_loop3A_259 : vector<16xf32>
        %parallel_loop3A_261 = arith.addf %parallel_loop3A_253, %parallel_loop3A_260 : vector<16xf32>
        %parallel_loop3A_262 = arith.index_cast %parallel_loop3A_230 : i32 to index
        %parallel_loop3A_263 = arith.constant 64 : index
        %parallel_loop3A_264 = tpu.vector_load %arg9[%parallel_loop3A_262, %parallel_loop3A_263] {strides = array<i32>} : memref<192x128xf32, #tpu.memory_space<vmem>>, vector<16xf32>,
        %parallel_loop3A_265 = arith.index_cast %parallel_loop3A_230 : i32 to index
        %parallel_loop3A_266 = arith.constant 64 : index
        %parallel_loop3A_267 = tpu.vector_load %arg10[%parallel_loop3A_265, %parallel_loop3A_266] {strides = array<i32>} : memref<192x128xf32, #tpu.memory_space<vmem>>, vector<16xf32>,
        %parallel_loop3A_268 = arith.mulf %parallel_loop3A_264, %parallel_loop3A_267 : vector<16xf32>
        %parallel_loop3A_269 = arith.addf %parallel_loop3A_261, %parallel_loop3A_268 : vector<16xf32>
        %parallel_loop3A_270 = arith.index_cast %parallel_loop3A_230 : i32 to index
        %parallel_loop3A_271 = arith.constant 80 : index
        %parallel_loop3A_272 = tpu.vector_load %arg9[%parallel_loop3A_270, %parallel_loop3A_271] {strides = array<i32>} : memref<192x128xf32, #tpu.memory_space<vmem>>, vector<16xf32>,
        %parallel_loop3A_273 = arith.index_cast %parallel_loop3A_230 : i32 to index
        %parallel_loop3A_274 = arith.constant 80 : index
        %parallel_loop3A_275 = tpu.vector_load %arg10[%parallel_loop3A_273, %parallel_loop3A_274] {strides = array<i32>} : memref<192x128xf32, #tpu.memory_space<vmem>>, vector<16xf32>,
        %parallel_loop3A_276 = arith.mulf %parallel_loop3A_272, %parallel_loop3A_275 : vector<16xf32>
        %parallel_loop3A_277 = arith.addf %parallel_loop3A_269, %parallel_loop3A_276 : vector<16xf32>
        %parallel_loop3A_278 = arith.index_cast %parallel_loop3A_230 : i32 to index
        %parallel_loop3A_279 = arith.constant 96 : index
        %parallel_loop3A_280 = tpu.vector_load %arg9[%parallel_loop3A_278, %parallel_loop3A_279] {strides = array<i32>} : memref<192x128xf32, #tpu.memory_space<vmem>>, vector<16xf32>,
        %parallel_loop3A_281 = arith.index_cast %parallel_loop3A_230 : i32 to index
        %parallel_loop3A_282 = arith.constant 96 : index
        %parallel_loop3A_283 = tpu.vector_load %arg10[%parallel_loop3A_281, %parallel_loop3A_282] {strides = array<i32>} : memref<192x128xf32, #tpu.memory_space<vmem>>, vector<16xf32>,
        %parallel_loop3A_284 = arith.mulf %parallel_loop3A_280, %parallel_loop3A_283 : vector<16xf32>
        %parallel_loop3A_285 = arith.addf %parallel_loop3A_277, %parallel_loop3A_284 : vector<16xf32>
        %parallel_loop3A_286 = arith.index_cast %parallel_loop3A_230 : i32 to index
        %parallel_loop3A_287 = arith.constant 112 : index
        %parallel_loop3A_288 = tpu.vector_load %arg9[%parallel_loop3A_286, %parallel_loop3A_287] {strides = array<i32>} : memref<192x128xf32, #tpu.memory_space<vmem>>, vector<16xf32>,
        %parallel_loop3A_289 = arith.index_cast %parallel_loop3A_230 : i32 to index
        %parallel_loop3A_290 = arith.constant 112 : index
        %parallel_loop3A_291 = tpu.vector_load %arg10[%parallel_loop3A_289, %parallel_loop3A_290] {strides = array<i32>} : memref<192x128xf32, #tpu.memory_space<vmem>>, vector<16xf32>,
        %parallel_loop3A_292 = arith.mulf %parallel_loop3A_288, %parallel_loop3A_291 : vector<16xf32>
        %parallel_loop3A_293 = arith.addf %parallel_loop3A_285, %parallel_loop3A_292 : vector<16xf32>
        %parallel_loop3A_294 = arith.constant 0 : i32
        %parallel_loop3A_295 = arith.index_cast %parallel_loop3A_223 : i32 to index
        %parallel_loop3A_296 = arith.index_cast %parallel_loop3A_294 : i32 to index
        %parallel_loop3A_297 = arith.constant 0 : index
        %parallel_loop3A_298 = tpu.vector_load %arg12[%parallel_loop3A_295, %parallel_loop3A_296, %parallel_loop3A_297] {strides = array<i32>} : memref<4x16x17xf32, #tpu.memory_space<vmem>>, vector<16xf32>,
        tpu.vector_store %arg12[%parallel_loop3A_295, %parallel_loop3A_296, %parallel_loop3A_297], %parallel_loop3A_293 {strides = array<i32>} : memref<4x16x17xf32, #tpu.memory_space<vmem>>, vector<16xf32>,
        %parallel_loop3A_299 = arith.constant 16 : i32
        %parallel_loop3A_300 = arith.muli %parallel_loop3A_223, %parallel_loop3A_299 : i32
        %parallel_loop3A_301 = arith.addi %mul3A_210, %parallel_loop3A_300 : i32
        %parallel_loop3A_302 = arith.constant 1 : i32
        %parallel_loop3A_303 = arith.addi %parallel_loop3A_301, %parallel_loop3A_302 : i32
        %parallel_loop3A_304 = arith.index_cast %parallel_loop3A_303 : i32 to index
        %parallel_loop3A_305 = arith.constant 0 : index
        %parallel_loop3A_306 = tpu.vector_load %arg9[%parallel_loop3A_304, %parallel_loop3A_305] {strides = array<i32>} : memref<192x128xf32, #tpu.memory_space<vmem>>, vector<16xf32>,
        %parallel_loop3A_307 = arith.index_cast %parallel_loop3A_303 : i32 to index
        %parallel_loop3A_308 = arith.constant 0 : index
        %parallel_loop3A_309 = tpu.vector_load %arg10[%parallel_loop3A_307, %parallel_loop3A_308] {strides = array<i32>} : memref<192x128xf32, #tpu.memory_space<vmem>>, vector<16xf32>,
        %parallel_loop3A_310 = arith.mulf %parallel_loop3A_306, %parallel_loop3A_309 : vector<16xf32>
        %parallel_loop3A_311 = arith.index_cast %parallel_loop3A_303 : i32 to index
        %parallel_loop3A_312 = arith.constant 16 : index
        %parallel_loop3A_313 = tpu.vector_load %arg9[%parallel_loop3A_311, %parallel_loop3A_312] {strides = array<i32>} : memref<192x128xf32, #tpu.memory_space<vmem>>, vector<16xf32>,
        %parallel_loop3A_314 = arith.index_cast %parallel_loop3A_303 : i32 to index
        %parallel_loop3A_315 = arith.constant 16 : index
        %parallel_loop3A_316 = tpu.vector_load %arg10[%parallel_loop3A_314, %parallel_loop3A_315] {strides = array<i32>} : memref<192x128xf32, #tpu.memory_space<vmem>>, vector<16xf32>,
        %parallel_loop3A_317 = arith.mulf %parallel_loop3A_313, %parallel_loop3A_316 : vector<16xf32>
        %parallel_loop3A_318 = arith.addf %parallel_loop3A_310, %parallel_loop3A_317 : vector<16xf32>
        %parallel_loop3A_319 = arith.index_cast %parallel_loop3A_303 : i32 to index
        %parallel_loop3A_320 = arith.constant 32 : index
        %parallel_loop3A_321 = tpu.vector_load %arg9[%parallel_loop3A_319, %parallel_loop3A_320] {strides = array<i32>} : memref<192x128xf32, #tpu.memory_space<vmem>>, vector<16xf32>,
        %parallel_loop3A_322 = arith.index_cast %parallel_loop3A_303 : i32 to index
        %parallel_loop3A_323 = arith.constant 32 : index
        %parallel_loop3A_324 = tpu.vector_load %arg10[%parallel_loop3A_322, %parallel_loop3A_323] {strides = array<i32>} : memref<192x128xf32, #tpu.memory_space<vmem>>, vector<16xf32>,
        %parallel_loop3A_325 = arith.mulf %parallel_loop3A_321, %parallel_loop3A_324 : vector<16xf32>
        %parallel_loop3A_326 = arith.addf %parallel_loop3A_318, %parallel_loop3A_325 : vector<16xf32>
        %parallel_loop3A_327 = arith.index_cast %parallel_loop3A_303 : i32 to index
        %parallel_loop3A_328 = arith.constant 48 : index
        %parallel_loop3A_329 = tpu.vector_load %arg9[%parallel_loop3A_327, %parallel_loop3A_328] {strides = array<i32>} : memref<192x128xf32, #tpu.memory_space<vmem>>, vector<16xf32>,
        %parallel_loop3A_330 = arith.index_cast %parallel_loop3A_303 : i32 to index
        %parallel_loop3A_331 = arith.constant 48 : index
        %parallel_loop3A_332 = tpu.vector_load %arg10[%parallel_loop3A_330, %parallel_loop3A_331] {strides = array<i32>} : memref<192x128xf32, #tpu.memory_space<vmem>>, vector<16xf32>,
        %parallel_loop3A_333 = arith.mulf %parallel_loop3A_329, %parallel_loop3A_332 : vector<16xf32>
        %parallel_loop3A_334 = arith.addf %parallel_loop3A_326, %parallel_loop3A_333 : vector<16xf32>
        %parallel_loop3A_335 = arith.index_cast %parallel_loop3A_303 : i32 to index
        %parallel_loop3A_336 = arith.constant 64 : index
        %parallel_loop3A_337 = tpu.vector_load %arg9[%parallel_loop3A_335, %parallel_loop3A_336] {strides = array<i32>} : memref<192x128xf32, #tpu.memory_space<vmem>>, vector<16xf32>,
        %parallel_loop3A_338 = arith.index_cast %parallel_loop3A_303 : i32 to index
        %parallel_loop3A_339 = arith.constant 64 : index
        %parallel_loop3A_340 = tpu.vector_load %arg10[%parallel_loop3A_338, %parallel_loop3A_339] {strides = array<i32>} : memref<192x128xf32, #tpu.memory_space<vmem>>, vector<16xf32>,
        %parallel_loop3A_341 = arith.mulf %parallel_loop3A_337, %parallel_loop3A_340 : vector<16xf32>
        %parallel_loop3A_342 = arith.addf %parallel_loop3A_334, %parallel_loop3A_341 : vector<16xf32>
        %parallel_loop3A_343 = arith.index_cast %parallel_loop3A_303 : i32 to index
        %parallel_loop3A_344 = arith.constant 80 : index
        %parallel_loop3A_345 = tpu.vector_load %arg9[%parallel_loop3A_343, %parallel_loop3A_344] {strides = array<i32>} : memref<192x128xf32, #tpu.memory_space<vmem>>, vector<16xf32>,
        %parallel_loop3A_346 = arith.index_cast %parallel_loop3A_303 : i32 to index
        %parallel_loop3A_347 = arith.constant 80 : index
        %parallel_loop3A_348 = tpu.vector_load %arg10[%parallel_loop3A_346, %parallel_loop3A_347] {strides = array<i32>} : memref<192x128xf32, #tpu.memory_space<vmem>>, vector<16xf32>,
        %parallel_loop3A_349 = arith.mulf %parallel_loop3A_345, %parallel_loop3A_348 : vector<16xf32>
        %parallel_loop3A_350 = arith.addf %parallel_loop3A_342, %parallel_loop3A_349 : vector<16xf32>
        %parallel_loop3A_351 = arith.index_cast %parallel_loop3A_303 : i32 to index
        %parallel_loop3A_352 = arith.constant 96 : index
        %parallel_loop3A_353 = tpu.vector_load %arg9[%parallel_loop3A_351, %parallel_loop3A_352] {strides = array<i32>} : memref<192x128xf32, #tpu.memory_space<vmem>>, vector<16xf32>,
        %parallel_loop3A_354 = arith.index_cast %parallel_loop3A_303 : i32 to index
        %parallel_loop3A_355 = arith.constant 96 : index
        %parallel_loop3A_356 = tpu.vector_load %arg10[%parallel_loop3A_354, %parallel_loop3A_355] {strides = array<i32>} : memref<192x128xf32, #tpu.memory_space<vmem>>, vector<16xf32>,
        %parallel_loop3A_357 = arith.mulf %parallel_loop3A_353, %parallel_loop3A_356 : vector<16xf32>
        %parallel_loop3A_358 = arith.addf %parallel_loop3A_350, %parallel_loop3A_357 : vector<16xf32>
        %parallel_loop3A_359 = arith.index_cast %parallel_loop3A_303 : i32 to index
        %parallel_loop3A_360 = arith.constant 112 : index
        %parallel_loop3A_361 = tpu.vector_load %arg9[%parallel_loop3A_359, %parallel_loop3A_360] {strides = array<i32>} : memref<192x128xf32, #tpu.memory_space<vmem>>, vector<16xf32>,
        %parallel_loop3A_362 = arith.index_cast %parallel_loop3A_303 : i32 to index
        %parallel_loop3A_363 = arith.constant 112 : index
        %parallel_loop3A_364 = tpu.vector_load %arg10[%parallel_loop3A_362, %parallel_loop3A_363] {strides = array<i32>} : memref<192x128xf32, #tpu.memory_space<vmem>>, vector<16xf32>,
        %parallel_loop3A_365 = arith.mulf %parallel_loop3A_361, %parallel_loop3A_364 : vector<16xf32>
        %parallel_loop3A_366 = arith.addf %parallel_loop3A_358, %parallel_loop3A_365 : vector<16xf32>
        %parallel_loop3A_367 = arith.constant 1 : i32
        %parallel_loop3A_368 = arith.index_cast %parallel_loop3A_223 : i32 to index
        %parallel_loop3A_369 = arith.index_cast %parallel_loop3A_367 : i32 to index
        %parallel_loop3A_370 = arith.constant 0 : index
        %parallel_loop3A_371 = tpu.vector_load %arg12[%parallel_loop3A_368, %parallel_loop3A_369, %parallel_loop3A_370] {strides = array<i32>} : memref<4x16x17xf32, #tpu.memory_space<vmem>>, vector<16xf32>,
        tpu.vector_store %arg12[%parallel_loop3A_368, %parallel_loop3A_369, %parallel_loop3A_370], %parallel_loop3A_366 {strides = array<i32>} : memref<4x16x17xf32, #tpu.memory_space<vmem>>, vector<16xf32>,
        %parallel_loop3A_372 = arith.constant 16 : i32
        %parallel_loop3A_373 = arith.muli %parallel_loop3A_223, %parallel_loop3A_372 : i32
        %parallel_loop3A_374 = arith.addi %mul3A_210, %parallel_loop3A_373 : i32
        %parallel_loop3A_375 = arith.constant 2 : i32
        %parallel_loop3A_376 = arith.addi %parallel_loop3A_374, %parallel_loop3A_375 : i32
        %parallel_loop3A_377 = arith.index_cast %parallel_loop3A_376 : i32 to index
        %parallel_loop3A_378 = arith.constant 0 : index
        %parallel_loop3A_379 = tpu.vector_load %arg9[%parallel_loop3A_377, %parallel_loop3A_378] {strides = array<i32>} : memref<192x128xf32, #tpu.memory_space<vmem>>, vector<16xf32>,
        %parallel_loop3A_380 = arith.index_cast %parallel_loop3A_376 : i32 to index
        %parallel_loop3A_381 = arith.constant 0 : index
        %parallel_loop3A_382 = tpu.vector_load %arg10[%parallel_loop3A_380, %parallel_loop3A_381] {strides = array<i32>} : memref<192x128xf32, #tpu.memory_space<vmem>>, vector<16xf32>,
        %parallel_loop3A_383 = arith.mulf %parallel_loop3A_379, %parallel_loop3A_382 : vector<16xf32>
        %parallel_loop3A_384 = arith.index_cast %parallel_loop3A_376 : i32 to index
        %parallel_loop3A_385 = arith.constant 16 : index
        %parallel_loop3A_386 = tpu.vector_load %arg9[%parallel_loop3A_384, %parallel_loop3A_385] {strides = array<i32>} : memref<192x128xf32, #tpu.memory_space<vmem>>, vector<16xf32>,
        %parallel_loop3A_387 = arith.index_cast %parallel_loop3A_376 : i32 to index
        %parallel_loop3A_388 = arith.constant 16 : index
        %parallel_loop3A_389 = tpu.vector_load %arg10[%parallel_loop3A_387, %parallel_loop3A_388] {strides = array<i32>} : memref<192x128xf32, #tpu.memory_space<vmem>>, vector<16xf32>,
        %parallel_loop3A_390 = arith.mulf %parallel_loop3A_386, %parallel_loop3A_389 : vector<16xf32>
        %parallel_loop3A_391 = arith.addf %parallel_loop3A_383, %parallel_loop3A_390 : vector<16xf32>
        %parallel_loop3A_392 = arith.index_cast %parallel_loop3A_376 : i32 to index
        %parallel_loop3A_393 = arith.constant 32 : index
        %parallel_loop3A_394 = tpu.vector_load %arg9[%parallel_loop3A_392, %parallel_loop3A_393] {strides = array<i32>} : memref<192x128xf32, #tpu.memory_space<vmem>>, vector<16xf32>,
        %parallel_loop3A_395 = arith.index_cast %parallel_loop3A_376 : i32 to index
        %parallel_loop3A_396 = arith.constant 32 : index
        %parallel_loop3A_397 = tpu.vector_load %arg10[%parallel_loop3A_395, %parallel_loop3A_396] {strides = array<i32>} : memref<192x128xf32, #tpu.memory_space<vmem>>, vector<16xf32>,
        %parallel_loop3A_398 = arith.mulf %parallel_loop3A_394, %parallel_loop3A_397 : vector<16xf32>
        %parallel_loop3A_399 = arith.addf %parallel_loop3A_391, %parallel_loop3A_398 : vector<16xf32>
        %parallel_loop3A_400 = arith.index_cast %parallel_loop3A_376 : i32 to index
        %parallel_loop3A_401 = arith.constant 48 : index
        %parallel_loop3A_402 = tpu.vector_load %arg9[%parallel_loop3A_400, %parallel_loop3A_401] {strides = array<i32>} : memref<192x128xf32, #tpu.memory_space<vmem>>, vector<16xf32>,
        %parallel_loop3A_403 = arith.index_cast %parallel_loop3A_376 : i32 to index
        %parallel_loop3A_404 = arith.constant 48 : index
        %parallel_loop3A_405 = tpu.vector_load %arg10[%parallel_loop3A_403, %parallel_loop3A_404] {strides = array<i32>} : memref<192x128xf32, #tpu.memory_space<vmem>>, vector<16xf32>,
        %parallel_loop3A_406 = arith.mulf %parallel_loop3A_402, %parallel_loop3A_405 : vector<16xf32>
        %parallel_loop3A_407 = arith.addf %parallel_loop3A_399, %parallel_loop3A_406 : vector<16xf32>
        %parallel_loop3A_408 = arith.index_cast %parallel_loop3A_376 : i32 to index
        %parallel_loop3A_409 = arith.constant 64 : index
        %parallel_loop3A_410 = tpu.vector_load %arg9[%parallel_loop3A_408, %parallel_loop3A_409] {strides = array<i32>} : memref<192x128xf32, #tpu.memory_space<vmem>>, vector<16xf32>,
        %parallel_loop3A_411 = arith.index_cast %parallel_loop3A_376 : i32 to index
        %parallel_loop3A_412 = arith.constant 64 : index
        %parallel_loop3A_413 = tpu.vector_load %arg10[%parallel_loop3A_411, %parallel_loop3A_412] {strides = array<i32>} : memref<192x128xf32, #tpu.memory_space<vmem>>, vector<16xf32>,
        %parallel_loop3A_414 = arith.mulf %parallel_loop3A_410, %parallel_loop3A_413 : vector<16xf32>
        %parallel_loop3A_415 = arith.addf %parallel_loop3A_407, %parallel_loop3A_414 : vector<16xf32>
        %parallel_loop3A_416 = arith.index_cast %parallel_loop3A_376 : i32 to index
        %parallel_loop3A_417 = arith.constant 80 : index
        %parallel_loop3A_418 = tpu.vector_load %arg9[%parallel_loop3A_416, %parallel_loop3A_417] {strides = array<i32>} : memref<192x128xf32, #tpu.memory_space<vmem>>, vector<16xf32>,
        %parallel_loop3A_419 = arith.index_cast %parallel_loop3A_376 : i32 to index
        %parallel_loop3A_420 = arith.constant 80 : index
        %parallel_loop3A_421 = tpu.vector_load %arg10[%parallel_loop3A_419, %parallel_loop3A_420] {strides = array<i32>} : memref<192x128xf32, #tpu.memory_space<vmem>>, vector<16xf32>,
        %parallel_loop3A_422 = arith.mulf %parallel_loop3A_418, %parallel_loop3A_421 : vector<16xf32>
        %parallel_loop3A_423 = arith.addf %parallel_loop3A_415, %parallel_loop3A_422 : vector<16xf32>
        %parallel_loop3A_424 = arith.index_cast %parallel_loop3A_376 : i32 to index
        %parallel_loop3A_425 = arith.constant 96 : index
        %parallel_loop3A_426 = tpu.vector_load %arg9[%parallel_loop3A_424, %parallel_loop3A_425] {strides = array<i32>} : memref<192x128xf32, #tpu.memory_space<vmem>>, vector<16xf32>,
        %parallel_loop3A_427 = arith.index_cast %parallel_loop3A_376 : i32 to index
        %parallel_loop3A_428 = arith.constant 96 : index
        %parallel_loop3A_429 = tpu.vector_load %arg10[%parallel_loop3A_427, %parallel_loop3A_428] {strides = array<i32>} : memref<192x128xf32, #tpu.memory_space<vmem>>, vector<16xf32>,
        %parallel_loop3A_430 = arith.mulf %parallel_loop3A_426, %parallel_loop3A_429 : vector<16xf32>
        %parallel_loop3A_431 = arith.addf %parallel_loop3A_423, %parallel_loop3A_430 : vector<16xf32>
        %parallel_loop3A_432 = arith.index_cast %parallel_loop3A_376 : i32 to index
        %parallel_loop3A_433 = arith.constant 112 : index
        %parallel_loop3A_434 = tpu.vector_load %arg9[%parallel_loop3A_432, %parallel_loop3A_433] {strides = array<i32>} : memref<192x128xf32, #tpu.memory_space<vmem>>, vector<16xf32>,
        %parallel_loop3A_435 = arith.index_cast %parallel_loop3A_376 : i32 to index
        %parallel_loop3A_436 = arith.constant 112 : index
        %parallel_loop3A_437 = tpu.vector_load %arg10[%parallel_loop3A_435, %parallel_loop3A_436] {strides = array<i32>} : memref<192x128xf32, #tpu.memory_space<vmem>>, vector<16xf32>,
        %parallel_loop3A_438 = arith.mulf %parallel_loop3A_434, %parallel_loop3A_437 : vector<16xf32>
        %parallel_loop3A_439 = arith.addf %parallel_loop3A_431, %parallel_loop3A_438 : vector<16xf32>
        %parallel_loop3A_440 = arith.constant 2 : i32
        %parallel_loop3A_441 = arith.index_cast %parallel_loop3A_223 : i32 to index
        %parallel_loop3A_442 = arith.index_cast %parallel_loop3A_440 : i32 to index
        %parallel_loop3A_443 = arith.constant 0 : index
        %parallel_loop3A_444 = tpu.vector_load %arg12[%parallel_loop3A_441, %parallel_loop3A_442, %parallel_loop3A_443] {strides = array<i32>} : memref<4x16x17xf32, #tpu.memory_space<vmem>>, vector<16xf32>,
        tpu.vector_store %arg12[%parallel_loop3A_441, %parallel_loop3A_442, %parallel_loop3A_443], %parallel_loop3A_439 {strides = array<i32>} : memref<4x16x17xf32, #tpu.memory_space<vmem>>, vector<16xf32>,
        %parallel_loop3A_445 = arith.constant 16 : i32
        %parallel_loop3A_446 = arith.muli %parallel_loop3A_223, %parallel_loop3A_445 : i32
        %parallel_loop3A_447 = arith.addi %mul3A_210, %parallel_loop3A_446 : i32
        %parallel_loop3A_448 = arith.constant 3 : i32
        %parallel_loop3A_449 = arith.addi %parallel_loop3A_447, %parallel_loop3A_448 : i32
        %parallel_loop3A_450 = arith.index_cast %parallel_loop3A_449 : i32 to index
        %parallel_loop3A_451 = arith.constant 0 : index
        %parallel_loop3A_452 = tpu.vector_load %arg9[%parallel_loop3A_450, %parallel_loop3A_451] {strides = array<i32>} : memref<192x128xf32, #tpu.memory_space<vmem>>, vector<16xf32>,
        %parallel_loop3A_453 = arith.index_cast %parallel_loop3A_449 : i32 to index
        %parallel_loop3A_454 = arith.constant 0 : index
        %parallel_loop3A_455 = tpu.vector_load %arg10[%parallel_loop3A_453, %parallel_loop3A_454] {strides = array<i32>} : memref<192x128xf32, #tpu.memory_space<vmem>>, vector<16xf32>,
        %parallel_loop3A_456 = arith.mulf %parallel_loop3A_452, %parallel_loop3A_455 : vector<16xf32>
        %parallel_loop3A_457 = arith.index_cast %parallel_loop3A_449 : i32 to index
        %parallel_loop3A_458 = arith.constant 16 : index
        %parallel_loop3A_459 = tpu.vector_load %arg9[%parallel_loop3A_457, %parallel_loop3A_458] {strides = array<i32>} : memref<192x128xf32, #tpu.memory_space<vmem>>, vector<16xf32>,
        %parallel_loop3A_460 = arith.index_cast %parallel_loop3A_449 : i32 to index
        %parallel_loop3A_461 = arith.constant 16 : index
        %parallel_loop3A_462 = tpu.vector_load %arg10[%parallel_loop3A_460, %parallel_loop3A_461] {strides = array<i32>} : memref<192x128xf32, #tpu.memory_space<vmem>>, vector<16xf32>,
        %parallel_loop3A_463 = arith.mulf %parallel_loop3A_459, %parallel_loop3A_462 : vector<16xf32>
        %parallel_loop3A_464 = arith.addf %parallel_loop3A_456, %parallel_loop3A_463 : vector<16xf32>
        %parallel_loop3A_465 = arith.index_cast %parallel_loop3A_449 : i32 to index
        %parallel_loop3A_466 = arith.constant 32 : index
        %parallel_loop3A_467 = tpu.vector_load %arg9[%parallel_loop3A_465, %parallel_loop3A_466] {strides = array<i32>} : memref<192x128xf32, #tpu.memory_space<vmem>>, vector<16xf32>,
        %parallel_loop3A_468 = arith.index_cast %parallel_loop3A_449 : i32 to index
        %parallel_loop3A_469 = arith.constant 32 : index
        %parallel_loop3A_470 = tpu.vector_load %arg10[%parallel_loop3A_468, %parallel_loop3A_469] {strides = array<i32>} : memref<192x128xf32, #tpu.memory_space<vmem>>, vector<16xf32>,
        %parallel_loop3A_471 = arith.mulf %parallel_loop3A_467, %parallel_loop3A_470 : vector<16xf32>
        %parallel_loop3A_472 = arith.addf %parallel_loop3A_464, %parallel_loop3A_471 : vector<16xf32>
        %parallel_loop3A_473 = arith.index_cast %parallel_loop3A_449 : i32 to index
        %parallel_loop3A_474 = arith.constant 48 : index
        %parallel_loop3A_475 = tpu.vector_load %arg9[%parallel_loop3A_473, %parallel_loop3A_474] {strides = array<i32>} : memref<192x128xf32, #tpu.memory_space<vmem>>, vector<16xf32>,
        %parallel_loop3A_476 = arith.index_cast %parallel_loop3A_449 : i32 to index
        %parallel_loop3A_477 = arith.constant 48 : index
        %parallel_loop3A_478 = tpu.vector_load %arg10[%parallel_loop3A_476, %parallel_loop3A_477] {strides = array<i32>} : memref<192x128xf32, #tpu.memory_space<vmem>>, vector<16xf32>,
        %parallel_loop3A_479 = arith.mulf %parallel_loop3A_475, %parallel_loop3A_478 : vector<16xf32>
        %parallel_loop3A_480 = arith.addf %parallel_loop3A_472, %parallel_loop3A_479 : vector<16xf32>
        %parallel_loop3A_481 = arith.index_cast %parallel_loop3A_449 : i32 to index
        %parallel_loop3A_482 = arith.constant 64 : index
        %parallel_loop3A_483 = tpu.vector_load %arg9[%parallel_loop3A_481, %parallel_loop3A_482] {strides = array<i32>} : memref<192x128xf32, #tpu.memory_space<vmem>>, vector<16xf32>,
        %parallel_loop3A_484 = arith.index_cast %parallel_loop3A_449 : i32 to index
        %parallel_loop3A_485 = arith.constant 64 : index
        %parallel_loop3A_486 = tpu.vector_load %arg10[%parallel_loop3A_484, %parallel_loop3A_485] {strides = array<i32>} : memref<192x128xf32, #tpu.memory_space<vmem>>, vector<16xf32>,
        %parallel_loop3A_487 = arith.mulf %parallel_loop3A_483, %parallel_loop3A_486 : vector<16xf32>
        %parallel_loop3A_488 = arith.addf %parallel_loop3A_480, %parallel_loop3A_487 : vector<16xf32>
        %parallel_loop3A_489 = arith.index_cast %parallel_loop3A_449 : i32 to index
        %parallel_loop3A_490 = arith.constant 80 : index
        %parallel_loop3A_491 = tpu.vector_load %arg9[%parallel_loop3A_489, %parallel_loop3A_490] {strides = array<i32>} : memref<192x128xf32, #tpu.memory_space<vmem>>, vector<16xf32>,
        %parallel_loop3A_492 = arith.index_cast %parallel_loop3A_449 : i32 to index
        %parallel_loop3A_493 = arith.constant 80 : index
        %parallel_loop3A_494 = tpu.vector_load %arg10[%parallel_loop3A_492, %parallel_loop3A_493] {strides = array<i32>} : memref<192x128xf32, #tpu.memory_space<vmem>>, vector<16xf32>,
        %parallel_loop3A_495 = arith.mulf %parallel_loop3A_491, %parallel_loop3A_494 : vector<16xf32>
        %parallel_loop3A_496 = arith.addf %parallel_loop3A_488, %parallel_loop3A_495 : vector<16xf32>
        %parallel_loop3A_497 = arith.index_cast %parallel_loop3A_449 : i32 to index
        %parallel_loop3A_498 = arith.constant 96 : index
        %parallel_loop3A_499 = tpu.vector_load %arg9[%parallel_loop3A_497, %parallel_loop3A_498] {strides = array<i32>} : memref<192x128xf32, #tpu.memory_space<vmem>>, vector<16xf32>,
        %parallel_loop3A_500 = arith.index_cast %parallel_loop3A_449 : i32 to index
        %parallel_loop3A_501 = arith.constant 96 : index
        %parallel_loop3A_502 = tpu.vector_load %arg10[%parallel_loop3A_500, %parallel_loop3A_501] {strides = array<i32>} : memref<192x128xf32, #tpu.memory_space<vmem>>, vector<16xf32>,
        %parallel_loop3A_503 = arith.mulf %parallel_loop3A_499, %parallel_loop3A_502 : vector<16xf32>
        %parallel_loop3A_504 = arith.addf %parallel_loop3A_496, %parallel_loop3A_503 : vector<16xf32>
        %parallel_loop3A_505 = arith.index_cast %parallel_loop3A_449 : i32 to index
        %parallel_loop3A_506 = arith.constant 112 : index
        %parallel_loop3A_507 = tpu.vector_load %arg9[%parallel_loop3A_505, %parallel_loop3A_506] {strides = array<i32>} : memref<192x128xf32, #tpu.memory_space<vmem>>, vector<16xf32>,
        %parallel_loop3A_508 = arith.index_cast %parallel_loop3A_449 : i32 to index
        %parallel_loop3A_509 = arith.constant 112 : index
        %parallel_loop3A_510 = tpu.vector_load %arg10[%parallel_loop3A_508, %parallel_loop3A_509] {strides = array<i32>} : memref<192x128xf32, #tpu.memory_space<vmem>>, vector<16xf32>,
        %parallel_loop3A_511 = arith.mulf %parallel_loop3A_507, %parallel_loop3A_510 : vector<16xf32>
        %parallel_loop3A_512 = arith.addf %parallel_loop3A_504, %parallel_loop3A_511 : vector<16xf32>
        %parallel_loop3A_513 = arith.constant 3 : i32
        %parallel_loop3A_514 = arith.index_cast %parallel_loop3A_223 : i32 to index
        %parallel_loop3A_515 = arith.index_cast %parallel_loop3A_513 : i32 to index
        %parallel_loop3A_516 = arith.constant 0 : index
        %parallel_loop3A_517 = tpu.vector_load %arg12[%parallel_loop3A_514, %parallel_loop3A_515, %parallel_loop3A_516] {strides = array<i32>} : memref<4x16x17xf32, #tpu.memory_space<vmem>>, vector<16xf32>,
        tpu.vector_store %arg12[%parallel_loop3A_514, %parallel_loop3A_515, %parallel_loop3A_516], %parallel_loop3A_512 {strides = array<i32>} : memref<4x16x17xf32, #tpu.memory_space<vmem>>, vector<16xf32>,
        %parallel_loop3A_518 = arith.constant 16 : i32
        %parallel_loop3A_519 = arith.muli %parallel_loop3A_223, %parallel_loop3A_518 : i32
        %parallel_loop3A_520 = arith.addi %mul3A_210, %parallel_loop3A_519 : i32
        %parallel_loop3A_521 = arith.constant 4 : i32
        %parallel_loop3A_522 = arith.addi %parallel_loop3A_520, %parallel_loop3A_521 : i32
        %parallel_loop3A_523 = arith.index_cast %parallel_loop3A_522 : i32 to index
        %parallel_loop3A_524 = arith.constant 0 : index
        %parallel_loop3A_525 = tpu.vector_load %arg9[%parallel_loop3A_523, %parallel_loop3A_524] {strides = array<i32>} : memref<192x128xf32, #tpu.memory_space<vmem>>, vector<16xf32>,
        %parallel_loop3A_526 = arith.index_cast %parallel_loop3A_522 : i32 to index
        %parallel_loop3A_527 = arith.constant 0 : index
        %parallel_loop3A_528 = tpu.vector_load %arg10[%parallel_loop3A_526, %parallel_loop3A_527] {strides = array<i32>} : memref<192x128xf32, #tpu.memory_space<vmem>>, vector<16xf32>,
        %parallel_loop3A_529 = arith.mulf %parallel_loop3A_525, %parallel_loop3A_528 : vector<16xf32>
        %parallel_loop3A_530 = arith.index_cast %parallel_loop3A_522 : i32 to index
        %parallel_loop3A_531 = arith.constant 16 : index
        %parallel_loop3A_532 = tpu.vector_load %arg9[%parallel_loop3A_530, %parallel_loop3A_531] {strides = array<i32>} : memref<192x128xf32, #tpu.memory_space<vmem>>, vector<16xf32>,
        %parallel_loop3A_533 = arith.index_cast %parallel_loop3A_522 : i32 to index
        %parallel_loop3A_534 = arith.constant 16 : index
        %parallel_loop3A_535 = tpu.vector_load %arg10[%parallel_loop3A_533, %parallel_loop3A_534] {strides = array<i32>} : memref<192x128xf32, #tpu.memory_space<vmem>>, vector<16xf32>,
        %parallel_loop3A_536 = arith.mulf %parallel_loop3A_532, %parallel_loop3A_535 : vector<16xf32>
        %parallel_loop3A_537 = arith.addf %parallel_loop3A_529, %parallel_loop3A_536 : vector<16xf32>
        %parallel_loop3A_538 = arith.index_cast %parallel_loop3A_522 : i32 to index
        %parallel_loop3A_539 = arith.constant 32 : index
        %parallel_loop3A_540 = tpu.vector_load %arg9[%parallel_loop3A_538, %parallel_loop3A_539] {strides = array<i32>} : memref<192x128xf32, #tpu.memory_space<vmem>>, vector<16xf32>,
        %parallel_loop3A_541 = arith.index_cast %parallel_loop3A_522 : i32 to index
        %parallel_loop3A_542 = arith.constant 32 : index
        %parallel_loop3A_543 = tpu.vector_load %arg10[%parallel_loop3A_541, %parallel_loop3A_542] {strides = array<i32>} : memref<192x128xf32, #tpu.memory_space<vmem>>, vector<16xf32>,
        %parallel_loop3A_544 = arith.mulf %parallel_loop3A_540, %parallel_loop3A_543 : vector<16xf32>
        %parallel_loop3A_545 = arith.addf %parallel_loop3A_537, %parallel_loop3A_544 : vector<16xf32>
        %parallel_loop3A_546 = arith.index_cast %parallel_loop3A_522 : i32 to index
        %parallel_loop3A_547 = arith.constant 48 : index
        %parallel_loop3A_548 = tpu.vector_load %arg9[%parallel_loop3A_546, %parallel_loop3A_547] {strides = array<i32>} : memref<192x128xf32, #tpu.memory_space<vmem>>, vector<16xf32>,
        %parallel_loop3A_549 = arith.index_cast %parallel_loop3A_522 : i32 to index
        %parallel_loop3A_550 = arith.constant 48 : index
        %parallel_loop3A_551 = tpu.vector_load %arg10[%parallel_loop3A_549, %parallel_loop3A_550] {strides = array<i32>} : memref<192x128xf32, #tpu.memory_space<vmem>>, vector<16xf32>,
        %parallel_loop3A_552 = arith.mulf %parallel_loop3A_548, %parallel_loop3A_551 : vector<16xf32>
        %parallel_loop3A_553 = arith.addf %parallel_loop3A_545, %parallel_loop3A_552 : vector<16xf32>
        %parallel_loop3A_554 = arith.index_cast %parallel_loop3A_522 : i32 to index
        %parallel_loop3A_555 = arith.constant 64 : index
        %parallel_loop3A_556 = tpu.vector_load %arg9[%parallel_loop3A_554, %parallel_loop3A_555] {strides = array<i32>} : memref<192x128xf32, #tpu.memory_space<vmem>>, vector<16xf32>,
        %parallel_loop3A_557 = arith.index_cast %parallel_loop3A_522 : i32 to index
        %parallel_loop3A_558 = arith.constant 64 : index
        %parallel_loop3A_559 = tpu.vector_load %arg10[%parallel_loop3A_557, %parallel_loop3A_558] {strides = array<i32>} : memref<192x128xf32, #tpu.memory_space<vmem>>, vector<16xf32>,
        %parallel_loop3A_560 = arith.mulf %parallel_loop3A_556, %parallel_loop3A_559 : vector<16xf32>
        %parallel_loop3A_561 = arith.addf %parallel_loop3A_553, %parallel_loop3A_560 : vector<16xf32>
        %parallel_loop3A_562 = arith.index_cast %parallel_loop3A_522 : i32 to index
        %parallel_loop3A_563 = arith.constant 80 : index
        %parallel_loop3A_564 = tpu.vector_load %arg9[%parallel_loop3A_562, %parallel_loop3A_563] {strides = array<i32>} : memref<192x128xf32, #tpu.memory_space<vmem>>, vector<16xf32>,
        %parallel_loop3A_565 = arith.index_cast %parallel_loop3A_522 : i32 to index
        %parallel_loop3A_566 = arith.constant 80 : index
        %parallel_loop3A_567 = tpu.vector_load %arg10[%parallel_loop3A_565, %parallel_loop3A_566] {strides = array<i32>} : memref<192x128xf32, #tpu.memory_space<vmem>>, vector<16xf32>,
        %parallel_loop3A_568 = arith.mulf %parallel_loop3A_564, %parallel_loop3A_567 : vector<16xf32>
        %parallel_loop3A_569 = arith.addf %parallel_loop3A_561, %parallel_loop3A_568 : vector<16xf32>
        %parallel_loop3A_570 = arith.index_cast %parallel_loop3A_522 : i32 to index
        %parallel_loop3A_571 = arith.constant 96 : index
        %parallel_loop3A_572 = tpu.vector_load %arg9[%parallel_loop3A_570, %parallel_loop3A_571] {strides = array<i32>} : memref<192x128xf32, #tpu.memory_space<vmem>>, vector<16xf32>,
        %parallel_loop3A_573 = arith.index_cast %parallel_loop3A_522 : i32 to index
        %parallel_loop3A_574 = arith.constant 96 : index
        %parallel_loop3A_575 = tpu.vector_load %arg10[%parallel_loop3A_573, %parallel_loop3A_574] {strides = array<i32>} : memref<192x128xf32, #tpu.memory_space<vmem>>, vector<16xf32>,
        %parallel_loop3A_576 = arith.mulf %parallel_loop3A_572, %parallel_loop3A_575 : vector<16xf32>
        %parallel_loop3A_577 = arith.addf %parallel_loop3A_569, %parallel_loop3A_576 : vector<16xf32>
        %parallel_loop3A_578 = arith.index_cast %parallel_loop3A_522 : i32 to index
        %parallel_loop3A_579 = arith.constant 112 : index
        %parallel_loop3A_580 = tpu.vector_load %arg9[%parallel_loop3A_578, %parallel_loop3A_579] {strides = array<i32>} : memref<192x128xf32, #tpu.memory_space<vmem>>, vector<16xf32>,
        %parallel_loop3A_581 = arith.index_cast %parallel_loop3A_522 : i32 to index
        %parallel_loop3A_582 = arith.constant 112 : index
        %parallel_loop3A_583 = tpu.vector_load %arg10[%parallel_loop3A_581, %parallel_loop3A_582] {strides = array<i32>} : memref<192x128xf32, #tpu.memory_space<vmem>>, vector<16xf32>,
        %parallel_loop3A_584 = arith.mulf %parallel_loop3A_580, %parallel_loop3A_583 : vector<16xf32>
        %parallel_loop3A_585 = arith.addf %parallel_loop3A_577, %parallel_loop3A_584 : vector<16xf32>
        %parallel_loop3A_586 = arith.constant 4 : i32
        %parallel_loop3A_587 = arith.index_cast %parallel_loop3A_223 : i32 to index
        %parallel_loop3A_588 = arith.index_cast %parallel_loop3A_586 : i32 to index
        %parallel_loop3A_589 = arith.constant 0 : index
        %parallel_loop3A_590 = tpu.vector_load %arg12[%parallel_loop3A_587, %parallel_loop3A_588, %parallel_loop3A_589] {strides = array<i32>} : memref<4x16x17xf32, #tpu.memory_space<vmem>>, vector<16xf32>,
        tpu.vector_store %arg12[%parallel_loop3A_587, %parallel_loop3A_588, %parallel_loop3A_589], %parallel_loop3A_585 {strides = array<i32>} : memref<4x16x17xf32, #tpu.memory_space<vmem>>, vector<16xf32>,
        %parallel_loop3A_591 = arith.constant 16 : i32
        %parallel_loop3A_592 = arith.muli %parallel_loop3A_223, %parallel_loop3A_591 : i32
        %parallel_loop3A_593 = arith.addi %mul3A_210, %parallel_loop3A_592 : i32
        %parallel_loop3A_594 = arith.constant 5 : i32
        %parallel_loop3A_595 = arith.addi %parallel_loop3A_593, %parallel_loop3A_594 : i32
        %parallel_loop3A_596 = arith.index_cast %parallel_loop3A_595 : i32 to index
        %parallel_loop3A_597 = arith.constant 0 : index
        %parallel_loop3A_598 = tpu.vector_load %arg9[%parallel_loop3A_596, %parallel_loop3A_597] {strides = array<i32>} : memref<192x128xf32, #tpu.memory_space<vmem>>, vector<16xf32>,
        %parallel_loop3A_599 = arith.index_cast %parallel_loop3A_595 : i32 to index
        %parallel_loop3A_600 = arith.constant 0 : index
        %parallel_loop3A_601 = tpu.vector_load %arg10[%parallel_loop3A_599, %parallel_loop3A_600] {strides = array<i32>} : memref<192x128xf32, #tpu.memory_space<vmem>>, vector<16xf32>,
        %parallel_loop3A_602 = arith.mulf %parallel_loop3A_598, %parallel_loop3A_601 : vector<16xf32>
        %parallel_loop3A_603 = arith.index_cast %parallel_loop3A_595 : i32 to index
        %parallel_loop3A_604 = arith.constant 16 : index
        %parallel_loop3A_605 = tpu.vector_load %arg9[%parallel_loop3A_603, %parallel_loop3A_604] {strides = array<i32>} : memref<192x128xf32, #tpu.memory_space<vmem>>, vector<16xf32>,
        %parallel_loop3A_606 = arith.index_cast %parallel_loop3A_595 : i32 to index
        %parallel_loop3A_607 = arith.constant 16 : index
        %parallel_loop3A_608 = tpu.vector_load %arg10[%parallel_loop3A_606, %parallel_loop3A_607] {strides = array<i32>} : memref<192x128xf32, #tpu.memory_space<vmem>>, vector<16xf32>,
        %parallel_loop3A_609 = arith.mulf %parallel_loop3A_605, %parallel_loop3A_608 : vector<16xf32>
        %parallel_loop3A_610 = arith.addf %parallel_loop3A_602, %parallel_loop3A_609 : vector<16xf32>
        %parallel_loop3A_611 = arith.index_cast %parallel_loop3A_595 : i32 to index
        %parallel_loop3A_612 = arith.constant 32 : index
        %parallel_loop3A_613 = tpu.vector_load %arg9[%parallel_loop3A_611, %parallel_loop3A_612] {strides = array<i32>} : memref<192x128xf32, #tpu.memory_space<vmem>>, vector<16xf32>,
        %parallel_loop3A_614 = arith.index_cast %parallel_loop3A_595 : i32 to index
        %parallel_loop3A_615 = arith.constant 32 : index
        %parallel_loop3A_616 = tpu.vector_load %arg10[%parallel_loop3A_614, %parallel_loop3A_615] {strides = array<i32>} : memref<192x128xf32, #tpu.memory_space<vmem>>, vector<16xf32>,
        %parallel_loop3A_617 = arith.mulf %parallel_loop3A_613, %parallel_loop3A_616 : vector<16xf32>
        %parallel_loop3A_618 = arith.addf %parallel_loop3A_610, %parallel_loop3A_617 : vector<16xf32>
        %parallel_loop3A_619 = arith.index_cast %parallel_loop3A_595 : i32 to index
        %parallel_loop3A_620 = arith.constant 48 : index
        %parallel_loop3A_621 = tpu.vector_load %arg9[%parallel_loop3A_619, %parallel_loop3A_620] {strides = array<i32>} : memref<192x128xf32, #tpu.memory_space<vmem>>, vector<16xf32>,
        %parallel_loop3A_622 = arith.index_cast %parallel_loop3A_595 : i32 to index
        %parallel_loop3A_623 = arith.constant 48 : index
        %parallel_loop3A_624 = tpu.vector_load %arg10[%parallel_loop3A_622, %parallel_loop3A_623] {strides = array<i32>} : memref<192x128xf32, #tpu.memory_space<vmem>>, vector<16xf32>,
        %parallel_loop3A_625 = arith.mulf %parallel_loop3A_621, %parallel_loop3A_624 : vector<16xf32>
        %parallel_loop3A_626 = arith.addf %parallel_loop3A_618, %parallel_loop3A_625 : vector<16xf32>
        %parallel_loop3A_627 = arith.index_cast %parallel_loop3A_595 : i32 to index
        %parallel_loop3A_628 = arith.constant 64 : index
        %parallel_loop3A_629 = tpu.vector_load %arg9[%parallel_loop3A_627, %parallel_loop3A_628] {strides = array<i32>} : memref<192x128xf32, #tpu.memory_space<vmem>>, vector<16xf32>,
        %parallel_loop3A_630 = arith.index_cast %parallel_loop3A_595 : i32 to index
        %parallel_loop3A_631 = arith.constant 64 : index
        %parallel_loop3A_632 = tpu.vector_load %arg10[%parallel_loop3A_630, %parallel_loop3A_631] {strides = array<i32>} : memref<192x128xf32, #tpu.memory_space<vmem>>, vector<16xf32>,
        %parallel_loop3A_633 = arith.mulf %parallel_loop3A_629, %parallel_loop3A_632 : vector<16xf32>
        %parallel_loop3A_634 = arith.addf %parallel_loop3A_626, %parallel_loop3A_633 : vector<16xf32>
        %parallel_loop3A_635 = arith.index_cast %parallel_loop3A_595 : i32 to index
        %parallel_loop3A_636 = arith.constant 80 : index
        %parallel_loop3A_637 = tpu.vector_load %arg9[%parallel_loop3A_635, %parallel_loop3A_636] {strides = array<i32>} : memref<192x128xf32, #tpu.memory_space<vmem>>, vector<16xf32>,
        %parallel_loop3A_638 = arith.index_cast %parallel_loop3A_595 : i32 to index
        %parallel_loop3A_639 = arith.constant 80 : index
        %parallel_loop3A_640 = tpu.vector_load %arg10[%parallel_loop3A_638, %parallel_loop3A_639] {strides = array<i32>} : memref<192x128xf32, #tpu.memory_space<vmem>>, vector<16xf32>,
        %parallel_loop3A_641 = arith.mulf %parallel_loop3A_637, %parallel_loop3A_640 : vector<16xf32>
        %parallel_loop3A_642 = arith.addf %parallel_loop3A_634, %parallel_loop3A_641 : vector<16xf32>
        %parallel_loop3A_643 = arith.index_cast %parallel_loop3A_595 : i32 to index
        %parallel_loop3A_644 = arith.constant 96 : index
        %parallel_loop3A_645 = tpu.vector_load %arg9[%parallel_loop3A_643, %parallel_loop3A_644] {strides = array<i32>} : memref<192x128xf32, #tpu.memory_space<vmem>>, vector<16xf32>,
        %parallel_loop3A_646 = arith.index_cast %parallel_loop3A_595 : i32 to index
        %parallel_loop3A_647 = arith.constant 96 : index
        %parallel_loop3A_648 = tpu.vector_load %arg10[%parallel_loop3A_646, %parallel_loop3A_647] {strides = array<i32>} : memref<192x128xf32, #tpu.memory_space<vmem>>, vector<16xf32>,
        %parallel_loop3A_649 = arith.mulf %parallel_loop3A_645, %parallel_loop3A_648 : vector<16xf32>
        %parallel_loop3A_650 = arith.addf %parallel_loop3A_642, %parallel_loop3A_649 : vector<16xf32>
        %parallel_loop3A_651 = arith.index_cast %parallel_loop3A_595 : i32 to index
        %parallel_loop3A_652 = arith.constant 112 : index
        %parallel_loop3A_653 = tpu.vector_load %arg9[%parallel_loop3A_651, %parallel_loop3A_652] {strides = array<i32>} : memref<192x128xf32, #tpu.memory_space<vmem>>, vector<16xf32>,
        %parallel_loop3A_654 = arith.index_cast %parallel_loop3A_595 : i32 to index
        %parallel_loop3A_655 = arith.constant 112 : index
        %parallel_loop3A_656 = tpu.vector_load %arg10[%parallel_loop3A_654, %parallel_loop3A_655] {strides = array<i32>} : memref<192x128xf32, #tpu.memory_space<vmem>>, vector<16xf32>,
        %parallel_loop3A_657 = arith.mulf %parallel_loop3A_653, %parallel_loop3A_656 : vector<16xf32>
        %parallel_loop3A_658 = arith.addf %parallel_loop3A_650, %parallel_loop3A_657 : vector<16xf32>
        %parallel_loop3A_659 = arith.constant 5 : i32
        %parallel_loop3A_660 = arith.index_cast %parallel_loop3A_223 : i32 to index
        %parallel_loop3A_661 = arith.index_cast %parallel_loop3A_659 : i32 to index
        %parallel_loop3A_662 = arith.constant 0 : index
        %parallel_loop3A_663 = tpu.vector_load %arg12[%parallel_loop3A_660, %parallel_loop3A_661, %parallel_loop3A_662] {strides = array<i32>} : memref<4x16x17xf32, #tpu.memory_space<vmem>>, vector<16xf32>,
        tpu.vector_store %arg12[%parallel_loop3A_660, %parallel_loop3A_661, %parallel_loop3A_662], %parallel_loop3A_658 {strides = array<i32>} : memref<4x16x17xf32, #tpu.memory_space<vmem>>, vector<16xf32>,
        %parallel_loop3A_664 = arith.constant 16 : i32
        %parallel_loop3A_665 = arith.muli %parallel_loop3A_223, %parallel_loop3A_664 : i32
        %parallel_loop3A_666 = arith.addi %mul3A_210, %parallel_loop3A_665 : i32
        %parallel_loop3A_667 = arith.constant 6 : i32
        %parallel_loop3A_668 = arith.addi %parallel_loop3A_666, %parallel_loop3A_667 : i32
        %parallel_loop3A_669 = arith.index_cast %parallel_loop3A_668 : i32 to index
        %parallel_loop3A_670 = arith.constant 0 : index
        %parallel_loop3A_671 = tpu.vector_load %arg9[%parallel_loop3A_669, %parallel_loop3A_670] {strides = array<i32>} : memref<192x128xf32, #tpu.memory_space<vmem>>, vector<16xf32>,
        %parallel_loop3A_672 = arith.index_cast %parallel_loop3A_668 : i32 to index
        %parallel_loop3A_673 = arith.constant 0 : index
        %parallel_loop3A_674 = tpu.vector_load %arg10[%parallel_loop3A_672, %parallel_loop3A_673] {strides = array<i32>} : memref<192x128xf32, #tpu.memory_space<vmem>>, vector<16xf32>,
        %parallel_loop3A_675 = arith.mulf %parallel_loop3A_671, %parallel_loop3A_674 : vector<16xf32>
        %parallel_loop3A_676 = arith.index_cast %parallel_loop3A_668 : i32 to index
        %parallel_loop3A_677 = arith.constant 16 : index
        %parallel_loop3A_678 = tpu.vector_load %arg9[%parallel_loop3A_676, %parallel_loop3A_677] {strides = array<i32>} : memref<192x128xf32, #tpu.memory_space<vmem>>, vector<16xf32>,
        %parallel_loop3A_679 = arith.index_cast %parallel_loop3A_668 : i32 to index
        %parallel_loop3A_680 = arith.constant 16 : index
        %parallel_loop3A_681 = tpu.vector_load %arg10[%parallel_loop3A_679, %parallel_loop3A_680] {strides = array<i32>} : memref<192x128xf32, #tpu.memory_space<vmem>>, vector<16xf32>,
        %parallel_loop3A_682 = arith.mulf %parallel_loop3A_678, %parallel_loop3A_681 : vector<16xf32>
        %parallel_loop3A_683 = arith.addf %parallel_loop3A_675, %parallel_loop3A_682 : vector<16xf32>
        %parallel_loop3A_684 = arith.index_cast %parallel_loop3A_668 : i32 to index
        %parallel_loop3A_685 = arith.constant 32 : index
        %parallel_loop3A_686 = tpu.vector_load %arg9[%parallel_loop3A_684, %parallel_loop3A_685] {strides = array<i32>} : memref<192x128xf32, #tpu.memory_space<vmem>>, vector<16xf32>,
        %parallel_loop3A_687 = arith.index_cast %parallel_loop3A_668 : i32 to index
        %parallel_loop3A_688 = arith.constant 32 : index
        %parallel_loop3A_689 = tpu.vector_load %arg10[%parallel_loop3A_687, %parallel_loop3A_688] {strides = array<i32>} : memref<192x128xf32, #tpu.memory_space<vmem>>, vector<16xf32>,
        %parallel_loop3A_690 = arith.mulf %parallel_loop3A_686, %parallel_loop3A_689 : vector<16xf32>
        %parallel_loop3A_691 = arith.addf %parallel_loop3A_683, %parallel_loop3A_690 : vector<16xf32>
        %parallel_loop3A_692 = arith.index_cast %parallel_loop3A_668 : i32 to index
        %parallel_loop3A_693 = arith.constant 48 : index
        %parallel_loop3A_694 = tpu.vector_load %arg9[%parallel_loop3A_692, %parallel_loop3A_693] {strides = array<i32>} : memref<192x128xf32, #tpu.memory_space<vmem>>, vector<16xf32>,
        %parallel_loop3A_695 = arith.index_cast %parallel_loop3A_668 : i32 to index
        %parallel_loop3A_696 = arith.constant 48 : index
        %parallel_loop3A_697 = tpu.vector_load %arg10[%parallel_loop3A_695, %parallel_loop3A_696] {strides = array<i32>} : memref<192x128xf32, #tpu.memory_space<vmem>>, vector<16xf32>,
        %parallel_loop3A_698 = arith.mulf %parallel_loop3A_694, %parallel_loop3A_697 : vector<16xf32>
        %parallel_loop3A_699 = arith.addf %parallel_loop3A_691, %parallel_loop3A_698 : vector<16xf32>
        %parallel_loop3A_700 = arith.index_cast %parallel_loop3A_668 : i32 to index
        %parallel_loop3A_701 = arith.constant 64 : index
        %parallel_loop3A_702 = tpu.vector_load %arg9[%parallel_loop3A_700, %parallel_loop3A_701] {strides = array<i32>} : memref<192x128xf32, #tpu.memory_space<vmem>>, vector<16xf32>,
        %parallel_loop3A_703 = arith.index_cast %parallel_loop3A_668 : i32 to index
        %parallel_loop3A_704 = arith.constant 64 : index
        %parallel_loop3A_705 = tpu.vector_load %arg10[%parallel_loop3A_703, %parallel_loop3A_704] {strides = array<i32>} : memref<192x128xf32, #tpu.memory_space<vmem>>, vector<16xf32>,
        %parallel_loop3A_706 = arith.mulf %parallel_loop3A_702, %parallel_loop3A_705 : vector<16xf32>
        %parallel_loop3A_707 = arith.addf %parallel_loop3A_699, %parallel_loop3A_706 : vector<16xf32>
        %parallel_loop3A_708 = arith.index_cast %parallel_loop3A_668 : i32 to index
        %parallel_loop3A_709 = arith.constant 80 : index
        %parallel_loop3A_710 = tpu.vector_load %arg9[%parallel_loop3A_708, %parallel_loop3A_709] {strides = array<i32>} : memref<192x128xf32, #tpu.memory_space<vmem>>, vector<16xf32>,
        %parallel_loop3A_711 = arith.index_cast %parallel_loop3A_668 : i32 to index
        %parallel_loop3A_712 = arith.constant 80 : index
        %parallel_loop3A_713 = tpu.vector_load %arg10[%parallel_loop3A_711, %parallel_loop3A_712] {strides = array<i32>} : memref<192x128xf32, #tpu.memory_space<vmem>>, vector<16xf32>,
        %parallel_loop3A_714 = arith.mulf %parallel_loop3A_710, %parallel_loop3A_713 : vector<16xf32>
        %parallel_loop3A_715 = arith.addf %parallel_loop3A_707, %parallel_loop3A_714 : vector<16xf32>
        %parallel_loop3A_716 = arith.index_cast %parallel_loop3A_668 : i32 to index
        %parallel_loop3A_717 = arith.constant 96 : index
        %parallel_loop3A_718 = tpu.vector_load %arg9[%parallel_loop3A_716, %parallel_loop3A_717] {strides = array<i32>} : memref<192x128xf32, #tpu.memory_space<vmem>>, vector<16xf32>,
        %parallel_loop3A_719 = arith.index_cast %parallel_loop3A_668 : i32 to index
        %parallel_loop3A_720 = arith.constant 96 : index
        %parallel_loop3A_721 = tpu.vector_load %arg10[%parallel_loop3A_719, %parallel_loop3A_720] {strides = array<i32>} : memref<192x128xf32, #tpu.memory_space<vmem>>, vector<16xf32>,
        %parallel_loop3A_722 = arith.mulf %parallel_loop3A_718, %parallel_loop3A_721 : vector<16xf32>
        %parallel_loop3A_723 = arith.addf %parallel_loop3A_715, %parallel_loop3A_722 : vector<16xf32>
        %parallel_loop3A_724 = arith.index_cast %parallel_loop3A_668 : i32 to index
        %parallel_loop3A_725 = arith.constant 112 : index
        %parallel_loop3A_726 = tpu.vector_load %arg9[%parallel_loop3A_724, %parallel_loop3A_725] {strides = array<i32>} : memref<192x128xf32, #tpu.memory_space<vmem>>, vector<16xf32>,
        %parallel_loop3A_727 = arith.index_cast %parallel_loop3A_668 : i32 to index
        %parallel_loop3A_728 = arith.constant 112 : index
        %parallel_loop3A_729 = tpu.vector_load %arg10[%parallel_loop3A_727, %parallel_loop3A_728] {strides = array<i32>} : memref<192x128xf32, #tpu.memory_space<vmem>>, vector<16xf32>,
        %parallel_loop3A_730 = arith.mulf %parallel_loop3A_726, %parallel_loop3A_729 : vector<16xf32>
        %parallel_loop3A_731 = arith.addf %parallel_loop3A_723, %parallel_loop3A_730 : vector<16xf32>
        %parallel_loop3A_732 = arith.constant 6 : i32
        %parallel_loop3A_733 = arith.index_cast %parallel_loop3A_223 : i32 to index
        %parallel_loop3A_734 = arith.index_cast %parallel_loop3A_732 : i32 to index
        %parallel_loop3A_735 = arith.constant 0 : index
        %parallel_loop3A_736 = tpu.vector_load %arg12[%parallel_loop3A_733, %parallel_loop3A_734, %parallel_loop3A_735] {strides = array<i32>} : memref<4x16x17xf32, #tpu.memory_space<vmem>>, vector<16xf32>,
        tpu.vector_store %arg12[%parallel_loop3A_733, %parallel_loop3A_734, %parallel_loop3A_735], %parallel_loop3A_731 {strides = array<i32>} : memref<4x16x17xf32, #tpu.memory_space<vmem>>, vector<16xf32>,
        %parallel_loop3A_737 = arith.constant 16 : i32
        %parallel_loop3A_738 = arith.muli %parallel_loop3A_223, %parallel_loop3A_737 : i32
        %parallel_loop3A_739 = arith.addi %mul3A_210, %parallel_loop3A_738 : i32
        %parallel_loop3A_740 = arith.constant 7 : i32
        %parallel_loop3A_741 = arith.addi %parallel_loop3A_739, %parallel_loop3A_740 : i32
        %parallel_loop3A_742 = arith.index_cast %parallel_loop3A_741 : i32 to index
        %parallel_loop3A_743 = arith.constant 0 : index
        %parallel_loop3A_744 = tpu.vector_load %arg9[%parallel_loop3A_742, %parallel_loop3A_743] {strides = array<i32>} : memref<192x128xf32, #tpu.memory_space<vmem>>, vector<16xf32>,
        %parallel_loop3A_745 = arith.index_cast %parallel_loop3A_741 : i32 to index
        %parallel_loop3A_746 = arith.constant 0 : index
        %parallel_loop3A_747 = tpu.vector_load %arg10[%parallel_loop3A_745, %parallel_loop3A_746] {strides = array<i32>} : memref<192x128xf32, #tpu.memory_space<vmem>>, vector<16xf32>,
        %parallel_loop3A_748 = arith.mulf %parallel_loop3A_744, %parallel_loop3A_747 : vector<16xf32>
        %parallel_loop3A_749 = arith.index_cast %parallel_loop3A_741 : i32 to index
        %parallel_loop3A_750 = arith.constant 16 : index
        %parallel_loop3A_751 = tpu.vector_load %arg9[%parallel_loop3A_749, %parallel_loop3A_750] {strides = array<i32>} : memref<192x128xf32, #tpu.memory_space<vmem>>, vector<16xf32>,
        %parallel_loop3A_752 = arith.index_cast %parallel_loop3A_741 : i32 to index
        %parallel_loop3A_753 = arith.constant 16 : index
        %parallel_loop3A_754 = tpu.vector_load %arg10[%parallel_loop3A_752, %parallel_loop3A_753] {strides = array<i32>} : memref<192x128xf32, #tpu.memory_space<vmem>>, vector<16xf32>,
        %parallel_loop3A_755 = arith.mulf %parallel_loop3A_751, %parallel_loop3A_754 : vector<16xf32>
        %parallel_loop3A_756 = arith.addf %parallel_loop3A_748, %parallel_loop3A_755 : vector<16xf32>
        %parallel_loop3A_757 = arith.index_cast %parallel_loop3A_741 : i32 to index
        %parallel_loop3A_758 = arith.constant 32 : index
        %parallel_loop3A_759 = tpu.vector_load %arg9[%parallel_loop3A_757, %parallel_loop3A_758] {strides = array<i32>} : memref<192x128xf32, #tpu.memory_space<vmem>>, vector<16xf32>,
        %parallel_loop3A_760 = arith.index_cast %parallel_loop3A_741 : i32 to index
        %parallel_loop3A_761 = arith.constant 32 : index
        %parallel_loop3A_762 = tpu.vector_load %arg10[%parallel_loop3A_760, %parallel_loop3A_761] {strides = array<i32>} : memref<192x128xf32, #tpu.memory_space<vmem>>, vector<16xf32>,
        %parallel_loop3A_763 = arith.mulf %parallel_loop3A_759, %parallel_loop3A_762 : vector<16xf32>
        %parallel_loop3A_764 = arith.addf %parallel_loop3A_756, %parallel_loop3A_763 : vector<16xf32>
        %parallel_loop3A_765 = arith.index_cast %parallel_loop3A_741 : i32 to index
        %parallel_loop3A_766 = arith.constant 48 : index
        %parallel_loop3A_767 = tpu.vector_load %arg9[%parallel_loop3A_765, %parallel_loop3A_766] {strides = array<i32>} : memref<192x128xf32, #tpu.memory_space<vmem>>, vector<16xf32>,
        %parallel_loop3A_768 = arith.index_cast %parallel_loop3A_741 : i32 to index
        %parallel_loop3A_769 = arith.constant 48 : index
        %parallel_loop3A_770 = tpu.vector_load %arg10[%parallel_loop3A_768, %parallel_loop3A_769] {strides = array<i32>} : memref<192x128xf32, #tpu.memory_space<vmem>>, vector<16xf32>,
        %parallel_loop3A_771 = arith.mulf %parallel_loop3A_767, %parallel_loop3A_770 : vector<16xf32>
        %parallel_loop3A_772 = arith.addf %parallel_loop3A_764, %parallel_loop3A_771 : vector<16xf32>
        %parallel_loop3A_773 = arith.index_cast %parallel_loop3A_741 : i32 to index
        %parallel_loop3A_774 = arith.constant 64 : index
        %parallel_loop3A_775 = tpu.vector_load %arg9[%parallel_loop3A_773, %parallel_loop3A_774] {strides = array<i32>} : memref<192x128xf32, #tpu.memory_space<vmem>>, vector<16xf32>,
        %parallel_loop3A_776 = arith.index_cast %parallel_loop3A_741 : i32 to index
        %parallel_loop3A_777 = arith.constant 64 : index
        %parallel_loop3A_778 = tpu.vector_load %arg10[%parallel_loop3A_776, %parallel_loop3A_777] {strides = array<i32>} : memref<192x128xf32, #tpu.memory_space<vmem>>, vector<16xf32>,
        %parallel_loop3A_779 = arith.mulf %parallel_loop3A_775, %parallel_loop3A_778 : vector<16xf32>
        %parallel_loop3A_780 = arith.addf %parallel_loop3A_772, %parallel_loop3A_779 : vector<16xf32>
        %parallel_loop3A_781 = arith.index_cast %parallel_loop3A_741 : i32 to index
        %parallel_loop3A_782 = arith.constant 80 : index
        %parallel_loop3A_783 = tpu.vector_load %arg9[%parallel_loop3A_781, %parallel_loop3A_782] {strides = array<i32>} : memref<192x128xf32, #tpu.memory_space<vmem>>, vector<16xf32>,
        %parallel_loop3A_784 = arith.index_cast %parallel_loop3A_741 : i32 to index
        %parallel_loop3A_785 = arith.constant 80 : index
        %parallel_loop3A_786 = tpu.vector_load %arg10[%parallel_loop3A_784, %parallel_loop3A_785] {strides = array<i32>} : memref<192x128xf32, #tpu.memory_space<vmem>>, vector<16xf32>,
        %parallel_loop3A_787 = arith.mulf %parallel_loop3A_783, %parallel_loop3A_786 : vector<16xf32>
        %parallel_loop3A_788 = arith.addf %parallel_loop3A_780, %parallel_loop3A_787 : vector<16xf32>
        %parallel_loop3A_789 = arith.index_cast %parallel_loop3A_741 : i32 to index
        %parallel_loop3A_790 = arith.constant 96 : index
        %parallel_loop3A_791 = tpu.vector_load %arg9[%parallel_loop3A_789, %parallel_loop3A_790] {strides = array<i32>} : memref<192x128xf32, #tpu.memory_space<vmem>>, vector<16xf32>,
        %parallel_loop3A_792 = arith.index_cast %parallel_loop3A_741 : i32 to index
        %parallel_loop3A_793 = arith.constant 96 : index
        %parallel_loop3A_794 = tpu.vector_load %arg10[%parallel_loop3A_792, %parallel_loop3A_793] {strides = array<i32>} : memref<192x128xf32, #tpu.memory_space<vmem>>, vector<16xf32>,
        %parallel_loop3A_795 = arith.mulf %parallel_loop3A_791, %parallel_loop3A_794 : vector<16xf32>
        %parallel_loop3A_796 = arith.addf %parallel_loop3A_788, %parallel_loop3A_795 : vector<16xf32>
        %parallel_loop3A_797 = arith.index_cast %parallel_loop3A_741 : i32 to index
        %parallel_loop3A_798 = arith.constant 112 : index
        %parallel_loop3A_799 = tpu.vector_load %arg9[%parallel_loop3A_797, %parallel_loop3A_798] {strides = array<i32>} : memref<192x128xf32, #tpu.memory_space<vmem>>, vector<16xf32>,
        %parallel_loop3A_800 = arith.index_cast %parallel_loop3A_741 : i32 to index
        %parallel_loop3A_801 = arith.constant 112 : index
        %parallel_loop3A_802 = tpu.vector_load %arg10[%parallel_loop3A_800, %parallel_loop3A_801] {strides = array<i32>} : memref<192x128xf32, #tpu.memory_space<vmem>>, vector<16xf32>,
        %parallel_loop3A_803 = arith.mulf %parallel_loop3A_799, %parallel_loop3A_802 : vector<16xf32>
        %parallel_loop3A_804 = arith.addf %parallel_loop3A_796, %parallel_loop3A_803 : vector<16xf32>
        %parallel_loop3A_805 = arith.constant 7 : i32
        %parallel_loop3A_806 = arith.index_cast %parallel_loop3A_223 : i32 to index
        %parallel_loop3A_807 = arith.index_cast %parallel_loop3A_805 : i32 to index
        %parallel_loop3A_808 = arith.constant 0 : index
        %parallel_loop3A_809 = tpu.vector_load %arg12[%parallel_loop3A_806, %parallel_loop3A_807, %parallel_loop3A_808] {strides = array<i32>} : memref<4x16x17xf32, #tpu.memory_space<vmem>>, vector<16xf32>,
        tpu.vector_store %arg12[%parallel_loop3A_806, %parallel_loop3A_807, %parallel_loop3A_808], %parallel_loop3A_804 {strides = array<i32>} : memref<4x16x17xf32, #tpu.memory_space<vmem>>, vector<16xf32>,
        %parallel_loop3A_810 = arith.constant 16 : i32
        %parallel_loop3A_811 = arith.muli %parallel_loop3A_223, %parallel_loop3A_810 : i32
        %parallel_loop3A_812 = arith.addi %mul3A_210, %parallel_loop3A_811 : i32
        %parallel_loop3A_813 = arith.constant 8 : i32
        %parallel_loop3A_814 = arith.addi %parallel_loop3A_812, %parallel_loop3A_813 : i32
        %parallel_loop3A_815 = arith.index_cast %parallel_loop3A_814 : i32 to index
        %parallel_loop3A_816 = arith.constant 0 : index
        %parallel_loop3A_817 = tpu.vector_load %arg9[%parallel_loop3A_815, %parallel_loop3A_816] {strides = array<i32>} : memref<192x128xf32, #tpu.memory_space<vmem>>, vector<16xf32>,
        %parallel_loop3A_818 = arith.index_cast %parallel_loop3A_814 : i32 to index
        %parallel_loop3A_819 = arith.constant 0 : index
        %parallel_loop3A_820 = tpu.vector_load %arg10[%parallel_loop3A_818, %parallel_loop3A_819] {strides = array<i32>} : memref<192x128xf32, #tpu.memory_space<vmem>>, vector<16xf32>,
        %parallel_loop3A_821 = arith.mulf %parallel_loop3A_817, %parallel_loop3A_820 : vector<16xf32>
        %parallel_loop3A_822 = arith.index_cast %parallel_loop3A_814 : i32 to index
        %parallel_loop3A_823 = arith.constant 16 : index
        %parallel_loop3A_824 = tpu.vector_load %arg9[%parallel_loop3A_822, %parallel_loop3A_823] {strides = array<i32>} : memref<192x128xf32, #tpu.memory_space<vmem>>, vector<16xf32>,
        %parallel_loop3A_825 = arith.index_cast %parallel_loop3A_814 : i32 to index
        %parallel_loop3A_826 = arith.constant 16 : index
        %parallel_loop3A_827 = tpu.vector_load %arg10[%parallel_loop3A_825, %parallel_loop3A_826] {strides = array<i32>} : memref<192x128xf32, #tpu.memory_space<vmem>>, vector<16xf32>,
        %parallel_loop3A_828 = arith.mulf %parallel_loop3A_824, %parallel_loop3A_827 : vector<16xf32>
        %parallel_loop3A_829 = arith.addf %parallel_loop3A_821, %parallel_loop3A_828 : vector<16xf32>
        %parallel_loop3A_830 = arith.index_cast %parallel_loop3A_814 : i32 to index
        %parallel_loop3A_831 = arith.constant 32 : index
        %parallel_loop3A_832 = tpu.vector_load %arg9[%parallel_loop3A_830, %parallel_loop3A_831] {strides = array<i32>} : memref<192x128xf32, #tpu.memory_space<vmem>>, vector<16xf32>,
        %parallel_loop3A_833 = arith.index_cast %parallel_loop3A_814 : i32 to index
        %parallel_loop3A_834 = arith.constant 32 : index
        %parallel_loop3A_835 = tpu.vector_load %arg10[%parallel_loop3A_833, %parallel_loop3A_834] {strides = array<i32>} : memref<192x128xf32, #tpu.memory_space<vmem>>, vector<16xf32>,
        %parallel_loop3A_836 = arith.mulf %parallel_loop3A_832, %parallel_loop3A_835 : vector<16xf32>
        %parallel_loop3A_837 = arith.addf %parallel_loop3A_829, %parallel_loop3A_836 : vector<16xf32>
        %parallel_loop3A_838 = arith.index_cast %parallel_loop3A_814 : i32 to index
        %parallel_loop3A_839 = arith.constant 48 : index
        %parallel_loop3A_840 = tpu.vector_load %arg9[%parallel_loop3A_838, %parallel_loop3A_839] {strides = array<i32>} : memref<192x128xf32, #tpu.memory_space<vmem>>, vector<16xf32>,
        %parallel_loop3A_841 = arith.index_cast %parallel_loop3A_814 : i32 to index
        %parallel_loop3A_842 = arith.constant 48 : index
        %parallel_loop3A_843 = tpu.vector_load %arg10[%parallel_loop3A_841, %parallel_loop3A_842] {strides = array<i32>} : memref<192x128xf32, #tpu.memory_space<vmem>>, vector<16xf32>,
        %parallel_loop3A_844 = arith.mulf %parallel_loop3A_840, %parallel_loop3A_843 : vector<16xf32>
        %parallel_loop3A_845 = arith.addf %parallel_loop3A_837, %parallel_loop3A_844 : vector<16xf32>
        %parallel_loop3A_846 = arith.index_cast %parallel_loop3A_814 : i32 to index
        %parallel_loop3A_847 = arith.constant 64 : index
        %parallel_loop3A_848 = tpu.vector_load %arg9[%parallel_loop3A_846, %parallel_loop3A_847] {strides = array<i32>} : memref<192x128xf32, #tpu.memory_space<vmem>>, vector<16xf32>,
        %parallel_loop3A_849 = arith.index_cast %parallel_loop3A_814 : i32 to index
        %parallel_loop3A_850 = arith.constant 64 : index
        %parallel_loop3A_851 = tpu.vector_load %arg10[%parallel_loop3A_849, %parallel_loop3A_850] {strides = array<i32>} : memref<192x128xf32, #tpu.memory_space<vmem>>, vector<16xf32>,
        %parallel_loop3A_852 = arith.mulf %parallel_loop3A_848, %parallel_loop3A_851 : vector<16xf32>
        %parallel_loop3A_853 = arith.addf %parallel_loop3A_845, %parallel_loop3A_852 : vector<16xf32>
        %parallel_loop3A_854 = arith.index_cast %parallel_loop3A_814 : i32 to index
        %parallel_loop3A_855 = arith.constant 80 : index
        %parallel_loop3A_856 = tpu.vector_load %arg9[%parallel_loop3A_854, %parallel_loop3A_855] {strides = array<i32>} : memref<192x128xf32, #tpu.memory_space<vmem>>, vector<16xf32>,
        %parallel_loop3A_857 = arith.index_cast %parallel_loop3A_814 : i32 to index
        %parallel_loop3A_858 = arith.constant 80 : index
        %parallel_loop3A_859 = tpu.vector_load %arg10[%parallel_loop3A_857, %parallel_loop3A_858] {strides = array<i32>} : memref<192x128xf32, #tpu.memory_space<vmem>>, vector<16xf32>,
        %parallel_loop3A_860 = arith.mulf %parallel_loop3A_856, %parallel_loop3A_859 : vector<16xf32>
        %parallel_loop3A_861 = arith.addf %parallel_loop3A_853, %parallel_loop3A_860 : vector<16xf32>
        %parallel_loop3A_862 = arith.index_cast %parallel_loop3A_814 : i32 to index
        %parallel_loop3A_863 = arith.constant 96 : index
        %parallel_loop3A_864 = tpu.vector_load %arg9[%parallel_loop3A_862, %parallel_loop3A_863] {strides = array<i32>} : memref<192x128xf32, #tpu.memory_space<vmem>>, vector<16xf32>,
        %parallel_loop3A_865 = arith.index_cast %parallel_loop3A_814 : i32 to index
        %parallel_loop3A_866 = arith.constant 96 : index
        %parallel_loop3A_867 = tpu.vector_load %arg10[%parallel_loop3A_865, %parallel_loop3A_866] {strides = array<i32>} : memref<192x128xf32, #tpu.memory_space<vmem>>, vector<16xf32>,
        %parallel_loop3A_868 = arith.mulf %parallel_loop3A_864, %parallel_loop3A_867 : vector<16xf32>
        %parallel_loop3A_869 = arith.addf %parallel_loop3A_861, %parallel_loop3A_868 : vector<16xf32>
        %parallel_loop3A_870 = arith.index_cast %parallel_loop3A_814 : i32 to index
        %parallel_loop3A_871 = arith.constant 112 : index
        %parallel_loop3A_872 = tpu.vector_load %arg9[%parallel_loop3A_870, %parallel_loop3A_871] {strides = array<i32>} : memref<192x128xf32, #tpu.memory_space<vmem>>, vector<16xf32>,
        %parallel_loop3A_873 = arith.index_cast %parallel_loop3A_814 : i32 to index
        %parallel_loop3A_874 = arith.constant 112 : index
        %parallel_loop3A_875 = tpu.vector_load %arg10[%parallel_loop3A_873, %parallel_loop3A_874] {strides = array<i32>} : memref<192x128xf32, #tpu.memory_space<vmem>>, vector<16xf32>,
        %parallel_loop3A_876 = arith.mulf %parallel_loop3A_872, %parallel_loop3A_875 : vector<16xf32>
        %parallel_loop3A_877 = arith.addf %parallel_loop3A_869, %parallel_loop3A_876 : vector<16xf32>
        %parallel_loop3A_878 = arith.constant 8 : i32
        %parallel_loop3A_879 = arith.index_cast %parallel_loop3A_223 : i32 to index
        %parallel_loop3A_880 = arith.index_cast %parallel_loop3A_878 : i32 to index
        %parallel_loop3A_881 = arith.constant 0 : index
        %parallel_loop3A_882 = tpu.vector_load %arg12[%parallel_loop3A_879, %parallel_loop3A_880, %parallel_loop3A_881] {strides = array<i32>} : memref<4x16x17xf32, #tpu.memory_space<vmem>>, vector<16xf32>,
        tpu.vector_store %arg12[%parallel_loop3A_879, %parallel_loop3A_880, %parallel_loop3A_881], %parallel_loop3A_877 {strides = array<i32>} : memref<4x16x17xf32, #tpu.memory_space<vmem>>, vector<16xf32>,
        %parallel_loop3A_883 = arith.constant 16 : i32
        %parallel_loop3A_884 = arith.muli %parallel_loop3A_223, %parallel_loop3A_883 : i32
        %parallel_loop3A_885 = arith.addi %mul3A_210, %parallel_loop3A_884 : i32
        %parallel_loop3A_886 = arith.constant 9 : i32
        %parallel_loop3A_887 = arith.addi %parallel_loop3A_885, %parallel_loop3A_886 : i32
        %parallel_loop3A_888 = arith.index_cast %parallel_loop3A_887 : i32 to index
        %parallel_loop3A_889 = arith.constant 0 : index
        %parallel_loop3A_890 = tpu.vector_load %arg9[%parallel_loop3A_888, %parallel_loop3A_889] {strides = array<i32>} : memref<192x128xf32, #tpu.memory_space<vmem>>, vector<16xf32>,
        %parallel_loop3A_891 = arith.index_cast %parallel_loop3A_887 : i32 to index
        %parallel_loop3A_892 = arith.constant 0 : index
        %parallel_loop3A_893 = tpu.vector_load %arg10[%parallel_loop3A_891, %parallel_loop3A_892] {strides = array<i32>} : memref<192x128xf32, #tpu.memory_space<vmem>>, vector<16xf32>,
        %parallel_loop3A_894 = arith.mulf %parallel_loop3A_890, %parallel_loop3A_893 : vector<16xf32>
        %parallel_loop3A_895 = arith.index_cast %parallel_loop3A_887 : i32 to index
        %parallel_loop3A_896 = arith.constant 16 : index
        %parallel_loop3A_897 = tpu.vector_load %arg9[%parallel_loop3A_895, %parallel_loop3A_896] {strides = array<i32>} : memref<192x128xf32, #tpu.memory_space<vmem>>, vector<16xf32>,
        %parallel_loop3A_898 = arith.index_cast %parallel_loop3A_887 : i32 to index
        %parallel_loop3A_899 = arith.constant 16 : index
        %parallel_loop3A_900 = tpu.vector_load %arg10[%parallel_loop3A_898, %parallel_loop3A_899] {strides = array<i32>} : memref<192x128xf32, #tpu.memory_space<vmem>>, vector<16xf32>,
        %parallel_loop3A_901 = arith.mulf %parallel_loop3A_897, %parallel_loop3A_900 : vector<16xf32>
        %parallel_loop3A_902 = arith.addf %parallel_loop3A_894, %parallel_loop3A_901 : vector<16xf32>
        %parallel_loop3A_903 = arith.index_cast %parallel_loop3A_887 : i32 to index
        %parallel_loop3A_904 = arith.constant 32 : index
        %parallel_loop3A_905 = tpu.vector_load %arg9[%parallel_loop3A_903, %parallel_loop3A_904] {strides = array<i32>} : memref<192x128xf32, #tpu.memory_space<vmem>>, vector<16xf32>,
        %parallel_loop3A_906 = arith.index_cast %parallel_loop3A_887 : i32 to index
        %parallel_loop3A_907 = arith.constant 32 : index
        %parallel_loop3A_908 = tpu.vector_load %arg10[%parallel_loop3A_906, %parallel_loop3A_907] {strides = array<i32>} : memref<192x128xf32, #tpu.memory_space<vmem>>, vector<16xf32>,
        %parallel_loop3A_909 = arith.mulf %parallel_loop3A_905, %parallel_loop3A_908 : vector<16xf32>
        %parallel_loop3A_910 = arith.addf %parallel_loop3A_902, %parallel_loop3A_909 : vector<16xf32>
        %parallel_loop3A_911 = arith.index_cast %parallel_loop3A_887 : i32 to index
        %parallel_loop3A_912 = arith.constant 48 : index
        %parallel_loop3A_913 = tpu.vector_load %arg9[%parallel_loop3A_911, %parallel_loop3A_912] {strides = array<i32>} : memref<192x128xf32, #tpu.memory_space<vmem>>, vector<16xf32>,
        %parallel_loop3A_914 = arith.index_cast %parallel_loop3A_887 : i32 to index
        %parallel_loop3A_915 = arith.constant 48 : index
        %parallel_loop3A_916 = tpu.vector_load %arg10[%parallel_loop3A_914, %parallel_loop3A_915] {strides = array<i32>} : memref<192x128xf32, #tpu.memory_space<vmem>>, vector<16xf32>,
        %parallel_loop3A_917 = arith.mulf %parallel_loop3A_913, %parallel_loop3A_916 : vector<16xf32>
        %parallel_loop3A_918 = arith.addf %parallel_loop3A_910, %parallel_loop3A_917 : vector<16xf32>
        %parallel_loop3A_919 = arith.index_cast %parallel_loop3A_887 : i32 to index
        %parallel_loop3A_920 = arith.constant 64 : index
        %parallel_loop3A_921 = tpu.vector_load %arg9[%parallel_loop3A_919, %parallel_loop3A_920] {strides = array<i32>} : memref<192x128xf32, #tpu.memory_space<vmem>>, vector<16xf32>,
        %parallel_loop3A_922 = arith.index_cast %parallel_loop3A_887 : i32 to index
        %parallel_loop3A_923 = arith.constant 64 : index
        %parallel_loop3A_924 = tpu.vector_load %arg10[%parallel_loop3A_922, %parallel_loop3A_923] {strides = array<i32>} : memref<192x128xf32, #tpu.memory_space<vmem>>, vector<16xf32>,
        %parallel_loop3A_925 = arith.mulf %parallel_loop3A_921, %parallel_loop3A_924 : vector<16xf32>
        %parallel_loop3A_926 = arith.addf %parallel_loop3A_918, %parallel_loop3A_925 : vector<16xf32>
        %parallel_loop3A_927 = arith.index_cast %parallel_loop3A_887 : i32 to index
        %parallel_loop3A_928 = arith.constant 80 : index
        %parallel_loop3A_929 = tpu.vector_load %arg9[%parallel_loop3A_927, %parallel_loop3A_928] {strides = array<i32>} : memref<192x128xf32, #tpu.memory_space<vmem>>, vector<16xf32>,
        %parallel_loop3A_930 = arith.index_cast %parallel_loop3A_887 : i32 to index
        %parallel_loop3A_931 = arith.constant 80 : index
        %parallel_loop3A_932 = tpu.vector_load %arg10[%parallel_loop3A_930, %parallel_loop3A_931] {strides = array<i32>} : memref<192x128xf32, #tpu.memory_space<vmem>>, vector<16xf32>,
        %parallel_loop3A_933 = arith.mulf %parallel_loop3A_929, %parallel_loop3A_932 : vector<16xf32>
        %parallel_loop3A_934 = arith.addf %parallel_loop3A_926, %parallel_loop3A_933 : vector<16xf32>
        %parallel_loop3A_935 = arith.index_cast %parallel_loop3A_887 : i32 to index
        %parallel_loop3A_936 = arith.constant 96 : index
        %parallel_loop3A_937 = tpu.vector_load %arg9[%parallel_loop3A_935, %parallel_loop3A_936] {strides = array<i32>} : memref<192x128xf32, #tpu.memory_space<vmem>>, vector<16xf32>,
        %parallel_loop3A_938 = arith.index_cast %parallel_loop3A_887 : i32 to index
        %parallel_loop3A_939 = arith.constant 96 : index
        %parallel_loop3A_940 = tpu.vector_load %arg10[%parallel_loop3A_938, %parallel_loop3A_939] {strides = array<i32>} : memref<192x128xf32, #tpu.memory_space<vmem>>, vector<16xf32>,
        %parallel_loop3A_941 = arith.mulf %parallel_loop3A_937, %parallel_loop3A_940 : vector<16xf32>
        %parallel_loop3A_942 = arith.addf %parallel_loop3A_934, %parallel_loop3A_941 : vector<16xf32>
        %parallel_loop3A_943 = arith.index_cast %parallel_loop3A_887 : i32 to index
        %parallel_loop3A_944 = arith.constant 112 : index
        %parallel_loop3A_945 = tpu.vector_load %arg9[%parallel_loop3A_943, %parallel_loop3A_944] {strides = array<i32>} : memref<192x128xf32, #tpu.memory_space<vmem>>, vector<16xf32>,
        %parallel_loop3A_946 = arith.index_cast %parallel_loop3A_887 : i32 to index
        %parallel_loop3A_947 = arith.constant 112 : index
        %parallel_loop3A_948 = tpu.vector_load %arg10[%parallel_loop3A_946, %parallel_loop3A_947] {strides = array<i32>} : memref<192x128xf32, #tpu.memory_space<vmem>>, vector<16xf32>,
        %parallel_loop3A_949 = arith.mulf %parallel_loop3A_945, %parallel_loop3A_948 : vector<16xf32>
        %parallel_loop3A_950 = arith.addf %parallel_loop3A_942, %parallel_loop3A_949 : vector<16xf32>
        %parallel_loop3A_951 = arith.constant 9 : i32
        %parallel_loop3A_952 = arith.index_cast %parallel_loop3A_223 : i32 to index
        %parallel_loop3A_953 = arith.index_cast %parallel_loop3A_951 : i32 to index
        %parallel_loop3A_954 = arith.constant 0 : index
        %parallel_loop3A_955 = tpu.vector_load %arg12[%parallel_loop3A_952, %parallel_loop3A_953, %parallel_loop3A_954] {strides = array<i32>} : memref<4x16x17xf32, #tpu.memory_space<vmem>>, vector<16xf32>,
        tpu.vector_store %arg12[%parallel_loop3A_952, %parallel_loop3A_953, %parallel_loop3A_954], %parallel_loop3A_950 {strides = array<i32>} : memref<4x16x17xf32, #tpu.memory_space<vmem>>, vector<16xf32>,
        %parallel_loop3A_956 = arith.constant 16 : i32
        %parallel_loop3A_957 = arith.muli %parallel_loop3A_223, %parallel_loop3A_956 : i32
        %parallel_loop3A_958 = arith.addi %mul3A_210, %parallel_loop3A_957 : i32
        %parallel_loop3A_959 = arith.constant 10 : i32
        %parallel_loop3A_960 = arith.addi %parallel_loop3A_958, %parallel_loop3A_959 : i32
        %parallel_loop3A_961 = arith.index_cast %parallel_loop3A_960 : i32 to index
        %parallel_loop3A_962 = arith.constant 0 : index
        %parallel_loop3A_963 = tpu.vector_load %arg9[%parallel_loop3A_961, %parallel_loop3A_962] {strides = array<i32>} : memref<192x128xf32, #tpu.memory_space<vmem>>, vector<16xf32>,
        %parallel_loop3A_964 = arith.index_cast %parallel_loop3A_960 : i32 to index
        %parallel_loop3A_965 = arith.constant 0 : index
        %parallel_loop3A_966 = tpu.vector_load %arg10[%parallel_loop3A_964, %parallel_loop3A_965] {strides = array<i32>} : memref<192x128xf32, #tpu.memory_space<vmem>>, vector<16xf32>,
        %parallel_loop3A_967 = arith.mulf %parallel_loop3A_963, %parallel_loop3A_966 : vector<16xf32>
        %parallel_loop3A_968 = arith.index_cast %parallel_loop3A_960 : i32 to index
        %parallel_loop3A_969 = arith.constant 16 : index
        %parallel_loop3A_970 = tpu.vector_load %arg9[%parallel_loop3A_968, %parallel_loop3A_969] {strides = array<i32>} : memref<192x128xf32, #tpu.memory_space<vmem>>, vector<16xf32>,
        %parallel_loop3A_971 = arith.index_cast %parallel_loop3A_960 : i32 to index
        %parallel_loop3A_972 = arith.constant 16 : index
        %parallel_loop3A_973 = tpu.vector_load %arg10[%parallel_loop3A_971, %parallel_loop3A_972] {strides = array<i32>} : memref<192x128xf32, #tpu.memory_space<vmem>>, vector<16xf32>,
        %parallel_loop3A_974 = arith.mulf %parallel_loop3A_970, %parallel_loop3A_973 : vector<16xf32>
        %parallel_loop3A_975 = arith.addf %parallel_loop3A_967, %parallel_loop3A_974 : vector<16xf32>
        %parallel_loop3A_976 = arith.index_cast %parallel_loop3A_960 : i32 to index
        %parallel_loop3A_977 = arith.constant 32 : index
        %parallel_loop3A_978 = tpu.vector_load %arg9[%parallel_loop3A_976, %parallel_loop3A_977] {strides = array<i32>} : memref<192x128xf32, #tpu.memory_space<vmem>>, vector<16xf32>,
        %parallel_loop3A_979 = arith.index_cast %parallel_loop3A_960 : i32 to index
        %parallel_loop3A_980 = arith.constant 32 : index
        %parallel_loop3A_981 = tpu.vector_load %arg10[%parallel_loop3A_979, %parallel_loop3A_980] {strides = array<i32>} : memref<192x128xf32, #tpu.memory_space<vmem>>, vector<16xf32>,
        %parallel_loop3A_982 = arith.mulf %parallel_loop3A_978, %parallel_loop3A_981 : vector<16xf32>
        %parallel_loop3A_983 = arith.addf %parallel_loop3A_975, %parallel_loop3A_982 : vector<16xf32>
        %parallel_loop3A_984 = arith.index_cast %parallel_loop3A_960 : i32 to index
        %parallel_loop3A_985 = arith.constant 48 : index
        %parallel_loop3A_986 = tpu.vector_load %arg9[%parallel_loop3A_984, %parallel_loop3A_985] {strides = array<i32>} : memref<192x128xf32, #tpu.memory_space<vmem>>, vector<16xf32>,
        %parallel_loop3A_987 = arith.index_cast %parallel_loop3A_960 : i32 to index
        %parallel_loop3A_988 = arith.constant 48 : index
        %parallel_loop3A_989 = tpu.vector_load %arg10[%parallel_loop3A_987, %parallel_loop3A_988] {strides = array<i32>} : memref<192x128xf32, #tpu.memory_space<vmem>>, vector<16xf32>,
        %parallel_loop3A_990 = arith.mulf %parallel_loop3A_986, %parallel_loop3A_989 : vector<16xf32>
        %parallel_loop3A_991 = arith.addf %parallel_loop3A_983, %parallel_loop3A_990 : vector<16xf32>
        %parallel_loop3A_992 = arith.index_cast %parallel_loop3A_960 : i32 to index
        %parallel_loop3A_993 = arith.constant 64 : index
        %parallel_loop3A_994 = tpu.vector_load %arg9[%parallel_loop3A_992, %parallel_loop3A_993] {strides = array<i32>} : memref<192x128xf32, #tpu.memory_space<vmem>>, vector<16xf32>,
        %parallel_loop3A_995 = arith.index_cast %parallel_loop3A_960 : i32 to index
        %parallel_loop3A_996 = arith.constant 64 : index
        %parallel_loop3A_997 = tpu.vector_load %arg10[%parallel_loop3A_995, %parallel_loop3A_996] {strides = array<i32>} : memref<192x128xf32, #tpu.memory_space<vmem>>, vector<16xf32>,
        %parallel_loop3A_998 = arith.mulf %parallel_loop3A_994, %parallel_loop3A_997 : vector<16xf32>
        %parallel_loop3A_999 = arith.addf %parallel_loop3A_991, %parallel_loop3A_998 : vector<16xf32>
        %parallel_loop3A_1000 = arith.index_cast %parallel_loop3A_960 : i32 to index
        %parallel_loop3A_1001 = arith.constant 80 : index
        %parallel_loop3A_1002 = tpu.vector_load %arg9[%parallel_loop3A_1000, %parallel_loop3A_1001] {strides = array<i32>} : memref<192x128xf32, #tpu.memory_space<vmem>>, vector<16xf32>,
        %parallel_loop3A_1003 = arith.index_cast %parallel_loop3A_960 : i32 to index
        %parallel_loop3A_1004 = arith.constant 80 : index
        %parallel_loop3A_1005 = tpu.vector_load %arg10[%parallel_loop3A_1003, %parallel_loop3A_1004] {strides = array<i32>} : memref<192x128xf32, #tpu.memory_space<vmem>>, vector<16xf32>,
        %parallel_loop3A_1006 = arith.mulf %parallel_loop3A_1002, %parallel_loop3A_1005 : vector<16xf32>
        %parallel_loop3A_1007 = arith.addf %parallel_loop3A_999, %parallel_loop3A_1006 : vector<16xf32>
        %parallel_loop3A_1008 = arith.index_cast %parallel_loop3A_960 : i32 to index
        %parallel_loop3A_1009 = arith.constant 96 : index
        %parallel_loop3A_1010 = tpu.vector_load %arg9[%parallel_loop3A_1008, %parallel_loop3A_1009] {strides = array<i32>} : memref<192x128xf32, #tpu.memory_space<vmem>>, vector<16xf32>,
        %parallel_loop3A_1011 = arith.index_cast %parallel_loop3A_960 : i32 to index
        %parallel_loop3A_1012 = arith.constant 96 : index
        %parallel_loop3A_1013 = tpu.vector_load %arg10[%parallel_loop3A_1011, %parallel_loop3A_1012] {strides = array<i32>} : memref<192x128xf32, #tpu.memory_space<vmem>>, vector<16xf32>,
        %parallel_loop3A_1014 = arith.mulf %parallel_loop3A_1010, %parallel_loop3A_1013 : vector<16xf32>
        %parallel_loop3A_1015 = arith.addf %parallel_loop3A_1007, %parallel_loop3A_1014 : vector<16xf32>
        %parallel_loop3A_1016 = arith.index_cast %parallel_loop3A_960 : i32 to index
        %parallel_loop3A_1017 = arith.constant 112 : index
        %parallel_loop3A_1018 = tpu.vector_load %arg9[%parallel_loop3A_1016, %parallel_loop3A_1017] {strides = array<i32>} : memref<192x128xf32, #tpu.memory_space<vmem>>, vector<16xf32>,
        %parallel_loop3A_1019 = arith.index_cast %parallel_loop3A_960 : i32 to index
        %parallel_loop3A_1020 = arith.constant 112 : index
        %parallel_loop3A_1021 = tpu.vector_load %arg10[%parallel_loop3A_1019, %parallel_loop3A_1020] {strides = array<i32>} : memref<192x128xf32, #tpu.memory_space<vmem>>, vector<16xf32>,
        %parallel_loop3A_1022 = arith.mulf %parallel_loop3A_1018, %parallel_loop3A_1021 : vector<16xf32>
        %parallel_loop3A_1023 = arith.addf %parallel_loop3A_1015, %parallel_loop3A_1022 : vector<16xf32>
        %parallel_loop3A_1024 = arith.constant 10 : i32
        %parallel_loop3A_1025 = arith.index_cast %parallel_loop3A_223 : i32 to index
        %parallel_loop3A_1026 = arith.index_cast %parallel_loop3A_1024 : i32 to index
        %parallel_loop3A_1027 = arith.constant 0 : index
        %parallel_loop3A_1028 = tpu.vector_load %arg12[%parallel_loop3A_1025, %parallel_loop3A_1026, %parallel_loop3A_1027] {strides = array<i32>} : memref<4x16x17xf32, #tpu.memory_space<vmem>>, vector<16xf32>,
        tpu.vector_store %arg12[%parallel_loop3A_1025, %parallel_loop3A_1026, %parallel_loop3A_1027], %parallel_loop3A_1023 {strides = array<i32>} : memref<4x16x17xf32, #tpu.memory_space<vmem>>, vector<16xf32>,
        %parallel_loop3A_1029 = arith.constant 16 : i32
        %parallel_loop3A_1030 = arith.muli %parallel_loop3A_223, %parallel_loop3A_1029 : i32
        %parallel_loop3A_1031 = arith.addi %mul3A_210, %parallel_loop3A_1030 : i32
        %parallel_loop3A_1032 = arith.constant 11 : i32
        %parallel_loop3A_1033 = arith.addi %parallel_loop3A_1031, %parallel_loop3A_1032 : i32
        %parallel_loop3A_1034 = arith.index_cast %parallel_loop3A_1033 : i32 to index
        %parallel_loop3A_1035 = arith.constant 0 : index
        %parallel_loop3A_1036 = tpu.vector_load %arg9[%parallel_loop3A_1034, %parallel_loop3A_1035] {strides = array<i32>} : memref<192x128xf32, #tpu.memory_space<vmem>>, vector<16xf32>,
        %parallel_loop3A_1037 = arith.index_cast %parallel_loop3A_1033 : i32 to index
        %parallel_loop3A_1038 = arith.constant 0 : index
        %parallel_loop3A_1039 = tpu.vector_load %arg10[%parallel_loop3A_1037, %parallel_loop3A_1038] {strides = array<i32>} : memref<192x128xf32, #tpu.memory_space<vmem>>, vector<16xf32>,
        %parallel_loop3A_1040 = arith.mulf %parallel_loop3A_1036, %parallel_loop3A_1039 : vector<16xf32>
        %parallel_loop3A_1041 = arith.index_cast %parallel_loop3A_1033 : i32 to index
        %parallel_loop3A_1042 = arith.constant 16 : index
        %parallel_loop3A_1043 = tpu.vector_load %arg9[%parallel_loop3A_1041, %parallel_loop3A_1042] {strides = array<i32>} : memref<192x128xf32, #tpu.memory_space<vmem>>, vector<16xf32>,
        %parallel_loop3A_1044 = arith.index_cast %parallel_loop3A_1033 : i32 to index
        %parallel_loop3A_1045 = arith.constant 16 : index
        %parallel_loop3A_1046 = tpu.vector_load %arg10[%parallel_loop3A_1044, %parallel_loop3A_1045] {strides = array<i32>} : memref<192x128xf32, #tpu.memory_space<vmem>>, vector<16xf32>,
        %parallel_loop3A_1047 = arith.mulf %parallel_loop3A_1043, %parallel_loop3A_1046 : vector<16xf32>
        %parallel_loop3A_1048 = arith.addf %parallel_loop3A_1040, %parallel_loop3A_1047 : vector<16xf32>
        %parallel_loop3A_1049 = arith.index_cast %parallel_loop3A_1033 : i32 to index
        %parallel_loop3A_1050 = arith.constant 32 : index
        %parallel_loop3A_1051 = tpu.vector_load %arg9[%parallel_loop3A_1049, %parallel_loop3A_1050] {strides = array<i32>} : memref<192x128xf32, #tpu.memory_space<vmem>>, vector<16xf32>,
        %parallel_loop3A_1052 = arith.index_cast %parallel_loop3A_1033 : i32 to index
        %parallel_loop3A_1053 = arith.constant 32 : index
        %parallel_loop3A_1054 = tpu.vector_load %arg10[%parallel_loop3A_1052, %parallel_loop3A_1053] {strides = array<i32>} : memref<192x128xf32, #tpu.memory_space<vmem>>, vector<16xf32>,
        %parallel_loop3A_1055 = arith.mulf %parallel_loop3A_1051, %parallel_loop3A_1054 : vector<16xf32>
        %parallel_loop3A_1056 = arith.addf %parallel_loop3A_1048, %parallel_loop3A_1055 : vector<16xf32>
        %parallel_loop3A_1057 = arith.index_cast %parallel_loop3A_1033 : i32 to index
        %parallel_loop3A_1058 = arith.constant 48 : index
        %parallel_loop3A_1059 = tpu.vector_load %arg9[%parallel_loop3A_1057, %parallel_loop3A_1058] {strides = array<i32>} : memref<192x128xf32, #tpu.memory_space<vmem>>, vector<16xf32>,
        %parallel_loop3A_1060 = arith.index_cast %parallel_loop3A_1033 : i32 to index
        %parallel_loop3A_1061 = arith.constant 48 : index
        %parallel_loop3A_1062 = tpu.vector_load %arg10[%parallel_loop3A_1060, %parallel_loop3A_1061] {strides = array<i32>} : memref<192x128xf32, #tpu.memory_space<vmem>>, vector<16xf32>,
        %parallel_loop3A_1063 = arith.mulf %parallel_loop3A_1059, %parallel_loop3A_1062 : vector<16xf32>
        %parallel_loop3A_1064 = arith.addf %parallel_loop3A_1056, %parallel_loop3A_1063 : vector<16xf32>
        %parallel_loop3A_1065 = arith.index_cast %parallel_loop3A_1033 : i32 to index
        %parallel_loop3A_1066 = arith.constant 64 : index
        %parallel_loop3A_1067 = tpu.vector_load %arg9[%parallel_loop3A_1065, %parallel_loop3A_1066] {strides = array<i32>} : memref<192x128xf32, #tpu.memory_space<vmem>>, vector<16xf32>,
        %parallel_loop3A_1068 = arith.index_cast %parallel_loop3A_1033 : i32 to index
        %parallel_loop3A_1069 = arith.constant 64 : index
        %parallel_loop3A_1070 = tpu.vector_load %arg10[%parallel_loop3A_1068, %parallel_loop3A_1069] {strides = array<i32>} : memref<192x128xf32, #tpu.memory_space<vmem>>, vector<16xf32>,
        %parallel_loop3A_1071 = arith.mulf %parallel_loop3A_1067, %parallel_loop3A_1070 : vector<16xf32>
        %parallel_loop3A_1072 = arith.addf %parallel_loop3A_1064, %parallel_loop3A_1071 : vector<16xf32>
        %parallel_loop3A_1073 = arith.index_cast %parallel_loop3A_1033 : i32 to index
        %parallel_loop3A_1074 = arith.constant 80 : index
        %parallel_loop3A_1075 = tpu.vector_load %arg9[%parallel_loop3A_1073, %parallel_loop3A_1074] {strides = array<i32>} : memref<192x128xf32, #tpu.memory_space<vmem>>, vector<16xf32>,
        %parallel_loop3A_1076 = arith.index_cast %parallel_loop3A_1033 : i32 to index
        %parallel_loop3A_1077 = arith.constant 80 : index
        %parallel_loop3A_1078 = tpu.vector_load %arg10[%parallel_loop3A_1076, %parallel_loop3A_1077] {strides = array<i32>} : memref<192x128xf32, #tpu.memory_space<vmem>>, vector<16xf32>,
        %parallel_loop3A_1079 = arith.mulf %parallel_loop3A_1075, %parallel_loop3A_1078 : vector<16xf32>
        %parallel_loop3A_1080 = arith.addf %parallel_loop3A_1072, %parallel_loop3A_1079 : vector<16xf32>
        %parallel_loop3A_1081 = arith.index_cast %parallel_loop3A_1033 : i32 to index
        %parallel_loop3A_1082 = arith.constant 96 : index
        %parallel_loop3A_1083 = tpu.vector_load %arg9[%parallel_loop3A_1081, %parallel_loop3A_1082] {strides = array<i32>} : memref<192x128xf32, #tpu.memory_space<vmem>>, vector<16xf32>,
        %parallel_loop3A_1084 = arith.index_cast %parallel_loop3A_1033 : i32 to index
        %parallel_loop3A_1085 = arith.constant 96 : index
        %parallel_loop3A_1086 = tpu.vector_load %arg10[%parallel_loop3A_1084, %parallel_loop3A_1085] {strides = array<i32>} : memref<192x128xf32, #tpu.memory_space<vmem>>, vector<16xf32>,
        %parallel_loop3A_1087 = arith.mulf %parallel_loop3A_1083, %parallel_loop3A_1086 : vector<16xf32>
        %parallel_loop3A_1088 = arith.addf %parallel_loop3A_1080, %parallel_loop3A_1087 : vector<16xf32>
        %parallel_loop3A_1089 = arith.index_cast %parallel_loop3A_1033 : i32 to index
        %parallel_loop3A_1090 = arith.constant 112 : index
        %parallel_loop3A_1091 = tpu.vector_load %arg9[%parallel_loop3A_1089, %parallel_loop3A_1090] {strides = array<i32>} : memref<192x128xf32, #tpu.memory_space<vmem>>, vector<16xf32>,
        %parallel_loop3A_1092 = arith.index_cast %parallel_loop3A_1033 : i32 to index
        %parallel_loop3A_1093 = arith.constant 112 : index
        %parallel_loop3A_1094 = tpu.vector_load %arg10[%parallel_loop3A_1092, %parallel_loop3A_1093] {strides = array<i32>} : memref<192x128xf32, #tpu.memory_space<vmem>>, vector<16xf32>,
        %parallel_loop3A_1095 = arith.mulf %parallel_loop3A_1091, %parallel_loop3A_1094 : vector<16xf32>
        %parallel_loop3A_1096 = arith.addf %parallel_loop3A_1088, %parallel_loop3A_1095 : vector<16xf32>
        %parallel_loop3A_1097 = arith.constant 11 : i32
        %parallel_loop3A_1098 = arith.index_cast %parallel_loop3A_223 : i32 to index
        %parallel_loop3A_1099 = arith.index_cast %parallel_loop3A_1097 : i32 to index
        %parallel_loop3A_1100 = arith.constant 0 : index
        %parallel_loop3A_1101 = tpu.vector_load %arg12[%parallel_loop3A_1098, %parallel_loop3A_1099, %parallel_loop3A_1100] {strides = array<i32>} : memref<4x16x17xf32, #tpu.memory_space<vmem>>, vector<16xf32>,
        tpu.vector_store %arg12[%parallel_loop3A_1098, %parallel_loop3A_1099, %parallel_loop3A_1100], %parallel_loop3A_1096 {strides = array<i32>} : memref<4x16x17xf32, #tpu.memory_space<vmem>>, vector<16xf32>,
        %parallel_loop3A_1102 = arith.constant 16 : i32
        %parallel_loop3A_1103 = arith.muli %parallel_loop3A_223, %parallel_loop3A_1102 : i32
        %parallel_loop3A_1104 = arith.addi %mul3A_210, %parallel_loop3A_1103 : i32
        %parallel_loop3A_1105 = arith.constant 12 : i32
        %parallel_loop3A_1106 = arith.addi %parallel_loop3A_1104, %parallel_loop3A_1105 : i32
        %parallel_loop3A_1107 = arith.index_cast %parallel_loop3A_1106 : i32 to index
        %parallel_loop3A_1108 = arith.constant 0 : index
        %parallel_loop3A_1109 = tpu.vector_load %arg9[%parallel_loop3A_1107, %parallel_loop3A_1108] {strides = array<i32>} : memref<192x128xf32, #tpu.memory_space<vmem>>, vector<16xf32>,
        %parallel_loop3A_1110 = arith.index_cast %parallel_loop3A_1106 : i32 to index
        %parallel_loop3A_1111 = arith.constant 0 : index
        %parallel_loop3A_1112 = tpu.vector_load %arg10[%parallel_loop3A_1110, %parallel_loop3A_1111] {strides = array<i32>} : memref<192x128xf32, #tpu.memory_space<vmem>>, vector<16xf32>,
        %parallel_loop3A_1113 = arith.mulf %parallel_loop3A_1109, %parallel_loop3A_1112 : vector<16xf32>
        %parallel_loop3A_1114 = arith.index_cast %parallel_loop3A_1106 : i32 to index
        %parallel_loop3A_1115 = arith.constant 16 : index
        %parallel_loop3A_1116 = tpu.vector_load %arg9[%parallel_loop3A_1114, %parallel_loop3A_1115] {strides = array<i32>} : memref<192x128xf32, #tpu.memory_space<vmem>>, vector<16xf32>,
        %parallel_loop3A_1117 = arith.index_cast %parallel_loop3A_1106 : i32 to index
        %parallel_loop3A_1118 = arith.constant 16 : index
        %parallel_loop3A_1119 = tpu.vector_load %arg10[%parallel_loop3A_1117, %parallel_loop3A_1118] {strides = array<i32>} : memref<192x128xf32, #tpu.memory_space<vmem>>, vector<16xf32>,
        %parallel_loop3A_1120 = arith.mulf %parallel_loop3A_1116, %parallel_loop3A_1119 : vector<16xf32>
        %parallel_loop3A_1121 = arith.addf %parallel_loop3A_1113, %parallel_loop3A_1120 : vector<16xf32>
        %parallel_loop3A_1122 = arith.index_cast %parallel_loop3A_1106 : i32 to index
        %parallel_loop3A_1123 = arith.constant 32 : index
        %parallel_loop3A_1124 = tpu.vector_load %arg9[%parallel_loop3A_1122, %parallel_loop3A_1123] {strides = array<i32>} : memref<192x128xf32, #tpu.memory_space<vmem>>, vector<16xf32>,
        %parallel_loop3A_1125 = arith.index_cast %parallel_loop3A_1106 : i32 to index
        %parallel_loop3A_1126 = arith.constant 32 : index
        %parallel_loop3A_1127 = tpu.vector_load %arg10[%parallel_loop3A_1125, %parallel_loop3A_1126] {strides = array<i32>} : memref<192x128xf32, #tpu.memory_space<vmem>>, vector<16xf32>,
        %parallel_loop3A_1128 = arith.mulf %parallel_loop3A_1124, %parallel_loop3A_1127 : vector<16xf32>
        %parallel_loop3A_1129 = arith.addf %parallel_loop3A_1121, %parallel_loop3A_1128 : vector<16xf32>
        %parallel_loop3A_1130 = arith.index_cast %parallel_loop3A_1106 : i32 to index
        %parallel_loop3A_1131 = arith.constant 48 : index
        %parallel_loop3A_1132 = tpu.vector_load %arg9[%parallel_loop3A_1130, %parallel_loop3A_1131] {strides = array<i32>} : memref<192x128xf32, #tpu.memory_space<vmem>>, vector<16xf32>,
        %parallel_loop3A_1133 = arith.index_cast %parallel_loop3A_1106 : i32 to index
        %parallel_loop3A_1134 = arith.constant 48 : index
        %parallel_loop3A_1135 = tpu.vector_load %arg10[%parallel_loop3A_1133, %parallel_loop3A_1134] {strides = array<i32>} : memref<192x128xf32, #tpu.memory_space<vmem>>, vector<16xf32>,
        %parallel_loop3A_1136 = arith.mulf %parallel_loop3A_1132, %parallel_loop3A_1135 : vector<16xf32>
        %parallel_loop3A_1137 = arith.addf %parallel_loop3A_1129, %parallel_loop3A_1136 : vector<16xf32>
        %parallel_loop3A_1138 = arith.index_cast %parallel_loop3A_1106 : i32 to index
        %parallel_loop3A_1139 = arith.constant 64 : index
        %parallel_loop3A_1140 = tpu.vector_load %arg9[%parallel_loop3A_1138, %parallel_loop3A_1139] {strides = array<i32>} : memref<192x128xf32, #tpu.memory_space<vmem>>, vector<16xf32>,
        %parallel_loop3A_1141 = arith.index_cast %parallel_loop3A_1106 : i32 to index
        %parallel_loop3A_1142 = arith.constant 64 : index
        %parallel_loop3A_1143 = tpu.vector_load %arg10[%parallel_loop3A_1141, %parallel_loop3A_1142] {strides = array<i32>} : memref<192x128xf32, #tpu.memory_space<vmem>>, vector<16xf32>,
        %parallel_loop3A_1144 = arith.mulf %parallel_loop3A_1140, %parallel_loop3A_1143 : vector<16xf32>
        %parallel_loop3A_1145 = arith.addf %parallel_loop3A_1137, %parallel_loop3A_1144 : vector<16xf32>
        %parallel_loop3A_1146 = arith.index_cast %parallel_loop3A_1106 : i32 to index
        %parallel_loop3A_1147 = arith.constant 80 : index
        %parallel_loop3A_1148 = tpu.vector_load %arg9[%parallel_loop3A_1146, %parallel_loop3A_1147] {strides = array<i32>} : memref<192x128xf32, #tpu.memory_space<vmem>>, vector<16xf32>,
        %parallel_loop3A_1149 = arith.index_cast %parallel_loop3A_1106 : i32 to index
        %parallel_loop3A_1150 = arith.constant 80 : index
        %parallel_loop3A_1151 = tpu.vector_load %arg10[%parallel_loop3A_1149, %parallel_loop3A_1150] {strides = array<i32>} : memref<192x128xf32, #tpu.memory_space<vmem>>, vector<16xf32>,
        %parallel_loop3A_1152 = arith.mulf %parallel_loop3A_1148, %parallel_loop3A_1151 : vector<16xf32>
        %parallel_loop3A_1153 = arith.addf %parallel_loop3A_1145, %parallel_loop3A_1152 : vector<16xf32>
        %parallel_loop3A_1154 = arith.index_cast %parallel_loop3A_1106 : i32 to index
        %parallel_loop3A_1155 = arith.constant 96 : index
        %parallel_loop3A_1156 = tpu.vector_load %arg9[%parallel_loop3A_1154, %parallel_loop3A_1155] {strides = array<i32>} : memref<192x128xf32, #tpu.memory_space<vmem>>, vector<16xf32>,
        %parallel_loop3A_1157 = arith.index_cast %parallel_loop3A_1106 : i32 to index
        %parallel_loop3A_1158 = arith.constant 96 : index
        %parallel_loop3A_1159 = tpu.vector_load %arg10[%parallel_loop3A_1157, %parallel_loop3A_1158] {strides = array<i32>} : memref<192x128xf32, #tpu.memory_space<vmem>>, vector<16xf32>,
        %parallel_loop3A_1160 = arith.mulf %parallel_loop3A_1156, %parallel_loop3A_1159 : vector<16xf32>
        %parallel_loop3A_1161 = arith.addf %parallel_loop3A_1153, %parallel_loop3A_1160 : vector<16xf32>
        %parallel_loop3A_1162 = arith.index_cast %parallel_loop3A_1106 : i32 to index
        %parallel_loop3A_1163 = arith.constant 112 : index
        %parallel_loop3A_1164 = tpu.vector_load %arg9[%parallel_loop3A_1162, %parallel_loop3A_1163] {strides = array<i32>} : memref<192x128xf32, #tpu.memory_space<vmem>>, vector<16xf32>,
        %parallel_loop3A_1165 = arith.index_cast %parallel_loop3A_1106 : i32 to index
        %parallel_loop3A_1166 = arith.constant 112 : index
        %parallel_loop3A_1167 = tpu.vector_load %arg10[%parallel_loop3A_1165, %parallel_loop3A_1166] {strides = array<i32>} : memref<192x128xf32, #tpu.memory_space<vmem>>, vector<16xf32>,
        %parallel_loop3A_1168 = arith.mulf %parallel_loop3A_1164, %parallel_loop3A_1167 : vector<16xf32>
        %parallel_loop3A_1169 = arith.addf %parallel_loop3A_1161, %parallel_loop3A_1168 : vector<16xf32>
        %parallel_loop3A_1170 = arith.constant 12 : i32
        %parallel_loop3A_1171 = arith.index_cast %parallel_loop3A_223 : i32 to index
        %parallel_loop3A_1172 = arith.index_cast %parallel_loop3A_1170 : i32 to index
        %parallel_loop3A_1173 = arith.constant 0 : index
        %parallel_loop3A_1174 = tpu.vector_load %arg12[%parallel_loop3A_1171, %parallel_loop3A_1172, %parallel_loop3A_1173] {strides = array<i32>} : memref<4x16x17xf32, #tpu.memory_space<vmem>>, vector<16xf32>,
        tpu.vector_store %arg12[%parallel_loop3A_1171, %parallel_loop3A_1172, %parallel_loop3A_1173], %parallel_loop3A_1169 {strides = array<i32>} : memref<4x16x17xf32, #tpu.memory_space<vmem>>, vector<16xf32>,
        %parallel_loop3A_1175 = arith.constant 16 : i32
        %parallel_loop3A_1176 = arith.muli %parallel_loop3A_223, %parallel_loop3A_1175 : i32
        %parallel_loop3A_1177 = arith.addi %mul3A_210, %parallel_loop3A_1176 : i32
        %parallel_loop3A_1178 = arith.constant 13 : i32
        %parallel_loop3A_1179 = arith.addi %parallel_loop3A_1177, %parallel_loop3A_1178 : i32
        %parallel_loop3A_1180 = arith.index_cast %parallel_loop3A_1179 : i32 to index
        %parallel_loop3A_1181 = arith.constant 0 : index
        %parallel_loop3A_1182 = tpu.vector_load %arg9[%parallel_loop3A_1180, %parallel_loop3A_1181] {strides = array<i32>} : memref<192x128xf32, #tpu.memory_space<vmem>>, vector<16xf32>,
        %parallel_loop3A_1183 = arith.index_cast %parallel_loop3A_1179 : i32 to index
        %parallel_loop3A_1184 = arith.constant 0 : index
        %parallel_loop3A_1185 = tpu.vector_load %arg10[%parallel_loop3A_1183, %parallel_loop3A_1184] {strides = array<i32>} : memref<192x128xf32, #tpu.memory_space<vmem>>, vector<16xf32>,
        %parallel_loop3A_1186 = arith.mulf %parallel_loop3A_1182, %parallel_loop3A_1185 : vector<16xf32>
        %parallel_loop3A_1187 = arith.index_cast %parallel_loop3A_1179 : i32 to index
        %parallel_loop3A_1188 = arith.constant 16 : index
        %parallel_loop3A_1189 = tpu.vector_load %arg9[%parallel_loop3A_1187, %parallel_loop3A_1188] {strides = array<i32>} : memref<192x128xf32, #tpu.memory_space<vmem>>, vector<16xf32>,
        %parallel_loop3A_1190 = arith.index_cast %parallel_loop3A_1179 : i32 to index
        %parallel_loop3A_1191 = arith.constant 16 : index
        %parallel_loop3A_1192 = tpu.vector_load %arg10[%parallel_loop3A_1190, %parallel_loop3A_1191] {strides = array<i32>} : memref<192x128xf32, #tpu.memory_space<vmem>>, vector<16xf32>,
        %parallel_loop3A_1193 = arith.mulf %parallel_loop3A_1189, %parallel_loop3A_1192 : vector<16xf32>
        %parallel_loop3A_1194 = arith.addf %parallel_loop3A_1186, %parallel_loop3A_1193 : vector<16xf32>
        %parallel_loop3A_1195 = arith.index_cast %parallel_loop3A_1179 : i32 to index
        %parallel_loop3A_1196 = arith.constant 32 : index
        %parallel_loop3A_1197 = tpu.vector_load %arg9[%parallel_loop3A_1195, %parallel_loop3A_1196] {strides = array<i32>} : memref<192x128xf32, #tpu.memory_space<vmem>>, vector<16xf32>,
        %parallel_loop3A_1198 = arith.index_cast %parallel_loop3A_1179 : i32 to index
        %parallel_loop3A_1199 = arith.constant 32 : index
        %parallel_loop3A_1200 = tpu.vector_load %arg10[%parallel_loop3A_1198, %parallel_loop3A_1199] {strides = array<i32>} : memref<192x128xf32, #tpu.memory_space<vmem>>, vector<16xf32>,
        %parallel_loop3A_1201 = arith.mulf %parallel_loop3A_1197, %parallel_loop3A_1200 : vector<16xf32>
        %parallel_loop3A_1202 = arith.addf %parallel_loop3A_1194, %parallel_loop3A_1201 : vector<16xf32>
        %parallel_loop3A_1203 = arith.index_cast %parallel_loop3A_1179 : i32 to index
        %parallel_loop3A_1204 = arith.constant 48 : index
        %parallel_loop3A_1205 = tpu.vector_load %arg9[%parallel_loop3A_1203, %parallel_loop3A_1204] {strides = array<i32>} : memref<192x128xf32, #tpu.memory_space<vmem>>, vector<16xf32>,
        %parallel_loop3A_1206 = arith.index_cast %parallel_loop3A_1179 : i32 to index
        %parallel_loop3A_1207 = arith.constant 48 : index
        %parallel_loop3A_1208 = tpu.vector_load %arg10[%parallel_loop3A_1206, %parallel_loop3A_1207] {strides = array<i32>} : memref<192x128xf32, #tpu.memory_space<vmem>>, vector<16xf32>,
        %parallel_loop3A_1209 = arith.mulf %parallel_loop3A_1205, %parallel_loop3A_1208 : vector<16xf32>
        %parallel_loop3A_1210 = arith.addf %parallel_loop3A_1202, %parallel_loop3A_1209 : vector<16xf32>
        %parallel_loop3A_1211 = arith.index_cast %parallel_loop3A_1179 : i32 to index
        %parallel_loop3A_1212 = arith.constant 64 : index
        %parallel_loop3A_1213 = tpu.vector_load %arg9[%parallel_loop3A_1211, %parallel_loop3A_1212] {strides = array<i32>} : memref<192x128xf32, #tpu.memory_space<vmem>>, vector<16xf32>,
        %parallel_loop3A_1214 = arith.index_cast %parallel_loop3A_1179 : i32 to index
        %parallel_loop3A_1215 = arith.constant 64 : index
        %parallel_loop3A_1216 = tpu.vector_load %arg10[%parallel_loop3A_1214, %parallel_loop3A_1215] {strides = array<i32>} : memref<192x128xf32, #tpu.memory_space<vmem>>, vector<16xf32>,
        %parallel_loop3A_1217 = arith.mulf %parallel_loop3A_1213, %parallel_loop3A_1216 : vector<16xf32>
        %parallel_loop3A_1218 = arith.addf %parallel_loop3A_1210, %parallel_loop3A_1217 : vector<16xf32>
        %parallel_loop3A_1219 = arith.index_cast %parallel_loop3A_1179 : i32 to index
        %parallel_loop3A_1220 = arith.constant 80 : index
        %parallel_loop3A_1221 = tpu.vector_load %arg9[%parallel_loop3A_1219, %parallel_loop3A_1220] {strides = array<i32>} : memref<192x128xf32, #tpu.memory_space<vmem>>, vector<16xf32>,
        %parallel_loop3A_1222 = arith.index_cast %parallel_loop3A_1179 : i32 to index
        %parallel_loop3A_1223 = arith.constant 80 : index
        %parallel_loop3A_1224 = tpu.vector_load %arg10[%parallel_loop3A_1222, %parallel_loop3A_1223] {strides = array<i32>} : memref<192x128xf32, #tpu.memory_space<vmem>>, vector<16xf32>,
        %parallel_loop3A_1225 = arith.mulf %parallel_loop3A_1221, %parallel_loop3A_1224 : vector<16xf32>
        %parallel_loop3A_1226 = arith.addf %parallel_loop3A_1218, %parallel_loop3A_1225 : vector<16xf32>
        %parallel_loop3A_1227 = arith.index_cast %parallel_loop3A_1179 : i32 to index
        %parallel_loop3A_1228 = arith.constant 96 : index
        %parallel_loop3A_1229 = tpu.vector_load %arg9[%parallel_loop3A_1227, %parallel_loop3A_1228] {strides = array<i32>} : memref<192x128xf32, #tpu.memory_space<vmem>>, vector<16xf32>,
        %parallel_loop3A_1230 = arith.index_cast %parallel_loop3A_1179 : i32 to index
        %parallel_loop3A_1231 = arith.constant 96 : index
        %parallel_loop3A_1232 = tpu.vector_load %arg10[%parallel_loop3A_1230, %parallel_loop3A_1231] {strides = array<i32>} : memref<192x128xf32, #tpu.memory_space<vmem>>, vector<16xf32>,
        %parallel_loop3A_1233 = arith.mulf %parallel_loop3A_1229, %parallel_loop3A_1232 : vector<16xf32>
        %parallel_loop3A_1234 = arith.addf %parallel_loop3A_1226, %parallel_loop3A_1233 : vector<16xf32>
        %parallel_loop3A_1235 = arith.index_cast %parallel_loop3A_1179 : i32 to index
        %parallel_loop3A_1236 = arith.constant 112 : index
        %parallel_loop3A_1237 = tpu.vector_load %arg9[%parallel_loop3A_1235, %parallel_loop3A_1236] {strides = array<i32>} : memref<192x128xf32, #tpu.memory_space<vmem>>, vector<16xf32>,
        %parallel_loop3A_1238 = arith.index_cast %parallel_loop3A_1179 : i32 to index
        %parallel_loop3A_1239 = arith.constant 112 : index
        %parallel_loop3A_1240 = tpu.vector_load %arg10[%parallel_loop3A_1238, %parallel_loop3A_1239] {strides = array<i32>} : memref<192x128xf32, #tpu.memory_space<vmem>>, vector<16xf32>,
        %parallel_loop3A_1241 = arith.mulf %parallel_loop3A_1237, %parallel_loop3A_1240 : vector<16xf32>
        %parallel_loop3A_1242 = arith.addf %parallel_loop3A_1234, %parallel_loop3A_1241 : vector<16xf32>
        %parallel_loop3A_1243 = arith.constant 13 : i32
        %parallel_loop3A_1244 = arith.index_cast %parallel_loop3A_223 : i32 to index
        %parallel_loop3A_1245 = arith.index_cast %parallel_loop3A_1243 : i32 to index
        %parallel_loop3A_1246 = arith.constant 0 : index
        %parallel_loop3A_1247 = tpu.vector_load %arg12[%parallel_loop3A_1244, %parallel_loop3A_1245, %parallel_loop3A_1246] {strides = array<i32>} : memref<4x16x17xf32, #tpu.memory_space<vmem>>, vector<16xf32>,
        tpu.vector_store %arg12[%parallel_loop3A_1244, %parallel_loop3A_1245, %parallel_loop3A_1246], %parallel_loop3A_1242 {strides = array<i32>} : memref<4x16x17xf32, #tpu.memory_space<vmem>>, vector<16xf32>,
        %parallel_loop3A_1248 = arith.constant 16 : i32
        %parallel_loop3A_1249 = arith.muli %parallel_loop3A_223, %parallel_loop3A_1248 : i32
        %parallel_loop3A_1250 = arith.addi %mul3A_210, %parallel_loop3A_1249 : i32
        %parallel_loop3A_1251 = arith.constant 14 : i32
        %parallel_loop3A_1252 = arith.addi %parallel_loop3A_1250, %parallel_loop3A_1251 : i32
        %parallel_loop3A_1253 = arith.index_cast %parallel_loop3A_1252 : i32 to index
        %parallel_loop3A_1254 = arith.constant 0 : index
        %parallel_loop3A_1255 = tpu.vector_load %arg9[%parallel_loop3A_1253, %parallel_loop3A_1254] {strides = array<i32>} : memref<192x128xf32, #tpu.memory_space<vmem>>, vector<16xf32>,
        %parallel_loop3A_1256 = arith.index_cast %parallel_loop3A_1252 : i32 to index
        %parallel_loop3A_1257 = arith.constant 0 : index
        %parallel_loop3A_1258 = tpu.vector_load %arg10[%parallel_loop3A_1256, %parallel_loop3A_1257] {strides = array<i32>} : memref<192x128xf32, #tpu.memory_space<vmem>>, vector<16xf32>,
        %parallel_loop3A_1259 = arith.mulf %parallel_loop3A_1255, %parallel_loop3A_1258 : vector<16xf32>
        %parallel_loop3A_1260 = arith.index_cast %parallel_loop3A_1252 : i32 to index
        %parallel_loop3A_1261 = arith.constant 16 : index
        %parallel_loop3A_1262 = tpu.vector_load %arg9[%parallel_loop3A_1260, %parallel_loop3A_1261] {strides = array<i32>} : memref<192x128xf32, #tpu.memory_space<vmem>>, vector<16xf32>,
        %parallel_loop3A_1263 = arith.index_cast %parallel_loop3A_1252 : i32 to index
        %parallel_loop3A_1264 = arith.constant 16 : index
        %parallel_loop3A_1265 = tpu.vector_load %arg10[%parallel_loop3A_1263, %parallel_loop3A_1264] {strides = array<i32>} : memref<192x128xf32, #tpu.memory_space<vmem>>, vector<16xf32>,
        %parallel_loop3A_1266 = arith.mulf %parallel_loop3A_1262, %parallel_loop3A_1265 : vector<16xf32>
        %parallel_loop3A_1267 = arith.addf %parallel_loop3A_1259, %parallel_loop3A_1266 : vector<16xf32>
        %parallel_loop3A_1268 = arith.index_cast %parallel_loop3A_1252 : i32 to index
        %parallel_loop3A_1269 = arith.constant 32 : index
        %parallel_loop3A_1270 = tpu.vector_load %arg9[%parallel_loop3A_1268, %parallel_loop3A_1269] {strides = array<i32>} : memref<192x128xf32, #tpu.memory_space<vmem>>, vector<16xf32>,
        %parallel_loop3A_1271 = arith.index_cast %parallel_loop3A_1252 : i32 to index
        %parallel_loop3A_1272 = arith.constant 32 : index
        %parallel_loop3A_1273 = tpu.vector_load %arg10[%parallel_loop3A_1271, %parallel_loop3A_1272] {strides = array<i32>} : memref<192x128xf32, #tpu.memory_space<vmem>>, vector<16xf32>,
        %parallel_loop3A_1274 = arith.mulf %parallel_loop3A_1270, %parallel_loop3A_1273 : vector<16xf32>
        %parallel_loop3A_1275 = arith.addf %parallel_loop3A_1267, %parallel_loop3A_1274 : vector<16xf32>
        %parallel_loop3A_1276 = arith.index_cast %parallel_loop3A_1252 : i32 to index
        %parallel_loop3A_1277 = arith.constant 48 : index
        %parallel_loop3A_1278 = tpu.vector_load %arg9[%parallel_loop3A_1276, %parallel_loop3A_1277] {strides = array<i32>} : memref<192x128xf32, #tpu.memory_space<vmem>>, vector<16xf32>,
        %parallel_loop3A_1279 = arith.index_cast %parallel_loop3A_1252 : i32 to index
        %parallel_loop3A_1280 = arith.constant 48 : index
        %parallel_loop3A_1281 = tpu.vector_load %arg10[%parallel_loop3A_1279, %parallel_loop3A_1280] {strides = array<i32>} : memref<192x128xf32, #tpu.memory_space<vmem>>, vector<16xf32>,
        %parallel_loop3A_1282 = arith.mulf %parallel_loop3A_1278, %parallel_loop3A_1281 : vector<16xf32>
        %parallel_loop3A_1283 = arith.addf %parallel_loop3A_1275, %parallel_loop3A_1282 : vector<16xf32>
        %parallel_loop3A_1284 = arith.index_cast %parallel_loop3A_1252 : i32 to index
        %parallel_loop3A_1285 = arith.constant 64 : index
        %parallel_loop3A_1286 = tpu.vector_load %arg9[%parallel_loop3A_1284, %parallel_loop3A_1285] {strides = array<i32>} : memref<192x128xf32, #tpu.memory_space<vmem>>, vector<16xf32>,
        %parallel_loop3A_1287 = arith.index_cast %parallel_loop3A_1252 : i32 to index
        %parallel_loop3A_1288 = arith.constant 64 : index
        %parallel_loop3A_1289 = tpu.vector_load %arg10[%parallel_loop3A_1287, %parallel_loop3A_1288] {strides = array<i32>} : memref<192x128xf32, #tpu.memory_space<vmem>>, vector<16xf32>,
        %parallel_loop3A_1290 = arith.mulf %parallel_loop3A_1286, %parallel_loop3A_1289 : vector<16xf32>
        %parallel_loop3A_1291 = arith.addf %parallel_loop3A_1283, %parallel_loop3A_1290 : vector<16xf32>
        %parallel_loop3A_1292 = arith.index_cast %parallel_loop3A_1252 : i32 to index
        %parallel_loop3A_1293 = arith.constant 80 : index
        %parallel_loop3A_1294 = tpu.vector_load %arg9[%parallel_loop3A_1292, %parallel_loop3A_1293] {strides = array<i32>} : memref<192x128xf32, #tpu.memory_space<vmem>>, vector<16xf32>,
        %parallel_loop3A_1295 = arith.index_cast %parallel_loop3A_1252 : i32 to index
        %parallel_loop3A_1296 = arith.constant 80 : index
        %parallel_loop3A_1297 = tpu.vector_load %arg10[%parallel_loop3A_1295, %parallel_loop3A_1296] {strides = array<i32>} : memref<192x128xf32, #tpu.memory_space<vmem>>, vector<16xf32>,
        %parallel_loop3A_1298 = arith.mulf %parallel_loop3A_1294, %parallel_loop3A_1297 : vector<16xf32>
        %parallel_loop3A_1299 = arith.addf %parallel_loop3A_1291, %parallel_loop3A_1298 : vector<16xf32>
        %parallel_loop3A_1300 = arith.index_cast %parallel_loop3A_1252 : i32 to index
        %parallel_loop3A_1301 = arith.constant 96 : index
        %parallel_loop3A_1302 = tpu.vector_load %arg9[%parallel_loop3A_1300, %parallel_loop3A_1301] {strides = array<i32>} : memref<192x128xf32, #tpu.memory_space<vmem>>, vector<16xf32>,
        %parallel_loop3A_1303 = arith.index_cast %parallel_loop3A_1252 : i32 to index
        %parallel_loop3A_1304 = arith.constant 96 : index
        %parallel_loop3A_1305 = tpu.vector_load %arg10[%parallel_loop3A_1303, %parallel_loop3A_1304] {strides = array<i32>} : memref<192x128xf32, #tpu.memory_space<vmem>>, vector<16xf32>,
        %parallel_loop3A_1306 = arith.mulf %parallel_loop3A_1302, %parallel_loop3A_1305 : vector<16xf32>
        %parallel_loop3A_1307 = arith.addf %parallel_loop3A_1299, %parallel_loop3A_1306 : vector<16xf32>
        %parallel_loop3A_1308 = arith.index_cast %parallel_loop3A_1252 : i32 to index
        %parallel_loop3A_1309 = arith.constant 112 : index
        %parallel_loop3A_1310 = tpu.vector_load %arg9[%parallel_loop3A_1308, %parallel_loop3A_1309] {strides = array<i32>} : memref<192x128xf32, #tpu.memory_space<vmem>>, vector<16xf32>,
        %parallel_loop3A_1311 = arith.index_cast %parallel_loop3A_1252 : i32 to index
        %parallel_loop3A_1312 = arith.constant 112 : index
        %parallel_loop3A_1313 = tpu.vector_load %arg10[%parallel_loop3A_1311, %parallel_loop3A_1312] {strides = array<i32>} : memref<192x128xf32, #tpu.memory_space<vmem>>, vector<16xf32>,
        %parallel_loop3A_1314 = arith.mulf %parallel_loop3A_1310, %parallel_loop3A_1313 : vector<16xf32>
        %parallel_loop3A_1315 = arith.addf %parallel_loop3A_1307, %parallel_loop3A_1314 : vector<16xf32>
        %parallel_loop3A_1316 = arith.constant 14 : i32
        %parallel_loop3A_1317 = arith.index_cast %parallel_loop3A_223 : i32 to index
        %parallel_loop3A_1318 = arith.index_cast %parallel_loop3A_1316 : i32 to index
        %parallel_loop3A_1319 = arith.constant 0 : index
        %parallel_loop3A_1320 = tpu.vector_load %arg12[%parallel_loop3A_1317, %parallel_loop3A_1318, %parallel_loop3A_1319] {strides = array<i32>} : memref<4x16x17xf32, #tpu.memory_space<vmem>>, vector<16xf32>,
        tpu.vector_store %arg12[%parallel_loop3A_1317, %parallel_loop3A_1318, %parallel_loop3A_1319], %parallel_loop3A_1315 {strides = array<i32>} : memref<4x16x17xf32, #tpu.memory_space<vmem>>, vector<16xf32>,
        %parallel_loop3A_1321 = arith.constant 16 : i32
        %parallel_loop3A_1322 = arith.muli %parallel_loop3A_223, %parallel_loop3A_1321 : i32
        %parallel_loop3A_1323 = arith.addi %mul3A_210, %parallel_loop3A_1322 : i32
        %parallel_loop3A_1324 = arith.constant 15 : i32
        %parallel_loop3A_1325 = arith.addi %parallel_loop3A_1323, %parallel_loop3A_1324 : i32
        %parallel_loop3A_1326 = arith.index_cast %parallel_loop3A_1325 : i32 to index
        %parallel_loop3A_1327 = arith.constant 0 : index
        %parallel_loop3A_1328 = tpu.vector_load %arg9[%parallel_loop3A_1326, %parallel_loop3A_1327] {strides = array<i32>} : memref<192x128xf32, #tpu.memory_space<vmem>>, vector<16xf32>,
        %parallel_loop3A_1329 = arith.index_cast %parallel_loop3A_1325 : i32 to index
        %parallel_loop3A_1330 = arith.constant 0 : index
        %parallel_loop3A_1331 = tpu.vector_load %arg10[%parallel_loop3A_1329, %parallel_loop3A_1330] {strides = array<i32>} : memref<192x128xf32, #tpu.memory_space<vmem>>, vector<16xf32>,
        %parallel_loop3A_1332 = arith.mulf %parallel_loop3A_1328, %parallel_loop3A_1331 : vector<16xf32>
        %parallel_loop3A_1333 = arith.index_cast %parallel_loop3A_1325 : i32 to index
        %parallel_loop3A_1334 = arith.constant 16 : index
        %parallel_loop3A_1335 = tpu.vector_load %arg9[%parallel_loop3A_1333, %parallel_loop3A_1334] {strides = array<i32>} : memref<192x128xf32, #tpu.memory_space<vmem>>, vector<16xf32>,
        %parallel_loop3A_1336 = arith.index_cast %parallel_loop3A_1325 : i32 to index
        %parallel_loop3A_1337 = arith.constant 16 : index
        %parallel_loop3A_1338 = tpu.vector_load %arg10[%parallel_loop3A_1336, %parallel_loop3A_1337] {strides = array<i32>} : memref<192x128xf32, #tpu.memory_space<vmem>>, vector<16xf32>,
        %parallel_loop3A_1339 = arith.mulf %parallel_loop3A_1335, %parallel_loop3A_1338 : vector<16xf32>
        %parallel_loop3A_1340 = arith.addf %parallel_loop3A_1332, %parallel_loop3A_1339 : vector<16xf32>
        %parallel_loop3A_1341 = arith.index_cast %parallel_loop3A_1325 : i32 to index
        %parallel_loop3A_1342 = arith.constant 32 : index
        %parallel_loop3A_1343 = tpu.vector_load %arg9[%parallel_loop3A_1341, %parallel_loop3A_1342] {strides = array<i32>} : memref<192x128xf32, #tpu.memory_space<vmem>>, vector<16xf32>,
        %parallel_loop3A_1344 = arith.index_cast %parallel_loop3A_1325 : i32 to index
        %parallel_loop3A_1345 = arith.constant 32 : index
        %parallel_loop3A_1346 = tpu.vector_load %arg10[%parallel_loop3A_1344, %parallel_loop3A_1345] {strides = array<i32>} : memref<192x128xf32, #tpu.memory_space<vmem>>, vector<16xf32>,
        %parallel_loop3A_1347 = arith.mulf %parallel_loop3A_1343, %parallel_loop3A_1346 : vector<16xf32>
        %parallel_loop3A_1348 = arith.addf %parallel_loop3A_1340, %parallel_loop3A_1347 : vector<16xf32>
        %parallel_loop3A_1349 = arith.index_cast %parallel_loop3A_1325 : i32 to index
        %parallel_loop3A_1350 = arith.constant 48 : index
        %parallel_loop3A_1351 = tpu.vector_load %arg9[%parallel_loop3A_1349, %parallel_loop3A_1350] {strides = array<i32>} : memref<192x128xf32, #tpu.memory_space<vmem>>, vector<16xf32>,
        %parallel_loop3A_1352 = arith.index_cast %parallel_loop3A_1325 : i32 to index
        %parallel_loop3A_1353 = arith.constant 48 : index
        %parallel_loop3A_1354 = tpu.vector_load %arg10[%parallel_loop3A_1352, %parallel_loop3A_1353] {strides = array<i32>} : memref<192x128xf32, #tpu.memory_space<vmem>>, vector<16xf32>,
        %parallel_loop3A_1355 = arith.mulf %parallel_loop3A_1351, %parallel_loop3A_1354 : vector<16xf32>
        %parallel_loop3A_1356 = arith.addf %parallel_loop3A_1348, %parallel_loop3A_1355 : vector<16xf32>
        %parallel_loop3A_1357 = arith.index_cast %parallel_loop3A_1325 : i32 to index
        %parallel_loop3A_1358 = arith.constant 64 : index
        %parallel_loop3A_1359 = tpu.vector_load %arg9[%parallel_loop3A_1357, %parallel_loop3A_1358] {strides = array<i32>} : memref<192x128xf32, #tpu.memory_space<vmem>>, vector<16xf32>,
        %parallel_loop3A_1360 = arith.index_cast %parallel_loop3A_1325 : i32 to index
        %parallel_loop3A_1361 = arith.constant 64 : index
        %parallel_loop3A_1362 = tpu.vector_load %arg10[%parallel_loop3A_1360, %parallel_loop3A_1361] {strides = array<i32>} : memref<192x128xf32, #tpu.memory_space<vmem>>, vector<16xf32>,
        %parallel_loop3A_1363 = arith.mulf %parallel_loop3A_1359, %parallel_loop3A_1362 : vector<16xf32>
        %parallel_loop3A_1364 = arith.addf %parallel_loop3A_1356, %parallel_loop3A_1363 : vector<16xf32>
        %parallel_loop3A_1365 = arith.index_cast %parallel_loop3A_1325 : i32 to index
        %parallel_loop3A_1366 = arith.constant 80 : index
        %parallel_loop3A_1367 = tpu.vector_load %arg9[%parallel_loop3A_1365, %parallel_loop3A_1366] {strides = array<i32>} : memref<192x128xf32, #tpu.memory_space<vmem>>, vector<16xf32>,
        %parallel_loop3A_1368 = arith.index_cast %parallel_loop3A_1325 : i32 to index
        %parallel_loop3A_1369 = arith.constant 80 : index
        %parallel_loop3A_1370 = tpu.vector_load %arg10[%parallel_loop3A_1368, %parallel_loop3A_1369] {strides = array<i32>} : memref<192x128xf32, #tpu.memory_space<vmem>>, vector<16xf32>,
        %parallel_loop3A_1371 = arith.mulf %parallel_loop3A_1367, %parallel_loop3A_1370 : vector<16xf32>
        %parallel_loop3A_1372 = arith.addf %parallel_loop3A_1364, %parallel_loop3A_1371 : vector<16xf32>
        %parallel_loop3A_1373 = arith.index_cast %parallel_loop3A_1325 : i32 to index
        %parallel_loop3A_1374 = arith.constant 96 : index
        %parallel_loop3A_1375 = tpu.vector_load %arg9[%parallel_loop3A_1373, %parallel_loop3A_1374] {strides = array<i32>} : memref<192x128xf32, #tpu.memory_space<vmem>>, vector<16xf32>,
        %parallel_loop3A_1376 = arith.index_cast %parallel_loop3A_1325 : i32 to index
        %parallel_loop3A_1377 = arith.constant 96 : index
        %parallel_loop3A_1378 = tpu.vector_load %arg10[%parallel_loop3A_1376, %parallel_loop3A_1377] {strides = array<i32>} : memref<192x128xf32, #tpu.memory_space<vmem>>, vector<16xf32>,
        %parallel_loop3A_1379 = arith.mulf %parallel_loop3A_1375, %parallel_loop3A_1378 : vector<16xf32>
        %parallel_loop3A_1380 = arith.addf %parallel_loop3A_1372, %parallel_loop3A_1379 : vector<16xf32>
        %parallel_loop3A_1381 = arith.index_cast %parallel_loop3A_1325 : i32 to index
        %parallel_loop3A_1382 = arith.constant 112 : index
        %parallel_loop3A_1383 = tpu.vector_load %arg9[%parallel_loop3A_1381, %parallel_loop3A_1382] {strides = array<i32>} : memref<192x128xf32, #tpu.memory_space<vmem>>, vector<16xf32>,
        %parallel_loop3A_1384 = arith.index_cast %parallel_loop3A_1325 : i32 to index
        %parallel_loop3A_1385 = arith.constant 112 : index
        %parallel_loop3A_1386 = tpu.vector_load %arg10[%parallel_loop3A_1384, %parallel_loop3A_1385] {strides = array<i32>} : memref<192x128xf32, #tpu.memory_space<vmem>>, vector<16xf32>,
        %parallel_loop3A_1387 = arith.mulf %parallel_loop3A_1383, %parallel_loop3A_1386 : vector<16xf32>
        %parallel_loop3A_1388 = arith.addf %parallel_loop3A_1380, %parallel_loop3A_1387 : vector<16xf32>
        %parallel_loop3A_1389 = arith.constant 15 : i32
        %parallel_loop3A_1390 = arith.index_cast %parallel_loop3A_223 : i32 to index
        %parallel_loop3A_1391 = arith.index_cast %parallel_loop3A_1389 : i32 to index
        %parallel_loop3A_1392 = arith.constant 0 : index
        %parallel_loop3A_1393 = tpu.vector_load %arg12[%parallel_loop3A_1390, %parallel_loop3A_1391, %parallel_loop3A_1392] {strides = array<i32>} : memref<4x16x17xf32, #tpu.memory_space<vmem>>, vector<16xf32>,
        tpu.vector_store %arg12[%parallel_loop3A_1390, %parallel_loop3A_1391, %parallel_loop3A_1392], %parallel_loop3A_1388 {strides = array<i32>} : memref<4x16x17xf32, #tpu.memory_space<vmem>>, vector<16xf32>,
        %parallel_loop3A_1394 = arith.constant 0 : i32
        %parallel_loop3A_1395 = vector.broadcast %parallel_loop3A_1394 : i32 to vector<16xi32>
        %parallel_loop3A_1396 = tpu.vector_load_idx %arg12[%parallel_loop3A_225, %parallel_loop3A_224, %parallel_loop3A_1395] : memref<4x16x17xf32, #tpu.memory_space<vmem>>[vector<16xi32>, vector<16xi32>, vector<16xi32>], vector<16xf32>,
        %parallel_loop3A_1397 = arith.constant 1 : i32
        %parallel_loop3A_1398 = vector.broadcast %parallel_loop3A_1397 : i32 to vector<16xi32>
        %parallel_loop3A_1399 = tpu.vector_load_idx %arg12[%parallel_loop3A_225, %parallel_loop3A_224, %parallel_loop3A_1398] : memref<4x16x17xf32, #tpu.memory_space<vmem>>[vector<16xi32>, vector<16xi32>, vector<16xi32>], vector<16xf32>,
        %parallel_loop3A_1400 = arith.addf %parallel_loop3A_1396, %parallel_loop3A_1399 : vector<16xf32>
        %parallel_loop3A_1401 = arith.constant 2 : i32
        %parallel_loop3A_1402 = vector.broadcast %parallel_loop3A_1401 : i32 to vector<16xi32>
        %parallel_loop3A_1403 = tpu.vector_load_idx %arg12[%parallel_loop3A_225, %parallel_loop3A_224, %parallel_loop3A_1402] : memref<4x16x17xf32, #tpu.memory_space<vmem>>[vector<16xi32>, vector<16xi32>, vector<16xi32>], vector<16xf32>,
        %parallel_loop3A_1404 = arith.addf %parallel_loop3A_1400, %parallel_loop3A_1403 : vector<16xf32>
        %parallel_loop3A_1405 = arith.constant 3 : i32
        %parallel_loop3A_1406 = vector.broadcast %parallel_loop3A_1405 : i32 to vector<16xi32>
        %parallel_loop3A_1407 = tpu.vector_load_idx %arg12[%parallel_loop3A_225, %parallel_loop3A_224, %parallel_loop3A_1406] : memref<4x16x17xf32, #tpu.memory_space<vmem>>[vector<16xi32>, vector<16xi32>, vector<16xi32>], vector<16xf32>,
        %parallel_loop3A_1408 = arith.addf %parallel_loop3A_1404, %parallel_loop3A_1407 : vector<16xf32>
        %parallel_loop3A_1409 = arith.constant 4 : i32
        %parallel_loop3A_1410 = vector.broadcast %parallel_loop3A_1409 : i32 to vector<16xi32>
        %parallel_loop3A_1411 = tpu.vector_load_idx %arg12[%parallel_loop3A_225, %parallel_loop3A_224, %parallel_loop3A_1410] : memref<4x16x17xf32, #tpu.memory_space<vmem>>[vector<16xi32>, vector<16xi32>, vector<16xi32>], vector<16xf32>,
        %parallel_loop3A_1412 = arith.addf %parallel_loop3A_1408, %parallel_loop3A_1411 : vector<16xf32>
        %parallel_loop3A_1413 = arith.constant 5 : i32
        %parallel_loop3A_1414 = vector.broadcast %parallel_loop3A_1413 : i32 to vector<16xi32>
        %parallel_loop3A_1415 = tpu.vector_load_idx %arg12[%parallel_loop3A_225, %parallel_loop3A_224, %parallel_loop3A_1414] : memref<4x16x17xf32, #tpu.memory_space<vmem>>[vector<16xi32>, vector<16xi32>, vector<16xi32>], vector<16xf32>,
        %parallel_loop3A_1416 = arith.addf %parallel_loop3A_1412, %parallel_loop3A_1415 : vector<16xf32>
        %parallel_loop3A_1417 = arith.constant 6 : i32
        %parallel_loop3A_1418 = vector.broadcast %parallel_loop3A_1417 : i32 to vector<16xi32>
        %parallel_loop3A_1419 = tpu.vector_load_idx %arg12[%parallel_loop3A_225, %parallel_loop3A_224, %parallel_loop3A_1418] : memref<4x16x17xf32, #tpu.memory_space<vmem>>[vector<16xi32>, vector<16xi32>, vector<16xi32>], vector<16xf32>,
        %parallel_loop3A_1420 = arith.addf %parallel_loop3A_1416, %parallel_loop3A_1419 : vector<16xf32>
        %parallel_loop3A_1421 = arith.constant 7 : i32
        %parallel_loop3A_1422 = vector.broadcast %parallel_loop3A_1421 : i32 to vector<16xi32>
        %parallel_loop3A_1423 = tpu.vector_load_idx %arg12[%parallel_loop3A_225, %parallel_loop3A_224, %parallel_loop3A_1422] : memref<4x16x17xf32, #tpu.memory_space<vmem>>[vector<16xi32>, vector<16xi32>, vector<16xi32>], vector<16xf32>,
        %parallel_loop3A_1424 = arith.addf %parallel_loop3A_1420, %parallel_loop3A_1423 : vector<16xf32>
        %parallel_loop3A_1425 = arith.constant 8 : i32
        %parallel_loop3A_1426 = vector.broadcast %parallel_loop3A_1425 : i32 to vector<16xi32>
        %parallel_loop3A_1427 = tpu.vector_load_idx %arg12[%parallel_loop3A_225, %parallel_loop3A_224, %parallel_loop3A_1426] : memref<4x16x17xf32, #tpu.memory_space<vmem>>[vector<16xi32>, vector<16xi32>, vector<16xi32>], vector<16xf32>,
        %parallel_loop3A_1428 = arith.addf %parallel_loop3A_1424, %parallel_loop3A_1427 : vector<16xf32>
        %parallel_loop3A_1429 = arith.constant 9 : i32
        %parallel_loop3A_1430 = vector.broadcast %parallel_loop3A_1429 : i32 to vector<16xi32>
        %parallel_loop3A_1431 = tpu.vector_load_idx %arg12[%parallel_loop3A_225, %parallel_loop3A_224, %parallel_loop3A_1430] : memref<4x16x17xf32, #tpu.memory_space<vmem>>[vector<16xi32>, vector<16xi32>, vector<16xi32>], vector<16xf32>,
        %parallel_loop3A_1432 = arith.addf %parallel_loop3A_1428, %parallel_loop3A_1431 : vector<16xf32>
        %parallel_loop3A_1433 = arith.constant 10 : i32
        %parallel_loop3A_1434 = vector.broadcast %parallel_loop3A_1433 : i32 to vector<16xi32>
        %parallel_loop3A_1435 = tpu.vector_load_idx %arg12[%parallel_loop3A_225, %parallel_loop3A_224, %parallel_loop3A_1434] : memref<4x16x17xf32, #tpu.memory_space<vmem>>[vector<16xi32>, vector<16xi32>, vector<16xi32>], vector<16xf32>,
        %parallel_loop3A_1436 = arith.addf %parallel_loop3A_1432, %parallel_loop3A_1435 : vector<16xf32>
        %parallel_loop3A_1437 = arith.constant 11 : i32
        %parallel_loop3A_1438 = vector.broadcast %parallel_loop3A_1437 : i32 to vector<16xi32>
        %parallel_loop3A_1439 = tpu.vector_load_idx %arg12[%parallel_loop3A_225, %parallel_loop3A_224, %parallel_loop3A_1438] : memref<4x16x17xf32, #tpu.memory_space<vmem>>[vector<16xi32>, vector<16xi32>, vector<16xi32>], vector<16xf32>,
        %parallel_loop3A_1440 = arith.addf %parallel_loop3A_1436, %parallel_loop3A_1439 : vector<16xf32>
        %parallel_loop3A_1441 = arith.constant 12 : i32
        %parallel_loop3A_1442 = vector.broadcast %parallel_loop3A_1441 : i32 to vector<16xi32>
        %parallel_loop3A_1443 = tpu.vector_load_idx %arg12[%parallel_loop3A_225, %parallel_loop3A_224, %parallel_loop3A_1442] : memref<4x16x17xf32, #tpu.memory_space<vmem>>[vector<16xi32>, vector<16xi32>, vector<16xi32>], vector<16xf32>,
        %parallel_loop3A_1444 = arith.addf %parallel_loop3A_1440, %parallel_loop3A_1443 : vector<16xf32>
        %parallel_loop3A_1445 = arith.constant 13 : i32
        %parallel_loop3A_1446 = vector.broadcast %parallel_loop3A_1445 : i32 to vector<16xi32>
        %parallel_loop3A_1447 = tpu.vector_load_idx %arg12[%parallel_loop3A_225, %parallel_loop3A_224, %parallel_loop3A_1446] : memref<4x16x17xf32, #tpu.memory_space<vmem>>[vector<16xi32>, vector<16xi32>, vector<16xi32>], vector<16xf32>,
        %parallel_loop3A_1448 = arith.addf %parallel_loop3A_1444, %parallel_loop3A_1447 : vector<16xf32>
        %parallel_loop3A_1449 = arith.constant 14 : i32
        %parallel_loop3A_1450 = vector.broadcast %parallel_loop3A_1449 : i32 to vector<16xi32>
        %parallel_loop3A_1451 = tpu.vector_load_idx %arg12[%parallel_loop3A_225, %parallel_loop3A_224, %parallel_loop3A_1450] : memref<4x16x17xf32, #tpu.memory_space<vmem>>[vector<16xi32>, vector<16xi32>, vector<16xi32>], vector<16xf32>,
        %parallel_loop3A_1452 = arith.addf %parallel_loop3A_1448, %parallel_loop3A_1451 : vector<16xf32>
        %parallel_loop3A_1453 = arith.constant 15 : i32
        %parallel_loop3A_1454 = vector.broadcast %parallel_loop3A_1453 : i32 to vector<16xi32>
        %parallel_loop3A_1455 = tpu.vector_load_idx %arg12[%parallel_loop3A_225, %parallel_loop3A_224, %parallel_loop3A_1454] : memref<4x16x17xf32, #tpu.memory_space<vmem>>[vector<16xi32>, vector<16xi32>, vector<16xi32>], vector<16xf32>,
        %parallel_loop3A_1456 = arith.addf %parallel_loop3A_1452, %parallel_loop3A_1455 : vector<16xf32>
        %parallel_loop3A_1457 = arith.constant 64 : i32
        %parallel_loop3A_1458 = arith.muli %scan3A_111, %parallel_loop3A_1457 : i32
        %parallel_loop3A_1459 = arith.constant 16 : i32
        %parallel_loop3A_1460 = arith.muli %parallel_loop3A_223, %parallel_loop3A_1459 : i32
        %parallel_loop3A_1461 = arith.addi %parallel_loop3A_1458, %parallel_loop3A_1460 : i32
        %parallel_loop3A_1462 = arith.index_cast %parallel_loop3A_1461 : i32 to index
        %parallel_loop3A_1463 = tpu.vector_load %arg11[%parallel_loop3A_1462] {strides = array<i32>} : memref<512xf32, #tpu.memory_space<vmem>>, vector<16xf32>,
        tpu.vector_store %arg11[%parallel_loop3A_1462], %parallel_loop3A_1456 {strides = array<i32>} : memref<512xf32, #tpu.memory_space<vmem>>, vector<16xf32>,
      } {sc.loop_unroll_factor = 2 : i64, sc.parallel_access}
      %mul3A_213 = arith.constant 64 : i32
      %mul3A_214 = arith.muli %scan3A_111, %mul3A_213 : i32
      %mul3A_215 = arith.constant 64 : i32
      %mul3A_216 = arith.muli %scan3A_111, %mul3A_215 : i32
      %add3A_217 = arith.addi %mul3A_2, %mul3A_216 : i32
      %dma_start3A_218 = tpu.memref_slice %arg11[%mul3A_214] : memref<512xf32, #tpu.memory_space<vmem>> -> memref<64xf32, #tpu.memory_space<vmem>>
      %dma_start3A_219 = tpu.memref_slice %arg6[%add3A_217] : memref<16384xf32, #tpu.memory_space<hbm>> -> memref<64xf32, #tpu.memory_space<hbm>>
      %dma_start3A_220 = tpu.memref_slice %arg6[%add3A_217] : memref<16384xf32, #tpu.memory_space<hbm>> -> memref<64xf32, #tpu.memory_space<hbm>>
      %dma_start3A_221 = tpu.memref_slice %arg11[%mul3A_214] : memref<512xf32, #tpu.memory_space<vmem>> -> memref<64xf32, #tpu.memory_space<vmem>>
      tpu.enqueue_dma source(%dma_start3A_221 : memref<64xf32, #tpu.memory_space<vmem>>) target(%dma_start3A_220 : memref<64xf32, #tpu.memory_space<hbm>>) target_semaphore(%arg20 : memref<!tpu.dma_semaphore, #tpu.memory_space<semaphore_mem>>)
      %scan3A_222 = arith.constant 0 : i32
      scf.yield %scan3A_222 : i32
    }
    %scan3A_46 = arith.constant 8 : i32
    %add3A_47 = arith.constant 0 : i32
    %add3A_48 = arith.addi %mul3A_2, %add3A_47 : i32
    %dma_wait3A_49 = arith.constant 0 : i32
    %dma_wait3A_50 = tpu.memref_slice %arg11[%dma_wait3A_49] : memref<512xf32, #tpu.memory_space<vmem>> -> memref<64xf32, #tpu.memory_space<vmem>>
    %dma_wait3A_51 = tpu.memref_slice %arg6[%add3A_48] : memref<16384xf32, #tpu.memory_space<hbm>> -> memref<64xf32, #tpu.memory_space<hbm>>
    %dma_wait3A_52 = tpu.memref_slice %arg6[%add3A_48] : memref<16384xf32, #tpu.memory_space<hbm>> -> memref<64xf32, #tpu.memory_space<hbm>>
    %dma_wait3A_53 = arith.constant 0 : i32
    %dma_wait3A_54 = tpu.memref_slice %arg11[%dma_wait3A_53] : memref<512xf32, #tpu.memory_space<vmem>> -> memref<64xf32, #tpu.memory_space<vmem>>
    tpu.wait_dma2 semaphore(%arg20 : memref<!tpu.dma_semaphore, #tpu.memory_space<semaphore_mem>>) src(%dma_wait3A_54 : memref<64xf32, #tpu.memory_space<vmem>>) dst(%dma_wait3A_52 : memref<64xf32, #tpu.memory_space<hbm>>)
    %add3A_55 = arith.constant 64 : i32
    %add3A_56 = arith.addi %mul3A_2, %add3A_55 : i32
    %dma_wait3A_57 = arith.constant 64 : i32
    %dma_wait3A_58 = tpu.memref_slice %arg11[%dma_wait3A_57] : memref<512xf32, #tpu.memory_space<vmem>> -> memref<64xf32, #tpu.memory_space<vmem>>
    %dma_wait3A_59 = tpu.memref_slice %arg6[%add3A_56] : memref<16384xf32, #tpu.memory_space<hbm>> -> memref<64xf32, #tpu.memory_space<hbm>>
    %dma_wait3A_60 = tpu.memref_slice %arg6[%add3A_56] : memref<16384xf32, #tpu.memory_space<hbm>> -> memref<64xf32, #tpu.memory_space<hbm>>
    %dma_wait3A_61 = arith.constant 64 : i32
    %dma_wait3A_62 = tpu.memref_slice %arg11[%dma_wait3A_61] : memref<512xf32, #tpu.memory_space<vmem>> -> memref<64xf32, #tpu.memory_space<vmem>>
    tpu.wait_dma2 semaphore(%arg20 : memref<!tpu.dma_semaphore, #tpu.memory_space<semaphore_mem>>) src(%dma_wait3A_62 : memref<64xf32, #tpu.memory_space<vmem>>) dst(%dma_wait3A_60 : memref<64xf32, #tpu.memory_space<hbm>>)
    %add3A_63 = arith.constant 128 : i32
    %add3A_64 = arith.addi %mul3A_2, %add3A_63 : i32
    %dma_wait3A_65 = arith.constant 128 : i32
    %dma_wait3A_66 = tpu.memref_slice %arg11[%dma_wait3A_65] : memref<512xf32, #tpu.memory_space<vmem>> -> memref<64xf32, #tpu.memory_space<vmem>>
    %dma_wait3A_67 = tpu.memref_slice %arg6[%add3A_64] : memref<16384xf32, #tpu.memory_space<hbm>> -> memref<64xf32, #tpu.memory_space<hbm>>
    %dma_wait3A_68 = tpu.memref_slice %arg6[%add3A_64] : memref<16384xf32, #tpu.memory_space<hbm>> -> memref<64xf32, #tpu.memory_space<hbm>>
    %dma_wait3A_69 = arith.constant 128 : i32
    %dma_wait3A_70 = tpu.memref_slice %arg11[%dma_wait3A_69] : memref<512xf32, #tpu.memory_space<vmem>> -> memref<64xf32, #tpu.memory_space<vmem>>
    tpu.wait_dma2 semaphore(%arg20 : memref<!tpu.dma_semaphore, #tpu.memory_space<semaphore_mem>>) src(%dma_wait3A_70 : memref<64xf32, #tpu.memory_space<vmem>>) dst(%dma_wait3A_68 : memref<64xf32, #tpu.memory_space<hbm>>)
    %add3A_71 = arith.constant 192 : i32
    %add3A_72 = arith.addi %mul3A_2, %add3A_71 : i32
    %dma_wait3A_73 = arith.constant 192 : i32
    %dma_wait3A_74 = tpu.memref_slice %arg11[%dma_wait3A_73] : memref<512xf32, #tpu.memory_space<vmem>> -> memref<64xf32, #tpu.memory_space<vmem>>
    %dma_wait3A_75 = tpu.memref_slice %arg6[%add3A_72] : memref<16384xf32, #tpu.memory_space<hbm>> -> memref<64xf32, #tpu.memory_space<hbm>>
    %dma_wait3A_76 = tpu.memref_slice %arg6[%add3A_72] : memref<16384xf32, #tpu.memory_space<hbm>> -> memref<64xf32, #tpu.memory_space<hbm>>
    %dma_wait3A_77 = arith.constant 192 : i32
    %dma_wait3A_78 = tpu.memref_slice %arg11[%dma_wait3A_77] : memref<512xf32, #tpu.memory_space<vmem>> -> memref<64xf32, #tpu.memory_space<vmem>>
    tpu.wait_dma2 semaphore(%arg20 : memref<!tpu.dma_semaphore, #tpu.memory_space<semaphore_mem>>) src(%dma_wait3A_78 : memref<64xf32, #tpu.memory_space<vmem>>) dst(%dma_wait3A_76 : memref<64xf32, #tpu.memory_space<hbm>>)
    %add3A_79 = arith.constant 256 : i32
    %add3A_80 = arith.addi %mul3A_2, %add3A_79 : i32
    %dma_wait3A_81 = arith.constant 256 : i32
    %dma_wait3A_82 = tpu.memref_slice %arg11[%dma_wait3A_81] : memref<512xf32, #tpu.memory_space<vmem>> -> memref<64xf32, #tpu.memory_space<vmem>>
    %dma_wait3A_83 = tpu.memref_slice %arg6[%add3A_80] : memref<16384xf32, #tpu.memory_space<hbm>> -> memref<64xf32, #tpu.memory_space<hbm>>
    %dma_wait3A_84 = tpu.memref_slice %arg6[%add3A_80] : memref<16384xf32, #tpu.memory_space<hbm>> -> memref<64xf32, #tpu.memory_space<hbm>>
    %dma_wait3A_85 = arith.constant 256 : i32
    %dma_wait3A_86 = tpu.memref_slice %arg11[%dma_wait3A_85] : memref<512xf32, #tpu.memory_space<vmem>> -> memref<64xf32, #tpu.memory_space<vmem>>
    tpu.wait_dma2 semaphore(%arg20 : memref<!tpu.dma_semaphore, #tpu.memory_space<semaphore_mem>>) src(%dma_wait3A_86 : memref<64xf32, #tpu.memory_space<vmem>>) dst(%dma_wait3A_84 : memref<64xf32, #tpu.memory_space<hbm>>)
    %add3A_87 = arith.constant 320 : i32
    %add3A_88 = arith.addi %mul3A_2, %add3A_87 : i32
    %dma_wait3A_89 = arith.constant 320 : i32
    %dma_wait3A_90 = tpu.memref_slice %arg11[%dma_wait3A_89] : memref<512xf32, #tpu.memory_space<vmem>> -> memref<64xf32, #tpu.memory_space<vmem>>
    %dma_wait3A_91 = tpu.memref_slice %arg6[%add3A_88] : memref<16384xf32, #tpu.memory_space<hbm>> -> memref<64xf32, #tpu.memory_space<hbm>>
    %dma_wait3A_92 = tpu.memref_slice %arg6[%add3A_88] : memref<16384xf32, #tpu.memory_space<hbm>> -> memref<64xf32, #tpu.memory_space<hbm>>
    %dma_wait3A_93 = arith.constant 320 : i32
    %dma_wait3A_94 = tpu.memref_slice %arg11[%dma_wait3A_93] : memref<512xf32, #tpu.memory_space<vmem>> -> memref<64xf32, #tpu.memory_space<vmem>>
    tpu.wait_dma2 semaphore(%arg20 : memref<!tpu.dma_semaphore, #tpu.memory_space<semaphore_mem>>) src(%dma_wait3A_94 : memref<64xf32, #tpu.memory_space<vmem>>) dst(%dma_wait3A_92 : memref<64xf32, #tpu.memory_space<hbm>>)
    %add3A_95 = arith.constant 384 : i32
    %add3A_96 = arith.addi %mul3A_2, %add3A_95 : i32
    %dma_wait3A_97 = arith.constant 384 : i32
    %dma_wait3A_98 = tpu.memref_slice %arg11[%dma_wait3A_97] : memref<512xf32, #tpu.memory_space<vmem>> -> memref<64xf32, #tpu.memory_space<vmem>>
    %dma_wait3A_99 = tpu.memref_slice %arg6[%add3A_96] : memref<16384xf32, #tpu.memory_space<hbm>> -> memref<64xf32, #tpu.memory_space<hbm>>
    %dma_wait3A_100 = tpu.memref_slice %arg6[%add3A_96] : memref<16384xf32, #tpu.memory_space<hbm>> -> memref<64xf32, #tpu.memory_space<hbm>>
    %dma_wait3A_101 = arith.constant 384 : i32
    %dma_wait3A_102 = tpu.memref_slice %arg11[%dma_wait3A_101] : memref<512xf32, #tpu.memory_space<vmem>> -> memref<64xf32, #tpu.memory_space<vmem>>
    tpu.wait_dma2 semaphore(%arg20 : memref<!tpu.dma_semaphore, #tpu.memory_space<semaphore_mem>>) src(%dma_wait3A_102 : memref<64xf32, #tpu.memory_space<vmem>>) dst(%dma_wait3A_100 : memref<64xf32, #tpu.memory_space<hbm>>)
    %add3A_103 = arith.constant 448 : i32
    %add3A_104 = arith.addi %mul3A_2, %add3A_103 : i32
    %dma_wait3A_105 = arith.constant 448 : i32
    %dma_wait3A_106 = tpu.memref_slice %arg11[%dma_wait3A_105] : memref<512xf32, #tpu.memory_space<vmem>> -> memref<64xf32, #tpu.memory_space<vmem>>
    %dma_wait3A_107 = tpu.memref_slice %arg6[%add3A_104] : memref<16384xf32, #tpu.memory_space<hbm>> -> memref<64xf32, #tpu.memory_space<hbm>>
    %dma_wait3A_108 = tpu.memref_slice %arg6[%add3A_104] : memref<16384xf32, #tpu.memory_space<hbm>> -> memref<64xf32, #tpu.memory_space<hbm>>
    %dma_wait3A_109 = arith.constant 448 : i32
    %dma_wait3A_110 = tpu.memref_slice %arg11[%dma_wait3A_109] : memref<512xf32, #tpu.memory_space<vmem>> -> memref<64xf32, #tpu.memory_space<vmem>>
    tpu.wait_dma2 semaphore(%arg20 : memref<!tpu.dma_semaphore, #tpu.memory_space<semaphore_mem>>) src(%dma_wait3A_110 : memref<64xf32, #tpu.memory_space<vmem>>) dst(%dma_wait3A_108 : memref<64xf32, #tpu.memory_space<hbm>>)
    return
  }
}

</mosaic_0001>

<sc_bundles>
// kernel: kernel.3.cloned.1.call-start
scs
__scs_entry_jumppad:
0x0: {  	(pc) =	sbr.rel $0x88, $3  }
0x1: {  	(tag) =	ssettag $0x0;
	lr =	simm.s32 $0x1  }
0x2: {  	[smem:$0x3F9D] =	sst lr;
	_ =	strace $0xD0000000  }
0x3: {  	_ = 	snop  }
0x4: {  	_ = 	snop  }
0x5: {  	_ = 	snop  }
0x6: {  	_ = 	snop  }
0x7: {  	_ = 	snop  }
__scs_overlays_trampoline_lowered:
0x8: {  	[smem:$0x3FAC] =	sst s0  }
0x9: {  	[smem:$0x3FAD] =	sst s1  }
0xa: {  	[smem:$0x3FAE] =	sst s2  }
0xb: {  	[smem:$0x3FAF] =	sst s3  }
0xc: {  	[smem:$0x3FB0] =	sst s4  }
0xd: {  	[smem:$0x3FB1] =	sst s5  }
0xe: {  	[smem:$0x3FB2] =	sst s6  }
0xf: {  	[smem:$0x3FB3] =	sst s7  }
0x10: {  	[smem:$0x3FB4] =	sst s8  }
0x11: {  	[smem:$0x3FB5] =	sst s9;
	s0 =	simm.s32 @!p0 $0x0  }
0x12: {  	s1 =	sld [smem:$0x3F9B];
	s0 =	simm.s32 @p0 $0x1  }
0x13: {  	[smem:$0x3FB6] =	sst s0;
	s0 =	simm.s32 @!p1 $0x0  }
0x14: {  	s2 =	sld [smem:$0x3F9A];
	s0 =	simm.s32 @p1 $0x1  }
0x15: {  	[smem:$0x3FB7] =	sst s0;
	s0 =	simm.s32 @!p2 $0x0  }
0x16: {  	s3 =	sld [smem:$0x3FDB];
	s0 =	simm.s32 @p2 $0x1  }
0x17: {  	s4 =	simm.s32 $0x1BF5;
	[smem:$0x3FB9] =	sst s0  }
0x18: {  	s0 =	sld [smem:$0x3F9C];
	_ =	swait.ge [sflag:s4], $0x0  }
0x19: {  	s7 =	sld [smem:$0x3F9D]  }
0x1a: {  	s8 =	sadd.s32 $0xFFFFE003, lr  }
0x1b: {  	s9 =	sadd.s32 $0xFFFFFEF7, lr;
	s5 =	simm.s32 $0xFFFFFFFF;
	p2 =	slt.u32 s8, $0xFFFFF086  }
0x1c: {  	p1 =	slt.u32 s9, $0xF7A;
	s5 =	simm.s32 @!p2 $0x0  }
0x1d: {  	s5 =	simm.s32 @p1 $0x1;
	p0 =	seq.s32 s7, s2  }
0x1e: {  	s7 =	smul.u32 @!p0 $0xF7A, s2;
	p2 =	seq.s32 @!p0 s5, $0x0  }
0x1f: {  	s9 =	smul.u32 $0xF7A, s1;
	s8 =	simm.s32 @!p0 $0x1BF5;
	p2 =	por !p2, p0  }
0x20: {  	[sflag:s8] =	ssyncset.s32 @!p0 $0xFFFFF086;
	s6 =	sadd.s32 @!p0 s3, s7;
	s7 =	simm.s32 @!p0 $0x108  }
0x21: {  	s3 =	sadd.s32 s3, s9;
	s6 =	sadd.s32 @!p0 $0x88, s6;
	s7 =	simm.s32 @p2 $0x1082  }
0x22: {  	[simem:s7], [sflag:s8] =	dma.local @!p0 [hbm:s6], $0xF7A  }
0x23: {  	s9 =	sor.u32 $0xD0000000, s2;
	s6 =	simm.s32 $0x108;
	_ =	swait.ge @!p0 [sflag:s8], $0x0  }
0x24: {  	s3 =	sadd.s32 $0x88, s3;
	s6 =	simm.s32 @!p1 $0x1082;
	[sflag:s4] =	ssyncset.s32 $0xFFFFF086  }
0x25: {  	[simem:s6], [sflag:s4] =	dma.local [hbm:s3], $0xF7A  }
0x26: {  	[smem:$0x3F9D] =	sst s1;
	(tag) =	ssettag s2;
	_ =	strace s9  }
0x27: {  	s1 =	sld [smem:$0x3FAD]  }
0x28: {  	s2 =	sld [smem:$0x3FAE]  }
0x29: {  	s4 =	sld [smem:$0x3FB0]  }
0x2a: {  	p0 =	seq.s32 s5, $0x0;
	s5 =	sld [smem:$0x3FB1]  }
0x2b: {  	s6 =	sld [smem:$0x3FB2]  }
0x2c: {  	s7 =	sld [smem:$0x3FB3]  }
0x2d: {  	s3 =	simm.s32 $0x108;
	s8 =	sld [smem:$0x3FB4]  }
0x2e: {  	s3 =	simm.s32 @!p0 $0x1082;
	s9 =	sld [smem:$0x3FB5]  }
0x2f: {  	lr =	sadd.s32 s0, s3;
	s0 =	sld [smem:$0x3FAC]  }
0x30: {  	s3 =	sld [smem:$0x3FAF]  }
0x31: {  	[smem:$0x3FB8] =	sst s10  }
0x32: {  	s10 =	sld [smem:$0x3FB6];
	_ =	sdelay $0x3  }
0x33: {  	p0 =	seq.s32 s10, $0x1;
	s10 =	sld [smem:$0x3FB8];
	_ =	sdelay $0x3  }
0x34: {  	[smem:$0x3FB8] =	sst s10  }
0x35: {  	s10 =	sld [smem:$0x3FB7];
	_ =	sdelay $0x3  }
0x36: {  	p1 =	seq.s32 s10, $0x1;
	s10 =	sld [smem:$0x3FB8];
	_ =	sdelay $0x3  }
0x37: {  	[smem:$0x3FB8] =	sst s10  }
0x38: {  	s10 =	sld [smem:$0x3FB9]  }
0x39: {  	_ = 	snop;
	(pc) =	sbr.ind lr, $3  }
0x3a: {  	_ = 	snop  }
0x3b: {  	_ = 	snop  }
0x3c: {  	p2 =	seq.s32 s10, $0x1;
	s10 =	sld [smem:$0x3FB8]  }
0x3d: {  	_ =	shalt  }
0x3e: {  	_ =	shalt  }
0x3f: {  	_ =	shalt  }
0x40: {  	_ =	shalt  }
0x41: {  	_ =	shalt  }
0x42: {  	_ =	shalt  }
0x43: {  	_ =	shalt  }
0x44: {  	_ =	shalt  }
0x45: {  	_ =	shalt  }
0x46: {  	_ =	shalt  }
0x47: {  	_ =	shalt  }
0x48: {  	_ =	shalt  }
0x49: {  	_ =	shalt  }
0x4a: {  	_ =	shalt  }
0x4b: {  	_ =	shalt  }
0x4c: {  	_ =	shalt  }
0x4d: {  	_ =	shalt  }
0x4e: {  	_ =	shalt  }
0x4f: {  	_ =	shalt  }
0x50: {  	_ =	shalt  }
0x51: {  	_ =	shalt  }
0x52: {  	_ =	shalt  }
0x53: {  	_ =	shalt  }
0x54: {  	_ =	shalt  }
0x55: {  	_ =	shalt  }
0x56: {  	_ =	shalt  }
0x57: {  	_ =	shalt  }
0x58: {  	_ =	shalt  }
0x59: {  	_ =	shalt  }
0x5a: {  	_ =	shalt  }
0x5b: {  	_ =	shalt  }
0x5c: {  	_ =	shalt  }
0x5d: {  	_ =	shalt  }
0x5e: {  	_ =	shalt  }
0x5f: {  	_ =	shalt  }
0x60: {  	_ =	shalt  }
0x61: {  	_ =	shalt  }
0x62: {  	_ =	shalt  }
0x63: {  	_ =	shalt  }
0x64: {  	_ =	shalt  }
0x65: {  	_ =	shalt  }
0x66: {  	_ =	shalt  }
0x67: {  	_ =	shalt  }
0x68: {  	_ =	shalt  }
0x69: {  	_ =	shalt  }
0x6a: {  	_ =	shalt  }
0x6b: {  	_ =	shalt  }
0x6c: {  	_ =	shalt  }
0x6d: {  	_ =	shalt  }
0x6e: {  	_ =	shalt  }
0x6f: {  	_ =	shalt  }
0x70: {  	_ =	shalt  }
0x71: {  	_ =	shalt  }
0x72: {  	_ =	shalt  }
0x73: {  	_ =	shalt  }
0x74: {  	_ =	shalt  }
0x75: {  	_ =	shalt  }
0x76: {  	_ =	shalt  }
0x77: {  	_ =	shalt  }
0x78: {  	_ =	shalt  }
0x79: {  	_ =	shalt  }
0x7a: {  	_ =	shalt  }
0x7b: {  	_ =	shalt  }
0x7c: {  	_ =	shalt  }
0x7d: {  	_ =	shalt  }
0x7e: {  	_ =	shalt  }
0x7f: {  	_ =	shalt  }
0x80: {  	_ =	shalt  }
0x81: {  	_ =	shalt  }
0x82: {  	_ =	shalt  }
0x83: {  	_ =	shalt  }
0x84: {  	_ =	shalt  }
0x85: {  	_ =	shalt  }
0x86: {  	_ =	shalt  }
0x87: {  	_ =	shalt  }
.Lfunc_end0:
.L_simem_size_0:
called_computation_lowered:
.L_overlay_start_0:
0x88: {  	s2 =	sld [smem:$0x3FD9]  }
0x89: {  	s3 =	sld [smem:$0x3FFE];
	_ =	sdelay $0x1  }
0x8a: {  	s1 =	srdreg.scid  }
0x8b: {  	s0 =	sand.u32 $0x1, s1  }
0x8c: {  	s18 =	sshll.u32 s0, $0xA;
	s2 =	sadd.s32 s3, s2  }
0x8d: {  	s2 =	sadd.s32 s2, s18  }
0x8e: {  	[smem:$0x3FC4] =	sst s2  }
0x8f: {  	_ = 	snop  }
0x90: {  	s2 =	sld [smem:$0x3FC9]  }
0x91: {  	s19 =	sld [smem:$0x3FC8]  }
0x92: {  	s4 =	sld [smem:$0x3FC7]  }
0x93: {  	s5 =	sld [smem:$0x3FC6]  }
0x94: {  	s6 =	sld [smem:$0x3FD0];
	(tm) =	ssettm $0x1  }
0x95: {  	s7 =	sld [smem:$0x3FFB];
	_ =	sdelay $0x3  }
0x96: {  	_ =	strace s7  }
0x97: {  	s7 =	sld [smem:$0x3FFC];
	_ =	sdelay $0x3  }
0x98: {  	_ =	strace s7  }
0x99: {  	s7 =	sld [smem:$0x3FFD];
	_ =	sdelay $0x3  }
0x9a: {  	_ =	strace s7  }
0x9b: {  	_ =	strace $0x8FFFFFFF  }
0x9c: {  	s20 =	sld [smem:$0x3FDB];
	_ =	sdelay $0x1  }
0x9d: {  	s8 =	simm.s32 $_scs_section_size  }
0x9e: {  	s9 =	simm.s32 $_size__tile_overlayer_lowered;
	s10 =	simm.s32 $_tile_overlayer_lowered  }
0x9f: {  	s23 =	simm.s32 $0x1BFF;
	s22 =	sshll.u32 s10, $0x1;
	s7 =	sadd.s32 s8, s20  }
0xa0: {  	s11 =	simm.s32 $0x0;
	s21 =	sshll.u32 s9, $0x1;
	s9 =	sadd.s32 s22, s7  }
0xa1: {  	[timem:s11], [sflag:s23] =	dma.local [hbm:s9], s21  }
0xa2: {  	_ =	swait.ge [sflag:s23], s21  }
0xa3: {  	s8 =	ssub.s32 $0x0, s21;
	[sflag:s23] =	ssyncset.done $0x0  }
0xa4: {  	[sflag:s23] =	ssyncadd.s32 s8;
	_ =	sdelay $0x1  }
0xa5: {  	s24 =	simm.s32 $0x1B8B  }
0xa6: {  	_ =	swait.ge [sflag:s24], $0x1  }
0xa7: {  	[sflag:s24] =	ssyncset.done $0x0  }
0xa8: {  	s25 =	simm.s32 $0x1B8E;
	[sflag:s24] =	ssyncadd.s32 $0xFFFFFFFF  }
0xa9: {  	s26 =	simm.s32 $execute0_lowered;
	[smem:$0x3FD2] =	sst s25  }
0xaa: {  	s8 =	sshll.u32 s26, $0x1;
	_ =	strace $0x80000046;
	[dreg:$0x1] =	wrdreg $0xFFFFFFFF  }
0xab: {  	s28 =	simm.s32 $_size_execute0_lowered;
	s7 =	sadd.s32 s7, s8;
	[dreg:$0x0] =	wrdreg $0x0  }
0xac: {  	s8 =	sshll.u32 s28, $0x1;
	[dreg:$0x2] =	wrdreg s7  }
0xad: {  	[dreg:$0x3] =	wrdreg s8  }
0xae: {  	[dreg:$0x4] =	wrdreg $0xC0  }
0xaf: {  	_ =	task [dreg:s11], $0x5FFFF  }
0xb0: {  	[dreg:$0x1] =	wrdreg $0xFFFFFFFF  }
0xb1: {  	[dreg:$0x0] =	wrdreg $0x60  }
0xb2: {  	[dreg:$0x2] =	wrdreg s2  }
0xb3: {  	[dreg:$0x3] =	wrdreg s19  }
0xb4: {  	[dreg:$0x4] =	wrdreg s4  }
0xb5: {  	[dreg:$0x5] =	wrdreg s5  }
0xb6: {  	[dreg:$0x6] =	wrdreg s6  }
0xb7: {  	[dreg:$0x7] =	wrdreg $0x9  }
0xb8: {  	_ =	task.clear_ibuf [dreg:s11], $0x8FFFF;
	_ =	strace $0x90000046  }
0xb9: {  	s29 =	simm.s32 $0x9;
	_ =	strace $0x80000048  }
0xba: {  	_ =	swait.ge [sflag:s29], $0x1  }
0xbb: {  	[sflag:s29] =	ssyncadd.s32 $0xFFFFFFFF  }
0xbc: {  	_ =	strace $0x90000048  }
0xbd: {  	_ =	sfence  }
0xbe: {  	s30 =	sld [smem:$0x0];
	_ =	sdelay $0x2  }
0xbf: {  	s31 =	sshll.u32 s1, $0xD;
	s1 =	sshrl.u32 s1, $0x2  }
0xc0: {  	s3 =	sand.u32 $0x4000, s31;
	s1 =	sadd.s32 s1, s30  }
0xc1: {  	s0 =	sor.u32 s3, s0;
	s1 =	sshll.u32 s1, $0x11  }
0xc2: {  	s0 =	sor.u32 s1, s0  }
0xc3: {  	s0 =	sadd.s32 $0x8F2B, s0  }
0xc4: {  	[sflag:s0] =	ssyncadd.remote.s32 $0x1  }
0xc5: {  	_ =	sfence.sel $0xFFFF  }
0xc6: {  	[dreg:$0x0] =	wrdreg $0xFFFFFFFF;
	(pc) =	sbr.abs _section_cstart, $3  }
0xc7: {  	[dreg:$0x1] =	wrdreg $0xFFFFFFFF  }
0xc8: {  	_ =	task.clear_ibuf [dreg:s11], $0x2FFFF;
	_ =	strace $0x9FFFFFFF  }
0xc9: {  	(tm) =	ssettm $0x7FFFFFFF  }
tec
execute0_lowered:
.L_overlay_start_1:
0x0: {  	(tag) =	ssettag $0x1  }
0x1: {  	s0 =	rddreg [dreg:$0x0]  }
0x2: {  	s8 =	rddreg [dreg:$0x1]  }
0x3: {  	s1 =	rddreg [dreg:$0x2]  }
0x4: {  	s3 =	rddreg [dreg:$0x3]  }
0x5: {  	s4 =	rddreg [dreg:$0x4]  }
0x6: {  	s5 =	srdreg.scid;
	s2 =	stileid.u32;
	s11 =	simm.s32 $0x1  }
0x7: {  	v0 =	vlaneseq.u32;
	s12 =	simm.s32 $0x40;
	s13 =	simm.s32 $0x400;
	s14 =	simm.s32 $0x6400  }
0x8: {  	s15 =	simm.s32 $0x2400;
	s16 =	simm.s32 $0x240;
	s17 =	simm.s32 $0x8400;
	v0 =	vmul.u32 $0x80, v0  }
0x9: {  	s18 =	simm.s32 $0xC600;
	s19 =	simm.s32 $0x8;
	s6 =	sand.u32 $0x1, s5  }
0xa: {  	s20 =	simm.s32 $0x0;
	s7 =	sshll.u32 s2, $0xA;
	s9 =	sshll.u32 s6, $0x9;
	v1 =	vor.u32 $0x1, v0;
	v2 =	vor.u32 $0x2, v0;
	v3 =	vor.u32 $0x3, v0  }
0xb: {  	s5 =	simm.s32 $0x0;
	s10 =	ssub.s32 $0x2, s6;
	s6 =	sor.u32 s9, s7;
	v4 =	vor.u32 $0x4, v0;
	v5 =	vor.u32 $0x5, v0;
	v6 =	vor.u32 $0x6, v0  }
0xc: {  	[smem:$0x7FF] =	sst s5;
	s31 =	sshrl.u32 s10, $0x1;
	v7 =	vor.u32 $0x7, v0;
	v8 =	vor.u32 $0x8, v0;
	v9 =	vor.u32 $0x9, v0;
	s9 =	sshrl.u32 s6, $0x3  }
0xd: {  	_ =	strace $0x80000047;
	v10 =	vor.u32 $0xA, v0;
	v11 =	vor.u32 $0xB, v0;
	v12 =	vor.u32 $0xC, v0;
	s10 =	ssub.s32 s10, s31;
	s7 =	sadd.s32 s0, s9  }
0xe: {  	v13 =	vor.u32 $0xD, v0;
	v14 =	vor.u32 $0xE, v0;
	v15 =	vor.u32 $0xF, v0;
	s8 =	sadd.s32 s8, s9;
	s9 =	smax.u32 s10, $0x1;
	s10 =	simm.s32 $0x200  }
.LBB2_1:
0xf: {  	[tilespmem:s5], [sflag:$0x1] =	stream.linear.gather [hbm4b:s7+s5], $0x200, $0x38;
	[tilespmem:$0xE600] =	vst v63  }
0x10: {  	_ = 	snop  }
0x11: {  	[tilespmem:s10], [sflag:$0x1] =	stream.linear.gather [hbm4b:s8+s5], $0x200, $0x38;
	[tilespmem:$0xE600] =	vst v63  }
0x12: {  	_ =	swait.ge [sflag:s11], $0x200  }
0x13: {  	[sflag:s11] =	ssyncset.done $0x0  }
0x14: {  	[sflag:s11] =	ssyncadd.s32 $0xFFFFFE00  }
0x15: {  	_ =	swait.ge [sflag:s11], $0x200  }
0x16: {  	[sflag:s11] =	ssyncset.done $0x0  }
0x17: {  	[sflag:s11] =	ssyncadd.s32 $0xFFFFFE00  }
0x18: {  	[tilespmem:s13], [sflag:$0x2] =	stream.indirect.gather [hbm4b:s1+s12], $0x80, s5, s12, $0xb8;
	[tilespmem:$0xE600] =	vst v63  }
0x19: {  	_ = 	snop  }
0x1a: {  	[tilespmem:s14], [sflag:$0x5] =	stream.indirect.gather [hbm4b:s3+s12], $0x80, s10, s12, $0xb8;
	[tilespmem:$0xE600] =	vst v63  }
0x1b: {  	_ = 	snop  }
0x1c: {  	[tilespmem:s15], [sflag:$0x3] =	stream.indirect.gather [hbm4b:s1+s12], $0x80, s12, s12, $0xb8;
	[tilespmem:$0xE600] =	vst v63  }
0x1d: {  	s21 =	simm.s32 $0x0  }
0x1e: {  	[tilespmem:s17], [sflag:$0x6] =	stream.indirect.gather [hbm4b:s3+s12], $0x80, s16, s12, $0xb8;
	[tilespmem:$0xE600] =	vst v63  }
.LBB2_2:
0x1f: {  	s0 =	smul.u32 $0xAB, s21;
	_ =	sdelay $0x1  }
0x20: {  	s22 =	sadd.s32 $0x156, s0  }
0x21: {  	s22 =	sshrl.u32 s22, $0x9  }
0x22: {  	s22 =	sand.u32 $0x7F, s22  }
0x23: {  	s23 =	smul.u32 $0x3, s22  }
0x24: {  	s22 =	sadd.s32 $0x2, s21  }
0x25: {  	p0 =	sgt.u32 s21, $0x5;
	s23 =	ssub.s32 s22, s23  }
0x26: {  	s23 =	sand.u32 @!p0 $0xFF, s23  }
0x27: {  	p1 =	sne.s32 @!p0 s23, $0x0  }
0x28: {  	p1 =	por p0, p1  }
.Ltmp0:
0x29: {  	_ = 	snop;
	(pc) =	sbr.rel @p1 .LBB2_4-.Ltmp0, $1  }
0x2a: {  	_ =	sdelay $0x3  }
.Ltmp1:
0x2b: {  	(pc) =	sbr.rel .LBB2_7-.Ltmp1, $4  }
0x2c: {  	s22 =	sshll.u32 s22, $0x6  }
0x2d: {  	[tilespmem:s13], [sflag:$0x2] =	stream.indirect.gather [hbm4b:s1+s12], $0x80, s22, s12, $0xb8;
	[tilespmem:$0xE600] =	vst v63  }
0x2e: {  	s22 =	sadd.s32 $0x200, s22  }
0x2f: {  	[tilespmem:s14], [sflag:$0x5] =	stream.indirect.gather [hbm4b:s3+s12], $0x80, s22, s12, $0xb8;
	[tilespmem:$0xE600] =	vst v63  }
.LBB2_4:
0x30: {  	p1 =	sne.s32 @!p0 s23, $0x1  }
0x31: {  	p1 =	por p0, p1  }
.Ltmp2:
0x32: {  	_ = 	snop;
	(pc) =	sbr.rel @p1 .LBB2_6-.Ltmp2, $1  }
0x33: {  	_ =	sdelay $0x3  }
.Ltmp3:
0x34: {  	(pc) =	sbr.rel .LBB2_7-.Ltmp3, $4  }
0x35: {  	s22 =	sshll.u32 s22, $0x6  }
0x36: {  	[tilespmem:s15], [sflag:$0x3] =	stream.indirect.gather [hbm4b:s1+s12], $0x80, s22, s12, $0xb8;
	[tilespmem:$0xE600] =	vst v63  }
0x37: {  	s22 =	sadd.s32 $0x200, s22  }
0x38: {  	[tilespmem:s17], [sflag:$0x6] =	stream.indirect.gather [hbm4b:s3+s12], $0x80, s22, s12, $0xb8;
	[tilespmem:$0xE600] =	vst v63  }
.LBB2_6:
0x39: {  	p1 =	sne.s32 @!p0 s23, $0x2  }
0x3a: {  	p0 =	por p1, p0  }
0x3b: {  	s22 =	sshll.u32 @!p0 s22, $0x6;
	s23 =	simm.s32 @!p0 $0x40;
	s24 =	simm.s32 @!p0 $0x4400  }
0x3c: {  	[tilespmem:s24], [sflag:$0x4] =	stream.indirect.gather @!p0 [hbm4b:s1+s23], $0x80, s22, s23, $0xb8;
	[tilespmem:$0xE600] =	vst v63  }
0x3d: {  	s22 =	sadd.s32 @!p0 $0x200, s22;
	s24 =	simm.s32 @!p0 $0xA400  }
0x3e: {  	[tilespmem:s24], [sflag:$0x7] =	stream.indirect.gather @!p0 [hbm4b:s3+s23], $0x80, s22, s23, $0xb8;
	[tilespmem:$0xE600] =	vst v63  }
.LBB2_7:
0x3f: {  	s0 =	sshrl.u32 s0, $0x9  }
0x40: {  	s0 =	sand.u32 $0x7F, s0  }
0x41: {  	s0 =	smul.u32 $0x3, s0;
	_ =	sdelay $0x1  }
0x42: {  	s0 =	ssub.s32 s21, s0  }
0x43: {  	s22 =	sand.u32 $0xFF, s0  }
0x44: {  	p0 =	seq.s32 s22, $0x0  }
.Ltmp4:
0x45: {  	_ = 	snop;
	(pc) =	sbr.rel @p0 .LBB2_8-.Ltmp4, $1  }
0x46: {  	_ =	sdelay $0x3  }
.Ltmp5:
0x47: {  	(pc) =	sbr.rel .LBB2_10-.Ltmp5, $4  }
0x48: {  	_ = 	snop  }
0x49: {  	p0 =	seq.s32 s22, $0x2  }
0x4a: {  	s23 =	simm.s32 @p0 $0x7;
	s22 =	simm.s32 @p0 $0x4  }
0x4b: {  	s23 =	simm.s32 @!p0 $0x6;
	s22 =	simm.s32 @!p0 $0x3  }
.LBB2_8:
0x4c: {  	s23 =	simm.s32 $0x5;
	s22 =	simm.s32 $0x2  }
.LBB2_10:
0x4d: {  	_ =	swait.ge [sflag:s22], $0x2000  }
0x4e: {  	[sflag:s22] =	ssyncset.done $0x0  }
0x4f: {  	[sflag:s22] =	ssyncadd.s32 $0xFFFFE000;
	s22 =	sshll.u32 s21, $0x6  }
0x50: {  	s0 =	sshll.u32 s0, $0x6;
	_ =	swait.ge [sflag:s23], $0x2000;
	s24 =	sand.u32 $0x3FFFFFC0, s22  }
0x51: {  	p0 =	por $0x1, $0x1;
	[sflag:s23] =	ssyncset.done $0x0;
	s24 =	sadd.s32 $0xC400, s24  }
0x52: {  	[sflag:s23] =	ssyncadd.s32 $0xFFFFE000;
	s23 =	sand.u32 $0xC0, s0;
	s0 =	simm.s32 $0x0;
	v16 =	vmov s24  }
.LBB2_11:
0x53: {  	s24 =	sshll.u32 s0, $0x4  }
0x54: {  	s25 =	sor.u32 s23, s24  }
0x55: {  	s28 =	sshll.u32 s25, $0x7  }
0x56: {  	v17 =	vld [tilespmem:s28+$0x400]  }
0x57: {  	v18 =	vld [tilespmem:s28+$0x6400]  }
0x58: {  	v19 =	vld [tilespmem:s28+$0x410]  }
0x59: {  	v20 =	vld [tilespmem:s28+$0x6410]  }
0x5a: {  	v21 =	vld [tilespmem:s28+$0x420]  }
0x5b: {  	v22 =	vld [tilespmem:s28+$0x6420]  }
0x5c: {  	v23 =	vld [tilespmem:s28+$0x430]  }
0x5d: {  	v24 =	vld [tilespmem:s28+$0x6430]  }
0x5e: {  	v49 =	vld [tilespmem:s28+$0x6440];
	v17 =	vmul.f32 v18, v17;
	v18 =	vmul.f32 v20, v19  }
0x5f: {  	v19 =	vld [tilespmem:s28+$0x440]  }
0x60: {  	v50 =	vld [tilespmem:s28+$0x450];
	v17 =	vadd.f32 v18, v17;
	v18 =	vmul.f32 v22, v21  }
0x61: {  	v51 =	vld [tilespmem:s28+$0x6450]  }
0x62: {  	v52 =	vld [tilespmem:s28+$0x460];
	v17 =	vadd.f32 v18, v17;
	v18 =	vmul.f32 v24, v23  }
0x63: {  	v53 =	vld [tilespmem:s28+$0x6460]  }
0x64: {  	v54 =	vld [tilespmem:s28+$0x6470];
	v17 =	vadd.f32 v18, v17;
	v18 =	vmul.f32 v49, v19  }
0x65: {  	v19 =	vld [tilespmem:s28+$0x470]  }
0x66: {  	v17 =	vadd.f32 v18, v17;
	v18 =	vmul.f32 v51, v50;
	_ =	sdelay $0x1  }
0x67: {  	v17 =	vadd.f32 v18, v17;
	v18 =	vmul.f32 v53, v52;
	_ =	sdelay $0x1  }
0x68: {  	v17 =	vadd.f32 v18, v17;
	v18 =	vmul.f32 v54, v19;
	_ =	sdelay $0x1  }
0x69: {  	s25 =	sshll.u32 s0, $0xB;
	v17 =	vadd.f32 v18, v17  }
0x6a: {  	s26 =	sand.u32 $0x3FFFF800, s25  }
0x6b: {  	[tilespmem:s26+$0xC600] =	vst v17  }
0x6c: {  	v17 =	vld [tilespmem:s28+$0x480]  }
0x6d: {  	v18 =	vld [tilespmem:s28+$0x6480]  }
0x6e: {  	v19 =	vld [tilespmem:s28+$0x490]  }
0x6f: {  	v55 =	vld [tilespmem:s28+$0x6490]  }
0x70: {  	v56 =	vld [tilespmem:s28+$0x4A0]  }
0x71: {  	v57 =	vld [tilespmem:s28+$0x64A0]  }
0x72: {  	v58 =	vld [tilespmem:s28+$0x4B0]  }
0x73: {  	v59 =	vld [tilespmem:s28+$0x64B0]  }
0x74: {  	v60 =	vld [tilespmem:s28+$0x64C0];
	v17 =	vmul.f32 v18, v17;
	v18 =	vmul.f32 v55, v19  }
0x75: {  	v19 =	vld [tilespmem:s28+$0x4C0]  }
0x76: {  	v61 =	vld [tilespmem:s28+$0x4D0];
	v17 =	vadd.f32 v18, v17;
	v18 =	vmul.f32 v57, v56  }
0x77: {  	v62 =	vld [tilespmem:s28+$0x64D0]  }
0x78: {  	v63 =	vld [tilespmem:s28+$0x4E0];
	v17 =	vadd.f32 v18, v17;
	v18 =	vmul.f32 v59, v58  }
0x79: {  	v28 =	vld [tilespmem:s28+$0x64E0]  }
0x7a: {  	v29 =	vld [tilespmem:s28+$0x64F0];
	v17 =	vadd.f32 v18, v17;
	v18 =	vmul.f32 v60, v19  }
0x7b: {  	v19 =	vld [tilespmem:s28+$0x4F0]  }
0x7c: {  	v17 =	vadd.f32 v18, v17;
	v18 =	vmul.f32 v62, v61;
	_ =	sdelay $0x1  }
0x7d: {  	v17 =	vadd.f32 v18, v17;
	v18 =	vmul.f32 v28, v63;
	_ =	sdelay $0x1  }
0x7e: {  	v17 =	vadd.f32 v18, v17;
	v18 =	vmul.f32 v29, v19;
	_ =	sdelay $0x1  }
0x7f: {  	v17 =	vadd.f32 v18, v17;
	_ =	sdelay $0x1  }
0x80: {  	[tilespmem:s26+$0xC680] =	vst v17  }
0x81: {  	v17 =	vld [tilespmem:s28+$0x500]  }
0x82: {  	v18 =	vld [tilespmem:s28+$0x6500]  }
0x83: {  	v19 =	vld [tilespmem:s28+$0x510]  }
0x84: {  	v30 =	vld [tilespmem:s28+$0x6510]  }
0x85: {  	v31 =	vld [tilespmem:s28+$0x520]  }
0x86: {  	v32 =	vld [tilespmem:s28+$0x6520]  }
0x87: {  	v33 =	vld [tilespmem:s28+$0x530]  }
0x88: {  	v34 =	vld [tilespmem:s28+$0x6530]  }
0x89: {  	v35 =	vld [tilespmem:s28+$0x6540];
	v17 =	vmul.f32 v18, v17;
	v18 =	vmul.f32 v30, v19  }
0x8a: {  	v19 =	vld [tilespmem:s28+$0x540]  }
0x8b: {  	v36 =	vld [tilespmem:s28+$0x550];
	v17 =	vadd.f32 v18, v17;
	v18 =	vmul.f32 v32, v31  }
0x8c: {  	v37 =	vld [tilespmem:s28+$0x6550]  }
0x8d: {  	v38 =	vld [tilespmem:s28+$0x560];
	v17 =	vadd.f32 v18, v17;
	v18 =	vmul.f32 v34, v33  }
0x8e: {  	v39 =	vld [tilespmem:s28+$0x6560]  }
0x8f: {  	v40 =	vld [tilespmem:s28+$0x6570];
	v17 =	vadd.f32 v18, v17;
	v18 =	vmul.f32 v35, v19  }
0x90: {  	v19 =	vld [tilespmem:s28+$0x570]  }
0x91: {  	v17 =	vadd.f32 v18, v17;
	v18 =	vmul.f32 v37, v36;
	_ =	sdelay $0x1  }
0x92: {  	v17 =	vadd.f32 v18, v17;
	v18 =	vmul.f32 v39, v38;
	_ =	sdelay $0x1  }
0x93: {  	v17 =	vadd.f32 v18, v17;
	v18 =	vmul.f32 v40, v19;
	_ =	sdelay $0x1  }
0x94: {  	v17 =	vadd.f32 v18, v17;
	_ =	sdelay $0x1  }
0x95: {  	[tilespmem:s26+$0xC700] =	vst v17  }
0x96: {  	v17 =	vld [tilespmem:s28+$0x580]  }
0x97: {  	v18 =	vld [tilespmem:s28+$0x6580]  }
0x98: {  	v19 =	vld [tilespmem:s28+$0x590]  }
0x99: {  	v41 =	vld [tilespmem:s28+$0x6590]  }
0x9a: {  	v42 =	vld [tilespmem:s28+$0x5A0]  }
0x9b: {  	v43 =	vld [tilespmem:s28+$0x65A0]  }
0x9c: {  	v44 =	vld [tilespmem:s28+$0x5B0]  }
0x9d: {  	v45 =	vld [tilespmem:s28+$0x65B0]  }
0x9e: {  	v46 =	vld [tilespmem:s28+$0x65C0];
	v17 =	vmul.f32 v18, v17;
	v18 =	vmul.f32 v41, v19  }
0x9f: {  	v19 =	vld [tilespmem:s28+$0x5C0]  }
0xa0: {  	v47 =	vld [tilespmem:s28+$0x5D0];
	v17 =	vadd.f32 v18, v17;
	v18 =	vmul.f32 v43, v42  }
0xa1: {  	v48 =	vld [tilespmem:s28+$0x65D0]  }
0xa2: {  	v49 =	vld [tilespmem:s28+$0x5E0];
	v17 =	vadd.f32 v18, v17;
	v18 =	vmul.f32 v45, v44  }
0xa3: {  	v50 =	vld [tilespmem:s28+$0x65E0]  }
0xa4: {  	v51 =	vld [tilespmem:s28+$0x65F0];
	v17 =	vadd.f32 v18, v17;
	v18 =	vmul.f32 v46, v19  }
0xa5: {  	v19 =	vld [tilespmem:s28+$0x5F0]  }
0xa6: {  	v17 =	vadd.f32 v18, v17;
	v18 =	vmul.f32 v48, v47;
	_ =	sdelay $0x1  }
0xa7: {  	v17 =	vadd.f32 v18, v17;
	v18 =	vmul.f32 v50, v49;
	_ =	sdelay $0x1  }
0xa8: {  	v17 =	vadd.f32 v18, v17;
	v18 =	vmul.f32 v51, v19;
	_ =	sdelay $0x1  }
0xa9: {  	v17 =	vadd.f32 v18, v17;
	_ =	sdelay $0x1  }
0xaa: {  	[tilespmem:s26+$0xC780] =	vst v17  }
0xab: {  	v17 =	vld [tilespmem:s28+$0x600]  }
0xac: {  	v18 =	vld [tilespmem:s28+$0x6600]  }
0xad: {  	v19 =	vld [tilespmem:s28+$0x610]  }
0xae: {  	v52 =	vld [tilespmem:s28+$0x6610]  }
0xaf: {  	v53 =	vld [tilespmem:s28+$0x620]  }
0xb0: {  	v54 =	vld [tilespmem:s28+$0x6620]  }
0xb1: {  	v55 =	vld [tilespmem:s28+$0x630]  }
0xb2: {  	v56 =	vld [tilespmem:s28+$0x6630]  }
0xb3: {  	v57 =	vld [tilespmem:s28+$0x6640];
	v17 =	vmul.f32 v18, v17;
	v18 =	vmul.f32 v52, v19  }
0xb4: {  	v19 =	vld [tilespmem:s28+$0x640]  }
0xb5: {  	v58 =	vld [tilespmem:s28+$0x650];
	v17 =	vadd.f32 v18, v17;
	v18 =	vmul.f32 v54, v53  }
0xb6: {  	v59 =	vld [tilespmem:s28+$0x6650]  }
0xb7: {  	v60 =	vld [tilespmem:s28+$0x660];
	v17 =	vadd.f32 v18, v17;
	v18 =	vmul.f32 v56, v55  }
0xb8: {  	v61 =	vld [tilespmem:s28+$0x6660]  }
0xb9: {  	v62 =	vld [tilespmem:s28+$0x6670];
	v17 =	vadd.f32 v18, v17;
	v18 =	vmul.f32 v57, v19  }
0xba: {  	v19 =	vld [tilespmem:s28+$0x670]  }
0xbb: {  	v17 =	vadd.f32 v18, v17;
	v18 =	vmul.f32 v59, v58;
	_ =	sdelay $0x1  }
0xbc: {  	v17 =	vadd.f32 v18, v17;
	v18 =	vmul.f32 v61, v60;
	_ =	sdelay $0x1  }
0xbd: {  	v17 =	vadd.f32 v18, v17;
	v18 =	vmul.f32 v62, v19;
	_ =	sdelay $0x1  }
0xbe: {  	v17 =	vadd.f32 v18, v17;
	_ =	sdelay $0x1  }
0xbf: {  	[tilespmem:s26+$0xC800] =	vst v17  }
0xc0: {  	v17 =	vld [tilespmem:s28+$0x680]  }
0xc1: {  	v18 =	vld [tilespmem:s28+$0x6680]  }
0xc2: {  	v19 =	vld [tilespmem:s28+$0x690]  }
0xc3: {  	v63 =	vld [tilespmem:s28+$0x6690]  }
0xc4: {  	v28 =	vld [tilespmem:s28+$0x6A0]  }
0xc5: {  	v29 =	vld [tilespmem:s28+$0x66A0]  }
0xc6: {  	v30 =	vld [tilespmem:s28+$0x6B0]  }
0xc7: {  	v31 =	vld [tilespmem:s28+$0x66B0]  }
0xc8: {  	v32 =	vld [tilespmem:s28+$0x66C0];
	v17 =	vmul.f32 v18, v17;
	v18 =	vmul.f32 v63, v19  }
0xc9: {  	v19 =	vld [tilespmem:s28+$0x6C0]  }
0xca: {  	v33 =	vld [tilespmem:s28+$0x6D0];
	v17 =	vadd.f32 v18, v17;
	v18 =	vmul.f32 v29, v28  }
0xcb: {  	v34 =	vld [tilespmem:s28+$0x66D0]  }
0xcc: {  	v35 =	vld [tilespmem:s28+$0x6E0];
	v17 =	vadd.f32 v18, v17;
	v18 =	vmul.f32 v31, v30  }
0xcd: {  	v36 =	vld [tilespmem:s28+$0x66E0]  }
0xce: {  	s0 =	sor.u32 $0x1, s0;
	v37 =	vld [tilespmem:s28+$0x66F0];
	v17 =	vadd.f32 v18, v17;
	v18 =	vmul.f32 v32, v19  }
0xcf: {  	s29 =	sshll.u32 s0, $0x4;
	v19 =	vld [tilespmem:s28+$0x6F0]  }
0xd0: {  	s30 =	sor.u32 s23, s29;
	v17 =	vadd.f32 v18, v17;
	v18 =	vmul.f32 v34, v33  }
0xd1: {  	s31 =	sshll.u32 s30, $0x7  }
0xd2: {  	v25 =	vld [tilespmem:s31+$0x6400];
	v17 =	vadd.f32 v18, v17;
	v18 =	vmul.f32 v36, v35  }
0xd3: {  	v26 =	vld [tilespmem:s31+$0x410]  }
0xd4: {  	v27 =	vld [tilespmem:s31+$0x6410];
	v17 =	vadd.f32 v18, v17;
	v18 =	vmul.f32 v37, v19  }
0xd5: {  	v28 =	vld [tilespmem:s31+$0x420]  }
0xd6: {  	v29 =	vld [tilespmem:s31+$0x6420];
	v17 =	vadd.f32 v18, v17  }
0xd7: {  	v30 =	vld [tilespmem:s31+$0x430]  }
0xd8: {  	v31 =	vld [tilespmem:s31+$0x6430];
	[tilespmem:s26+$0xC880] =	vst v17  }
0xd9: {  	v17 =	vld [tilespmem:s28+$0x700]  }
0xda: {  	v18 =	vld [tilespmem:s28+$0x6700]  }
0xdb: {  	v19 =	vld [tilespmem:s28+$0x710]  }
0xdc: {  	v38 =	vld [tilespmem:s28+$0x6710]  }
0xdd: {  	v39 =	vld [tilespmem:s28+$0x720]  }
0xde: {  	v40 =	vld [tilespmem:s28+$0x6720]  }
0xdf: {  	v41 =	vld [tilespmem:s28+$0x730]  }
0xe0: {  	v42 =	vld [tilespmem:s28+$0x6730]  }
0xe1: {  	v43 =	vld [tilespmem:s28+$0x6740];
	v17 =	vmul.f32 v18, v17;
	v18 =	vmul.f32 v38, v19  }
0xe2: {  	v19 =	vld [tilespmem:s28+$0x740]  }
0xe3: {  	v44 =	vld [tilespmem:s28+$0x750];
	v17 =	vadd.f32 v18, v17;
	v18 =	vmul.f32 v40, v39  }
0xe4: {  	v45 =	vld [tilespmem:s28+$0x6750]  }
0xe5: {  	v46 =	vld [tilespmem:s28+$0x760];
	v17 =	vadd.f32 v18, v17;
	v18 =	vmul.f32 v42, v41  }
0xe6: {  	v47 =	vld [tilespmem:s28+$0x6760]  }
0xe7: {  	v48 =	vld [tilespmem:s28+$0x6770];
	v17 =	vadd.f32 v18, v17;
	v18 =	vmul.f32 v43, v19  }
0xe8: {  	v19 =	vld [tilespmem:s28+$0x770]  }
0xe9: {  	v36 =	vld [tilespmem:s31+$0x400];
	v17 =	vadd.f32 v18, v17;
	v18 =	vmul.f32 v45, v44  }
0xea: {  	v38 =	vld [tilespmem:s31+$0x440]  }
0xeb: {  	v39 =	vld [tilespmem:s31+$0x6440];
	v17 =	vadd.f32 v18, v17;
	v18 =	vmul.f32 v47, v46  }
0xec: {  	v41 =	vld [tilespmem:s31+$0x450]  }
0xed: {  	v42 =	vld [tilespmem:s31+$0x6450];
	v17 =	vadd.f32 v18, v17;
	v18 =	vmul.f32 v48, v19  }
0xee: {  	v44 =	vld [tilespmem:s31+$0x460]  }
0xef: {  	v45 =	vld [tilespmem:s31+$0x6460];
	v17 =	vadd.f32 v18, v17  }
0xf0: {  	v47 =	vld [tilespmem:s31+$0x470]  }
0xf1: {  	v48 =	vld [tilespmem:s31+$0x6470];
	[tilespmem:s26+$0xC900] =	vst v17  }
0xf2: {  	v17 =	vld [tilespmem:s28+$0x780]  }
0xf3: {  	v18 =	vld [tilespmem:s28+$0x6780]  }
0xf4: {  	v19 =	vld [tilespmem:s28+$0x790]  }
0xf5: {  	v37 =	vmul.f32 v27, v26;
	v24 =	vmul.f32 v25, v36;
	v49 =	vld [tilespmem:s28+$0x6790]  }
0xf6: {  	v50 =	vld [tilespmem:s28+$0x7A0]  }
0xf7: {  	v24 =	vadd.f32 v37, v24;
	v40 =	vmul.f32 v29, v28;
	v51 =	vld [tilespmem:s28+$0x67A0]  }
0xf8: {  	v52 =	vld [tilespmem:s28+$0x7B0]  }
0xf9: {  	v24 =	vadd.f32 v40, v24;
	v43 =	vmul.f32 v31, v30;
	v53 =	vld [tilespmem:s28+$0x67B0]  }
0xfa: {  	v54 =	vld [tilespmem:s28+$0x67C0];
	v17 =	vmul.f32 v18, v17;
	v18 =	vmul.f32 v49, v19  }
0xfb: {  	v24 =	vadd.f32 v43, v24;
	v46 =	vmul.f32 v39, v38;
	v19 =	vld [tilespmem:s28+$0x7C0]  }
0xfc: {  	v55 =	vld [tilespmem:s28+$0x7D0];
	v17 =	vadd.f32 v18, v17;
	v18 =	vmul.f32 v51, v50  }
0xfd: {  	v24 =	vadd.f32 v46, v24;
	v56 =	vld [tilespmem:s28+$0x67D0];
	v49 =	vmul.f32 v42, v41  }
0xfe: {  	v57 =	vld [tilespmem:s28+$0x7E0];
	v17 =	vadd.f32 v18, v17;
	v18 =	vmul.f32 v53, v52  }
0xff: {  	v58 =	vld [tilespmem:s28+$0x67E0];
	v24 =	vadd.f32 v49, v24;
	v52 =	vmul.f32 v45, v44  }
0x100: {  	v59 =	vld [tilespmem:s28+$0x67F0];
	v17 =	vadd.f32 v18, v17;
	v18 =	vmul.f32 v54, v19  }
0x101: {  	v19 =	vld [tilespmem:s28+$0x7F0];
	v24 =	vadd.f32 v52, v24  }
0x102: {  	v17 =	vadd.f32 v18, v17;
	v18 =	vmul.f32 v56, v55;
	v55 =	vmul.f32 v48, v47;
	_ =	sdelay $0x1  }
0x103: {  	s30 =	sshll.u32 s0, $0xB;
	v17 =	vadd.f32 v18, v17;
	v18 =	vmul.f32 v58, v57;
	v24 =	vadd.f32 v55, v24  }
0x104: {  	s0 =	sand.u32 $0x3FFFF800, s30  }
0x105: {  	v17 =	vadd.f32 v18, v17;
	v18 =	vmul.f32 v59, v19;
	[tilespmem:s0+$0xC600] =	vst v24  }
0x106: {  	v24 =	vld [tilespmem:s31+$0x480]  }
0x107: {  	v59 =	vld [tilespmem:s31+$0x490];
	v17 =	vadd.f32 v18, v17  }
0x108: {  	v36 =	vld [tilespmem:s31+$0x64B0]  }
0x109: {  	v37 =	vld [tilespmem:s31+$0x4C0];
	[tilespmem:s26+$0xC980] =	vst v17  }
0x10a: {  	v17 =	vld [tilespmem:s28+$0x800]  }
0x10b: {  	v18 =	vld [tilespmem:s28+$0x6800]  }
0x10c: {  	v19 =	vld [tilespmem:s28+$0x810]  }
0x10d: {  	v60 =	vld [tilespmem:s28+$0x6810]  }
0x10e: {  	v61 =	vld [tilespmem:s28+$0x820]  }
0x10f: {  	v62 =	vld [tilespmem:s28+$0x6820]  }
0x110: {  	v63 =	vld [tilespmem:s28+$0x830]  }
0x111: {  	v32 =	vld [tilespmem:s28+$0x6830]  }
0x112: {  	v50 =	vld [tilespmem:s28+$0x840]  }
0x113: {  	v51 =	vld [tilespmem:s28+$0x6840]  }
0x114: {  	v53 =	vld [tilespmem:s28+$0x850]  }
0x115: {  	v54 =	vld [tilespmem:s28+$0x6850]  }
0x116: {  	v56 =	vld [tilespmem:s28+$0x860]  }
0x117: {  	v57 =	vld [tilespmem:s28+$0x6860];
	v17 =	vmul.f32 v18, v17;
	v18 =	vmul.f32 v60, v19  }
0x118: {  	v19 =	vld [tilespmem:s31+$0x6480]  }
0x119: {  	v60 =	vld [tilespmem:s31+$0x6490];
	v17 =	vadd.f32 v18, v17;
	v18 =	vmul.f32 v62, v61  }
0x11a: {  	v61 =	vld [tilespmem:s31+$0x4A0]  }
0x11b: {  	v62 =	vld [tilespmem:s31+$0x64A0];
	v17 =	vadd.f32 v18, v17;
	v18 =	vmul.f32 v32, v63  }
0x11c: {  	v58 =	vld [tilespmem:s28+$0x870]  }
0x11d: {  	v63 =	vld [tilespmem:s31+$0x4B0];
	v17 =	vadd.f32 v18, v17;
	v18 =	vmul.f32 v51, v50  }
0x11e: {  	v33 =	vld [tilespmem:s28+$0x6870];
	v19 =	vmul.f32 v19, v24;
	v20 =	vmul.f32 v60, v59  }
0x11f: {  	v38 =	vld [tilespmem:s31+$0x64C0];
	v17 =	vadd.f32 v18, v17;
	v18 =	vmul.f32 v54, v53  }
0x120: {  	v40 =	vld [tilespmem:s31+$0x4D0];
	v19 =	vadd.f32 v20, v19;
	v39 =	vmul.f32 v62, v61  }
0x121: {  	v41 =	vld [tilespmem:s31+$0x64D0];
	v17 =	vadd.f32 v18, v17;
	v18 =	vmul.f32 v57, v56  }
0x122: {  	v43 =	vld [tilespmem:s31+$0x4E0];
	v19 =	vadd.f32 v39, v19;
	v42 =	vmul.f32 v36, v63  }
0x123: {  	v44 =	vld [tilespmem:s31+$0x64E0];
	v17 =	vadd.f32 v18, v17;
	v18 =	vmul.f32 v33, v58  }
0x124: {  	v46 =	vld [tilespmem:s31+$0x4F0];
	v45 =	vmul.f32 v38, v37;
	v19 =	vadd.f32 v42, v19  }
0x125: {  	v17 =	vadd.f32 v18, v17;
	v18 =	vld [tilespmem:s31+$0x64F0]  }
0x126: {  	v47 =	vmul.f32 v41, v40;
	v19 =	vadd.f32 v45, v19  }
0x127: {  	[tilespmem:s26+$0xCA00] =	vst v17  }
0x128: {  	v48 =	vmul.f32 v44, v43;
	v19 =	vadd.f32 v47, v19;
	v17 =	vld [tilespmem:s28+$0x880]  }
0x129: {  	v22 =	vld [tilespmem:s28+$0x6880]  }
0x12a: {  	v23 =	vld [tilespmem:s28+$0x890];
	v19 =	vadd.f32 v48, v19;
	v18 =	vmul.f32 v18, v46  }
0x12b: {  	v20 =	vld [tilespmem:s28+$0x6890]  }
0x12c: {  	v21 =	vld [tilespmem:s28+$0x8A0];
	v18 =	vadd.f32 v18, v19  }
0x12d: {  	v24 =	vld [tilespmem:s28+$0x8B0]  }
0x12e: {  	v40 =	vld [tilespmem:s28+$0x68B0];
	[tilespmem:s0+$0xC680] =	vst v18  }
0x12f: {  	v18 =	vld [tilespmem:s31+$0x500]  }
0x130: {  	v49 =	vld [tilespmem:s31+$0x6500]  }
0x131: {  	v50 =	vld [tilespmem:s31+$0x510]  }
0x132: {  	v51 =	vld [tilespmem:s31+$0x6510]  }
0x133: {  	v52 =	vld [tilespmem:s31+$0x520]  }
0x134: {  	v53 =	vld [tilespmem:s31+$0x6520]  }
0x135: {  	v54 =	vld [tilespmem:s31+$0x530]  }
0x136: {  	v55 =	vld [tilespmem:s31+$0x6530]  }
0x137: {  	v57 =	vld [tilespmem:s31+$0x540];
	v18 =	vmul.f32 v49, v18;
	v56 =	vmul.f32 v51, v50  }
0x138: {  	v58 =	vld [tilespmem:s31+$0x6540]  }
0x139: {  	v60 =	vld [tilespmem:s31+$0x550];
	v59 =	vmul.f32 v53, v52;
	v18 =	vadd.f32 v56, v18  }
0x13a: {  	v61 =	vld [tilespmem:s31+$0x6550]  }
0x13b: {  	v63 =	vld [tilespmem:s31+$0x560];
	v62 =	vmul.f32 v55, v54;
	v18 =	vadd.f32 v59, v18  }
0x13c: {  	v36 =	vld [tilespmem:s31+$0x6560]  }
0x13d: {  	v38 =	vld [tilespmem:s31+$0x570];
	v37 =	vmul.f32 v58, v57;
	v18 =	vadd.f32 v62, v18  }
0x13e: {  	v39 =	vld [tilespmem:s31+$0x6570]  }
0x13f: {  	v42 =	vld [tilespmem:s28+$0x8C0];
	v41 =	vmul.f32 v61, v60;
	v18 =	vadd.f32 v37, v18  }
0x140: {  	v43 =	vld [tilespmem:s28+$0x68C0]  }
0x141: {  	v45 =	vld [tilespmem:s28+$0x8D0];
	v44 =	vmul.f32 v36, v63;
	v18 =	vadd.f32 v41, v18  }
0x142: {  	v48 =	vld [tilespmem:s28+$0x8E0]  }
0x143: {  	v46 =	vld [tilespmem:s28+$0x68D0];
	v47 =	vmul.f32 v39, v38;
	v18 =	vadd.f32 v44, v18  }
0x144: {  	v19 =	vld [tilespmem:s28+$0x68A0]  }
0x145: {  	v49 =	vld [tilespmem:s28+$0x68E0];
	v18 =	vadd.f32 v47, v18  }
0x146: {  	v50 =	vld [tilespmem:s28+$0x8F0]  }
0x147: {  	v51 =	vld [tilespmem:s28+$0x68F0];
	[tilespmem:s0+$0xC700] =	vst v18  }
0x148: {  	v18 =	vld [tilespmem:s31+$0x580]  }
0x149: {  	v17 =	vmul.f32 v22, v17;
	v20 =	vmul.f32 v20, v23;
	v52 =	vld [tilespmem:s31+$0x6580]  }
0x14a: {  	v53 =	vld [tilespmem:s31+$0x590]  }
0x14b: {  	v17 =	vadd.f32 v20, v17;
	v19 =	vmul.f32 v19, v21;
	v54 =	vld [tilespmem:s31+$0x6590]  }
0x14c: {  	v55 =	vld [tilespmem:s31+$0x5A0]  }
0x14d: {  	v17 =	vadd.f32 v19, v17;
	v19 =	vmul.f32 v40, v24;
	v56 =	vld [tilespmem:s31+$0x65A0]  }
0x14e: {  	v57 =	vld [tilespmem:s31+$0x5B0]  }
0x14f: {  	v17 =	vadd.f32 v19, v17;
	v19 =	vmul.f32 v43, v42;
	v58 =	vld [tilespmem:s31+$0x65B0]  }
0x150: {  	v59 =	vld [tilespmem:s31+$0x5C0];
	v18 =	vmul.f32 v52, v18;
	v20 =	vmul.f32 v54, v53  }
0x151: {  	v17 =	vadd.f32 v19, v17;
	v19 =	vmul.f32 v46, v45;
	v60 =	vld [tilespmem:s31+$0x65C0]  }
0x152: {  	v62 =	vld [tilespmem:s31+$0x5D0];
	v61 =	vmul.f32 v56, v55;
	v18 =	vadd.f32 v20, v18  }
0x153: {  	v17 =	vadd.f32 v19, v17;
	v19 =	vmul.f32 v49, v48;
	v63 =	vld [tilespmem:s31+$0x65D0]  }
0x154: {  	v30 =	vld [tilespmem:s31+$0x5E0];
	v29 =	vmul.f32 v58, v57;
	v18 =	vadd.f32 v61, v18  }
0x155: {  	v17 =	vadd.f32 v19, v17;
	v19 =	vmul.f32 v51, v50;
	v31 =	vld [tilespmem:s31+$0x65E0]  }
0x156: {  	v33 =	vld [tilespmem:s31+$0x5F0];
	v32 =	vmul.f32 v60, v59;
	v18 =	vadd.f32 v29, v18  }
0x157: {  	v17 =	vadd.f32 v19, v17;
	v19 =	vld [tilespmem:s31+$0x65F0]  }
0x158: {  	v34 =	vmul.f32 v63, v62;
	v18 =	vadd.f32 v32, v18  }
0x159: {  	[tilespmem:s26+$0xCA80] =	vst v17  }
0x15a: {  	v17 =	vld [tilespmem:s28+$0x900];
	v35 =	vmul.f32 v31, v30;
	v18 =	vadd.f32 v34, v18  }
0x15b: {  	v21 =	vld [tilespmem:s28+$0x6900]  }
0x15c: {  	v23 =	vld [tilespmem:s28+$0x910];
	v19 =	vmul.f32 v19, v33;
	v18 =	vadd.f32 v35, v18  }
0x15d: {  	v22 =	vld [tilespmem:s28+$0x920]  }
0x15e: {  	v24 =	vld [tilespmem:s28+$0x930];
	v18 =	vadd.f32 v19, v18  }
0x15f: {  	v55 =	vld [tilespmem:s28+$0x6930]  }
0x160: {  	v57 =	vld [tilespmem:s28+$0x940];
	[tilespmem:s0+$0xC780] =	vst v18  }
0x161: {  	v18 =	vld [tilespmem:s31+$0x600]  }
0x162: {  	v36 =	vld [tilespmem:s31+$0x6600]  }
0x163: {  	v37 =	vld [tilespmem:s31+$0x610]  }
0x164: {  	v38 =	vld [tilespmem:s31+$0x6610]  }
0x165: {  	v39 =	vld [tilespmem:s31+$0x620]  }
0x166: {  	v40 =	vld [tilespmem:s31+$0x6620]  }
0x167: {  	v41 =	vld [tilespmem:s31+$0x630]  }
0x168: {  	v42 =	vld [tilespmem:s31+$0x6630]  }
0x169: {  	v44 =	vld [tilespmem:s31+$0x640];
	v18 =	vmul.f32 v36, v18;
	v43 =	vmul.f32 v38, v37  }
0x16a: {  	v45 =	vld [tilespmem:s31+$0x6640]  }
0x16b: {  	v47 =	vld [tilespmem:s31+$0x650];
	v46 =	vmul.f32 v40, v39;
	v18 =	vadd.f32 v43, v18  }
0x16c: {  	v48 =	vld [tilespmem:s31+$0x6650]  }
0x16d: {  	v50 =	vld [tilespmem:s31+$0x660];
	v49 =	vmul.f32 v42, v41;
	v18 =	vadd.f32 v46, v18  }
0x16e: {  	v51 =	vld [tilespmem:s31+$0x6660]  }
0x16f: {  	v53 =	vld [tilespmem:s31+$0x670];
	v52 =	vmul.f32 v45, v44;
	v18 =	vadd.f32 v49, v18  }
0x170: {  	v54 =	vld [tilespmem:s31+$0x6670]  }
0x171: {  	v58 =	vld [tilespmem:s28+$0x6940];
	v56 =	vmul.f32 v48, v47;
	v18 =	vadd.f32 v52, v18  }
0x172: {  	v60 =	vld [tilespmem:s28+$0x950]  }
0x173: {  	v63 =	vld [tilespmem:s28+$0x960];
	v59 =	vmul.f32 v51, v50;
	v18 =	vadd.f32 v56, v18  }
0x174: {  	v20 =	vld [tilespmem:s28+$0x6910]  }
0x175: {  	v61 =	vld [tilespmem:s28+$0x6950];
	v62 =	vmul.f32 v54, v53;
	v18 =	vadd.f32 v59, v18  }
0x176: {  	v19 =	vld [tilespmem:s28+$0x6920]  }
0x177: {  	v36 =	vld [tilespmem:s28+$0x6960];
	v18 =	vadd.f32 v62, v18  }
0x178: {  	v37 =	vld [tilespmem:s28+$0x970]  }
0x179: {  	v38 =	vld [tilespmem:s28+$0x6970];
	[tilespmem:s0+$0xC800] =	vst v18  }
0x17a: {  	v18 =	vld [tilespmem:s31+$0x680]  }
0x17b: {  	v17 =	vmul.f32 v21, v17;
	v20 =	vmul.f32 v20, v23;
	v39 =	vld [tilespmem:s31+$0x6680]  }
0x17c: {  	v40 =	vld [tilespmem:s31+$0x690]  }
0x17d: {  	v17 =	vadd.f32 v20, v17;
	v19 =	vmul.f32 v19, v22;
	v41 =	vld [tilespmem:s31+$0x6690]  }
0x17e: {  	v42 =	vld [tilespmem:s31+$0x6A0]  }
0x17f: {  	v17 =	vadd.f32 v19, v17;
	v19 =	vmul.f32 v55, v24;
	v43 =	vld [tilespmem:s31+$0x66A0]  }
0x180: {  	v44 =	vld [tilespmem:s31+$0x6B0]  }
0x181: {  	v17 =	vadd.f32 v19, v17;
	v19 =	vmul.f32 v58, v57;
	v45 =	vld [tilespmem:s31+$0x66B0]  }
0x182: {  	v46 =	vld [tilespmem:s31+$0x6C0];
	v18 =	vmul.f32 v39, v18;
	v20 =	vmul.f32 v41, v40  }
0x183: {  	v17 =	vadd.f32 v19, v17;
	v19 =	vmul.f32 v61, v60;
	v47 =	vld [tilespmem:s31+$0x66C0]  }
0x184: {  	v49 =	vld [tilespmem:s31+$0x6D0];
	v48 =	vmul.f32 v43, v42;
	v18 =	vadd.f32 v20, v18  }
0x185: {  	v17 =	vadd.f32 v19, v17;
	v19 =	vmul.f32 v36, v63;
	v50 =	vld [tilespmem:s31+$0x66D0]  }
0x186: {  	v52 =	vld [tilespmem:s31+$0x6E0];
	v51 =	vmul.f32 v45, v44;
	v18 =	vadd.f32 v48, v18  }
0x187: {  	v17 =	vadd.f32 v19, v17;
	v19 =	vmul.f32 v38, v37;
	v53 =	vld [tilespmem:s31+$0x66E0]  }
0x188: {  	v55 =	vld [tilespmem:s31+$0x6F0];
	v54 =	vmul.f32 v47, v46;
	v18 =	vadd.f32 v51, v18  }
0x189: {  	v17 =	vadd.f32 v19, v17;
	v19 =	vld [tilespmem:s31+$0x66F0]  }
0x18a: {  	v56 =	vmul.f32 v50, v49;
	v18 =	vadd.f32 v54, v18  }
0x18b: {  	[tilespmem:s26+$0xCB00] =	vst v17  }
0x18c: {  	v17 =	vld [tilespmem:s28+$0x980];
	v57 =	vmul.f32 v53, v52;
	v18 =	vadd.f32 v56, v18  }
0x18d: {  	v22 =	vld [tilespmem:s28+$0x6980]  }
0x18e: {  	v23 =	vld [tilespmem:s28+$0x990];
	v19 =	vmul.f32 v19, v55;
	v18 =	vadd.f32 v57, v18  }
0x18f: {  	v21 =	vld [tilespmem:s28+$0x9A0]  }
0x190: {  	v24 =	vld [tilespmem:s28+$0x9B0];
	v18 =	vadd.f32 v19, v18  }
0x191: {  	v46 =	vld [tilespmem:s28+$0x69B0]  }
0x192: {  	v49 =	vld [tilespmem:s28+$0x69C0];
	[tilespmem:s0+$0xC880] =	vst v18  }
0x193: {  	v18 =	vld [tilespmem:s31+$0x700]  }
0x194: {  	v58 =	vld [tilespmem:s31+$0x6700]  }
0x195: {  	v59 =	vld [tilespmem:s31+$0x710]  }
0x196: {  	v60 =	vld [tilespmem:s31+$0x6710]  }
0x197: {  	v61 =	vld [tilespmem:s31+$0x720]  }
0x198: {  	v62 =	vld [tilespmem:s31+$0x6720]  }
0x199: {  	v63 =	vld [tilespmem:s31+$0x730]  }
0x19a: {  	v33 =	vld [tilespmem:s31+$0x6730]  }
0x19b: {  	v35 =	vld [tilespmem:s31+$0x740];
	v18 =	vmul.f32 v58, v18;
	v34 =	vmul.f32 v60, v59  }
0x19c: {  	v36 =	vld [tilespmem:s31+$0x6740]  }
0x19d: {  	v38 =	vld [tilespmem:s31+$0x750];
	v37 =	vmul.f32 v62, v61;
	v18 =	vadd.f32 v34, v18  }
0x19e: {  	v39 =	vld [tilespmem:s31+$0x6750]  }
0x19f: {  	v41 =	vld [tilespmem:s31+$0x760];
	v40 =	vmul.f32 v33, v63;
	v18 =	vadd.f32 v37, v18  }
0x1a0: {  	v42 =	vld [tilespmem:s31+$0x6760]  }
0x1a1: {  	v44 =	vld [tilespmem:s31+$0x770];
	v43 =	vmul.f32 v36, v35;
	v18 =	vadd.f32 v40, v18  }
0x1a2: {  	v45 =	vld [tilespmem:s31+$0x6770]  }
0x1a3: {  	v52 =	vld [tilespmem:s28+$0x69D0];
	v47 =	vmul.f32 v39, v38;
	v18 =	vadd.f32 v43, v18  }
0x1a4: {  	v55 =	vld [tilespmem:s28+$0x69E0]  }
0x1a5: {  	v20 =	vld [tilespmem:s28+$0x6990];
	v50 =	vmul.f32 v42, v41;
	v18 =	vadd.f32 v47, v18  }
0x1a6: {  	v48 =	vld [tilespmem:s28+$0x9C0]  }
0x1a7: {  	v51 =	vld [tilespmem:s28+$0x9D0];
	v53 =	vmul.f32 v45, v44;
	v18 =	vadd.f32 v50, v18  }
0x1a8: {  	v54 =	vld [tilespmem:s28+$0x9E0]  }
0x1a9: {  	v56 =	vld [tilespmem:s28+$0x9F0];
	v18 =	vadd.f32 v53, v18  }
0x1aa: {  	v19 =	vld [tilespmem:s28+$0x69A0]  }
0x1ab: {  	v57 =	vld [tilespmem:s28+$0x69F0];
	[tilespmem:s0+$0xC900] =	vst v18  }
0x1ac: {  	v18 =	vld [tilespmem:s31+$0x780]  }
0x1ad: {  	v17 =	vmul.f32 v22, v17;
	v20 =	vmul.f32 v20, v23;
	v58 =	vld [tilespmem:s31+$0x6780]  }
0x1ae: {  	v59 =	vld [tilespmem:s31+$0x790]  }
0x1af: {  	v17 =	vadd.f32 v20, v17;
	v19 =	vmul.f32 v19, v21;
	v60 =	vld [tilespmem:s31+$0x6790]  }
0x1b0: {  	v61 =	vld [tilespmem:s31+$0x7A0]  }
0x1b1: {  	v17 =	vadd.f32 v19, v17;
	v19 =	vmul.f32 v46, v24;
	v62 =	vld [tilespmem:s31+$0x67A0]  }
0x1b2: {  	v63 =	vld [tilespmem:s31+$0x7B0]  }
0x1b3: {  	v17 =	vadd.f32 v19, v17;
	v19 =	vmul.f32 v49, v48;
	v36 =	vld [tilespmem:s31+$0x67B0]  }
0x1b4: {  	v37 =	vld [tilespmem:s31+$0x7C0];
	v18 =	vmul.f32 v58, v18;
	v20 =	vmul.f32 v60, v59  }
0x1b5: {  	v17 =	vadd.f32 v19, v17;
	v19 =	vmul.f32 v52, v51;
	v38 =	vld [tilespmem:s31+$0x67C0]  }
0x1b6: {  	v40 =	vld [tilespmem:s31+$0x7D0];
	v39 =	vmul.f32 v62, v61;
	v18 =	vadd.f32 v20, v18  }
0x1b7: {  	v17 =	vadd.f32 v19, v17;
	v19 =	vmul.f32 v55, v54;
	v41 =	vld [tilespmem:s31+$0x67D0]  }
0x1b8: {  	v43 =	vld [tilespmem:s31+$0x7E0];
	v42 =	vmul.f32 v36, v63;
	v18 =	vadd.f32 v39, v18  }
0x1b9: {  	v17 =	vadd.f32 v19, v17;
	v19 =	vmul.f32 v57, v56;
	v44 =	vld [tilespmem:s31+$0x67E0]  }
0x1ba: {  	v46 =	vld [tilespmem:s31+$0x7F0];
	v45 =	vmul.f32 v38, v37;
	v18 =	vadd.f32 v42, v18  }
0x1bb: {  	v17 =	vadd.f32 v19, v17;
	v19 =	vld [tilespmem:s31+$0x67F0]  }
0x1bc: {  	v47 =	vmul.f32 v41, v40;
	v18 =	vadd.f32 v45, v18  }
0x1bd: {  	[tilespmem:s26+$0xCB80] =	vst v17  }
0x1be: {  	v17 =	vld [tilespmem:s28+$0xA00];
	v48 =	vmul.f32 v44, v43;
	v18 =	vadd.f32 v47, v18  }
0x1bf: {  	v21 =	vld [tilespmem:s28+$0x6A00]  }
0x1c0: {  	v23 =	vld [tilespmem:s28+$0xA10];
	v19 =	vmul.f32 v19, v46;
	v18 =	vadd.f32 v48, v18  }
0x1c1: {  	v22 =	vld [tilespmem:s28+$0xA20]  }
0x1c2: {  	v24 =	vld [tilespmem:s28+$0xA30];
	v18 =	vadd.f32 v19, v18  }
0x1c3: {  	v40 =	vld [tilespmem:s28+$0x6A30]  }
0x1c4: {  	v43 =	vld [tilespmem:s28+$0x6A40];
	[tilespmem:s0+$0xC980] =	vst v18  }
0x1c5: {  	v18 =	vld [tilespmem:s31+$0x800]  }
0x1c6: {  	v49 =	vld [tilespmem:s31+$0x6800]  }
0x1c7: {  	v50 =	vld [tilespmem:s31+$0x810]  }
0x1c8: {  	v51 =	vld [tilespmem:s31+$0x6810]  }
0x1c9: {  	v52 =	vld [tilespmem:s31+$0x820]  }
0x1ca: {  	v53 =	vld [tilespmem:s31+$0x6820]  }
0x1cb: {  	v54 =	vld [tilespmem:s31+$0x830]  }
0x1cc: {  	v55 =	vld [tilespmem:s31+$0x6830]  }
0x1cd: {  	v57 =	vld [tilespmem:s31+$0x840];
	v18 =	vmul.f32 v49, v18;
	v56 =	vmul.f32 v51, v50  }
0x1ce: {  	v58 =	vld [tilespmem:s31+$0x6840]  }
0x1cf: {  	v60 =	vld [tilespmem:s31+$0x850];
	v59 =	vmul.f32 v53, v52;
	v18 =	vadd.f32 v56, v18  }
0x1d0: {  	v61 =	vld [tilespmem:s31+$0x6850]  }
0x1d1: {  	v63 =	vld [tilespmem:s31+$0x860];
	v62 =	vmul.f32 v55, v54;
	v18 =	vadd.f32 v59, v18  }
0x1d2: {  	v36 =	vld [tilespmem:s31+$0x6860]  }
0x1d3: {  	v38 =	vld [tilespmem:s31+$0x870];
	v37 =	vmul.f32 v58, v57;
	v18 =	vadd.f32 v62, v18  }
0x1d4: {  	v39 =	vld [tilespmem:s31+$0x6870]  }
0x1d5: {  	v46 =	vld [tilespmem:s28+$0x6A50];
	v41 =	vmul.f32 v61, v60;
	v18 =	vadd.f32 v37, v18  }
0x1d6: {  	v20 =	vld [tilespmem:s28+$0x6A10]  }
0x1d7: {  	v42 =	vld [tilespmem:s28+$0xA40];
	v44 =	vmul.f32 v36, v63;
	v18 =	vadd.f32 v41, v18  }
0x1d8: {  	v45 =	vld [tilespmem:s28+$0xA50]  }
0x1d9: {  	v48 =	vld [tilespmem:s28+$0xA60];
	v47 =	vmul.f32 v39, v38;
	v18 =	vadd.f32 v44, v18  }
0x1da: {  	v19 =	vld [tilespmem:s28+$0x6A20]  }
0x1db: {  	v49 =	vld [tilespmem:s28+$0x6A60];
	v18 =	vadd.f32 v47, v18  }
0x1dc: {  	v50 =	vld [tilespmem:s28+$0xA70]  }
0x1dd: {  	v51 =	vld [tilespmem:s28+$0x6A70];
	[tilespmem:s0+$0xCA00] =	vst v18  }
0x1de: {  	v18 =	vld [tilespmem:s31+$0x880]  }
0x1df: {  	v17 =	vmul.f32 v21, v17;
	v20 =	vmul.f32 v20, v23;
	v52 =	vld [tilespmem:s31+$0x6880]  }
0x1e0: {  	v53 =	vld [tilespmem:s31+$0x890]  }
0x1e1: {  	v17 =	vadd.f32 v20, v17;
	v19 =	vmul.f32 v19, v22;
	v54 =	vld [tilespmem:s31+$0x6890]  }
0x1e2: {  	v55 =	vld [tilespmem:s31+$0x8A0]  }
0x1e3: {  	v17 =	vadd.f32 v19, v17;
	v19 =	vmul.f32 v40, v24;
	v56 =	vld [tilespmem:s31+$0x68A0]  }
0x1e4: {  	v57 =	vld [tilespmem:s31+$0x8B0]  }
0x1e5: {  	v17 =	vadd.f32 v19, v17;
	v19 =	vmul.f32 v43, v42;
	v58 =	vld [tilespmem:s31+$0x68B0]  }
0x1e6: {  	v59 =	vld [tilespmem:s31+$0x8C0];
	v18 =	vmul.f32 v52, v18;
	v20 =	vmul.f32 v54, v53  }
0x1e7: {  	v17 =	vadd.f32 v19, v17;
	v19 =	vmul.f32 v46, v45;
	v60 =	vld [tilespmem:s31+$0x68C0]  }
0x1e8: {  	v62 =	vld [tilespmem:s31+$0x8D0];
	v61 =	vmul.f32 v56, v55;
	v18 =	vadd.f32 v20, v18  }
0x1e9: {  	v17 =	vadd.f32 v19, v17;
	v19 =	vmul.f32 v49, v48;
	v63 =	vld [tilespmem:s31+$0x68D0]  }
0x1ea: {  	v29 =	vld [tilespmem:s31+$0x8E0];
	v28 =	vmul.f32 v58, v57;
	v18 =	vadd.f32 v61, v18  }
0x1eb: {  	v17 =	vadd.f32 v19, v17;
	v19 =	vmul.f32 v51, v50;
	v30 =	vld [tilespmem:s31+$0x68E0]  }
0x1ec: {  	v32 =	vld [tilespmem:s31+$0x8F0];
	v31 =	vmul.f32 v60, v59;
	v18 =	vadd.f32 v28, v18  }
0x1ed: {  	v17 =	vadd.f32 v19, v17;
	v19 =	vld [tilespmem:s31+$0x68F0]  }
0x1ee: {  	v33 =	vmul.f32 v63, v62;
	v18 =	vadd.f32 v31, v18  }
0x1ef: {  	[tilespmem:s26+$0xCC00] =	vst v17  }
0x1f0: {  	v17 =	vld [tilespmem:s28+$0xA80];
	v34 =	vmul.f32 v30, v29;
	v18 =	vadd.f32 v33, v18  }
0x1f1: {  	v22 =	vld [tilespmem:s28+$0x6A80]  }
0x1f2: {  	v23 =	vld [tilespmem:s28+$0xA90];
	v19 =	vmul.f32 v19, v32;
	v18 =	vadd.f32 v34, v18  }
0x1f3: {  	v21 =	vld [tilespmem:s28+$0xAA0]  }
0x1f4: {  	v24 =	vld [tilespmem:s28+$0xAB0];
	v18 =	vadd.f32 v19, v18  }
0x1f5: {  	v54 =	vld [tilespmem:s28+$0x6AB0]  }
0x1f6: {  	v56 =	vld [tilespmem:s28+$0xAC0];
	[tilespmem:s0+$0xCA80] =	vst v18  }
0x1f7: {  	v18 =	vld [tilespmem:s31+$0x900]  }
0x1f8: {  	v35 =	vld [tilespmem:s31+$0x6900]  }
0x1f9: {  	v36 =	vld [tilespmem:s31+$0x910]  }
0x1fa: {  	v37 =	vld [tilespmem:s31+$0x6910]  }
0x1fb: {  	v38 =	vld [tilespmem:s31+$0x920]  }
0x1fc: {  	v39 =	vld [tilespmem:s31+$0x6920]  }
0x1fd: {  	v40 =	vld [tilespmem:s31+$0x930]  }
0x1fe: {  	v41 =	vld [tilespmem:s31+$0x6930]  }
0x1ff: {  	v43 =	vld [tilespmem:s31+$0x940];
	v18 =	vmul.f32 v35, v18;
	v42 =	vmul.f32 v37, v36  }
0x200: {  	v44 =	vld [tilespmem:s31+$0x6940]  }
0x201: {  	v46 =	vld [tilespmem:s31+$0x950];
	v45 =	vmul.f32 v39, v38;
	v18 =	vadd.f32 v42, v18  }
0x202: {  	v47 =	vld [tilespmem:s31+$0x6950]  }
0x203: {  	v49 =	vld [tilespmem:s31+$0x960];
	v48 =	vmul.f32 v41, v40;
	v18 =	vadd.f32 v45, v18  }
0x204: {  	v50 =	vld [tilespmem:s31+$0x6960]  }
0x205: {  	v52 =	vld [tilespmem:s31+$0x970];
	v51 =	vmul.f32 v44, v43;
	v18 =	vadd.f32 v48, v18  }
0x206: {  	v53 =	vld [tilespmem:s31+$0x6970]  }
0x207: {  	v57 =	vld [tilespmem:s28+$0x6AC0];
	v55 =	vmul.f32 v47, v46;
	v18 =	vadd.f32 v51, v18  }
0x208: {  	v59 =	vld [tilespmem:s28+$0xAD0]  }
0x209: {  	v60 =	vld [tilespmem:s28+$0x6AD0];
	v58 =	vmul.f32 v50, v49;
	v18 =	vadd.f32 v55, v18  }
0x20a: {  	v62 =	vld [tilespmem:s28+$0xAE0]  }
0x20b: {  	v63 =	vld [tilespmem:s28+$0x6AE0];
	v61 =	vmul.f32 v53, v52;
	v18 =	vadd.f32 v58, v18  }
0x20c: {  	v20 =	vld [tilespmem:s28+$0x6A90]  }
0x20d: {  	v19 =	vld [tilespmem:s28+$0x6AA0];
	v18 =	vadd.f32 v61, v18  }
0x20e: {  	v36 =	vld [tilespmem:s28+$0xAF0]  }
0x20f: {  	v37 =	vld [tilespmem:s28+$0x6AF0];
	[tilespmem:s0+$0xCB00] =	vst v18  }
0x210: {  	v18 =	vld [tilespmem:s31+$0x980]  }
0x211: {  	v17 =	vmul.f32 v22, v17;
	v20 =	vmul.f32 v20, v23;
	v38 =	vld [tilespmem:s31+$0x6980]  }
0x212: {  	v39 =	vld [tilespmem:s31+$0x990]  }
0x213: {  	v17 =	vadd.f32 v20, v17;
	v19 =	vmul.f32 v19, v21;
	v40 =	vld [tilespmem:s31+$0x6990]  }
0x214: {  	v41 =	vld [tilespmem:s31+$0x9A0]  }
0x215: {  	v17 =	vadd.f32 v19, v17;
	v19 =	vmul.f32 v54, v24;
	v42 =	vld [tilespmem:s31+$0x69A0]  }
0x216: {  	v43 =	vld [tilespmem:s31+$0x9B0]  }
0x217: {  	v17 =	vadd.f32 v19, v17;
	v19 =	vmul.f32 v57, v56;
	v44 =	vld [tilespmem:s31+$0x69B0]  }
0x218: {  	v45 =	vld [tilespmem:s31+$0x9C0];
	v18 =	vmul.f32 v38, v18;
	v20 =	vmul.f32 v40, v39  }
0x219: {  	v17 =	vadd.f32 v19, v17;
	v19 =	vmul.f32 v60, v59;
	v46 =	vld [tilespmem:s31+$0x69C0]  }
0x21a: {  	v48 =	vld [tilespmem:s31+$0x9D0];
	v47 =	vmul.f32 v42, v41;
	v18 =	vadd.f32 v20, v18  }
0x21b: {  	v17 =	vadd.f32 v19, v17;
	v19 =	vmul.f32 v63, v62;
	v49 =	vld [tilespmem:s31+$0x69D0]  }
0x21c: {  	v51 =	vld [tilespmem:s31+$0x9E0];
	v50 =	vmul.f32 v44, v43;
	v18 =	vadd.f32 v47, v18  }
0x21d: {  	v17 =	vadd.f32 v19, v17;
	v19 =	vmul.f32 v37, v36;
	v52 =	vld [tilespmem:s31+$0x69E0]  }
0x21e: {  	v54 =	vld [tilespmem:s31+$0x9F0];
	v53 =	vmul.f32 v46, v45;
	v18 =	vadd.f32 v50, v18  }
0x21f: {  	v17 =	vadd.f32 v19, v17;
	v19 =	vld [tilespmem:s31+$0x69F0]  }
0x220: {  	v55 =	vmul.f32 v49, v48;
	v18 =	vadd.f32 v53, v18  }
0x221: {  	[tilespmem:s26+$0xCC80] =	vst v17  }
0x222: {  	v17 =	vld [tilespmem:s28+$0xB00];
	v56 =	vmul.f32 v52, v51;
	v18 =	vadd.f32 v55, v18  }
0x223: {  	v21 =	vld [tilespmem:s28+$0x6B00]  }
0x224: {  	v23 =	vld [tilespmem:s28+$0xB10];
	v19 =	vmul.f32 v19, v54;
	v18 =	vadd.f32 v56, v18  }
0x225: {  	v22 =	vld [tilespmem:s28+$0xB20]  }
0x226: {  	v24 =	vld [tilespmem:s28+$0xB30];
	v18 =	vadd.f32 v19, v18  }
0x227: {  	v45 =	vld [tilespmem:s28+$0x6B30]  }
0x228: {  	v48 =	vld [tilespmem:s28+$0x6B40];
	[tilespmem:s0+$0xCB80] =	vst v18  }
0x229: {  	v18 =	vld [tilespmem:s31+$0xA00]  }
0x22a: {  	v57 =	vld [tilespmem:s31+$0x6A00]  }
0x22b: {  	v58 =	vld [tilespmem:s31+$0xA10]  }
0x22c: {  	v59 =	vld [tilespmem:s31+$0x6A10]  }
0x22d: {  	v60 =	vld [tilespmem:s31+$0xA20]  }
0x22e: {  	v61 =	vld [tilespmem:s31+$0x6A20]  }
0x22f: {  	v62 =	vld [tilespmem:s31+$0xA30]  }
0x230: {  	v63 =	vld [tilespmem:s31+$0x6A30]  }
0x231: {  	v34 =	vld [tilespmem:s31+$0xA40];
	v18 =	vmul.f32 v57, v18;
	v33 =	vmul.f32 v59, v58  }
0x232: {  	v35 =	vld [tilespmem:s31+$0x6A40]  }
0x233: {  	v37 =	vld [tilespmem:s31+$0xA50];
	v36 =	vmul.f32 v61, v60;
	v18 =	vadd.f32 v33, v18  }
0x234: {  	v38 =	vld [tilespmem:s31+$0x6A50]  }
0x235: {  	v40 =	vld [tilespmem:s31+$0xA60];
	v39 =	vmul.f32 v63, v62;
	v18 =	vadd.f32 v36, v18  }
0x236: {  	v41 =	vld [tilespmem:s31+$0x6A60]  }
0x237: {  	v43 =	vld [tilespmem:s31+$0xA70];
	v42 =	vmul.f32 v35, v34;
	v18 =	vadd.f32 v39, v18  }
0x238: {  	v44 =	vld [tilespmem:s31+$0x6A70]  }
0x239: {  	v51 =	vld [tilespmem:s28+$0x6B50];
	v46 =	vmul.f32 v38, v37;
	v18 =	vadd.f32 v42, v18  }
0x23a: {  	v54 =	vld [tilespmem:s28+$0x6B60]  }
0x23b: {  	v20 =	vld [tilespmem:s28+$0x6B10];
	v49 =	vmul.f32 v41, v40;
	v18 =	vadd.f32 v46, v18  }
0x23c: {  	v47 =	vld [tilespmem:s28+$0xB40]  }
0x23d: {  	v50 =	vld [tilespmem:s28+$0xB50];
	v52 =	vmul.f32 v44, v43;
	v18 =	vadd.f32 v49, v18  }
0x23e: {  	v53 =	vld [tilespmem:s28+$0xB60]  }
0x23f: {  	v55 =	vld [tilespmem:s28+$0xB70];
	v18 =	vadd.f32 v52, v18  }
0x240: {  	v19 =	vld [tilespmem:s28+$0x6B20]  }
0x241: {  	v56 =	vld [tilespmem:s28+$0x6B70];
	[tilespmem:s0+$0xCC00] =	vst v18  }
0x242: {  	v18 =	vld [tilespmem:s31+$0xA80]  }
0x243: {  	v17 =	vmul.f32 v21, v17;
	v20 =	vmul.f32 v20, v23;
	v57 =	vld [tilespmem:s31+$0x6A80]  }
0x244: {  	v58 =	vld [tilespmem:s31+$0xA90]  }
0x245: {  	v17 =	vadd.f32 v20, v17;
	v19 =	vmul.f32 v19, v22;
	v59 =	vld [tilespmem:s31+$0x6A90]  }
0x246: {  	v60 =	vld [tilespmem:s31+$0xAA0]  }
0x247: {  	v17 =	vadd.f32 v19, v17;
	v19 =	vmul.f32 v45, v24;
	v61 =	vld [tilespmem:s31+$0x6AA0]  }
0x248: {  	v62 =	vld [tilespmem:s31+$0xAB0]  }
0x249: {  	v17 =	vadd.f32 v19, v17;
	v19 =	vmul.f32 v48, v47;
	v63 =	vld [tilespmem:s31+$0x6AB0]  }
0x24a: {  	v29 =	vld [tilespmem:s31+$0xAC0];
	v18 =	vmul.f32 v57, v18;
	v20 =	vmul.f32 v59, v58  }
0x24b: {  	v17 =	vadd.f32 v19, v17;
	v19 =	vmul.f32 v51, v50;
	v31 =	vld [tilespmem:s31+$0x6AC0]  }
0x24c: {  	v35 =	vld [tilespmem:s31+$0xAD0];
	v34 =	vmul.f32 v61, v60;
	v18 =	vadd.f32 v20, v18  }
0x24d: {  	v17 =	vadd.f32 v19, v17;
	v19 =	vmul.f32 v54, v53;
	v36 =	vld [tilespmem:s31+$0x6AD0]  }
0x24e: {  	v38 =	vld [tilespmem:s31+$0xAE0];
	v37 =	vmul.f32 v63, v62;
	v18 =	vadd.f32 v34, v18  }
0x24f: {  	v17 =	vadd.f32 v19, v17;
	v19 =	vmul.f32 v56, v55;
	v39 =	vld [tilespmem:s31+$0x6AE0]  }
0x250: {  	v41 =	vld [tilespmem:s31+$0xAF0];
	v40 =	vmul.f32 v31, v29;
	v18 =	vadd.f32 v37, v18  }
0x251: {  	v17 =	vadd.f32 v19, v17;
	v19 =	vld [tilespmem:s31+$0x6AF0]  }
0x252: {  	v42 =	vmul.f32 v36, v35;
	v18 =	vadd.f32 v40, v18  }
0x253: {  	[tilespmem:s26+$0xCD00] =	vst v17  }
0x254: {  	v17 =	vld [tilespmem:s28+$0xB80];
	v43 =	vmul.f32 v39, v38;
	v18 =	vadd.f32 v42, v18  }
0x255: {  	v22 =	vld [tilespmem:s28+$0x6B80]  }
0x256: {  	v23 =	vld [tilespmem:s28+$0xB90];
	v19 =	vmul.f32 v19, v41;
	v18 =	vadd.f32 v43, v18  }
0x257: {  	v21 =	vld [tilespmem:s28+$0xBA0]  }
0x258: {  	v24 =	vld [tilespmem:s28+$0xBB0];
	v18 =	vadd.f32 v19, v18  }
0x259: {  	v63 =	vld [tilespmem:s28+$0x6BB0]  }
0x25a: {  	v41 =	vld [tilespmem:s28+$0x6BC0];
	[tilespmem:s0+$0xCC80] =	vst v18  }
0x25b: {  	v18 =	vld [tilespmem:s31+$0xB00]  }
0x25c: {  	v44 =	vld [tilespmem:s31+$0x6B00]  }
0x25d: {  	v45 =	vld [tilespmem:s31+$0xB10]  }
0x25e: {  	v46 =	vld [tilespmem:s31+$0x6B10]  }
0x25f: {  	v47 =	vld [tilespmem:s31+$0xB20]  }
0x260: {  	v48 =	vld [tilespmem:s31+$0x6B20]  }
0x261: {  	v49 =	vld [tilespmem:s31+$0xB30]  }
0x262: {  	v50 =	vld [tilespmem:s31+$0x6B30]  }
0x263: {  	v52 =	vld [tilespmem:s31+$0xB40];
	v18 =	vmul.f32 v44, v18;
	v51 =	vmul.f32 v46, v45  }
0x264: {  	v53 =	vld [tilespmem:s31+$0x6B40]  }
0x265: {  	v55 =	vld [tilespmem:s31+$0xB50];
	v54 =	vmul.f32 v48, v47;
	v18 =	vadd.f32 v51, v18  }
0x266: {  	v56 =	vld [tilespmem:s31+$0x6B50]  }
0x267: {  	v58 =	vld [tilespmem:s31+$0xB60];
	v57 =	vmul.f32 v50, v49;
	v18 =	vadd.f32 v54, v18  }
0x268: {  	v59 =	vld [tilespmem:s31+$0x6B60]  }
0x269: {  	v61 =	vld [tilespmem:s31+$0xB70];
	v60 =	vmul.f32 v53, v52;
	v18 =	vadd.f32 v57, v18  }
0x26a: {  	v62 =	vld [tilespmem:s31+$0x6B70]  }
0x26b: {  	v20 =	vld [tilespmem:s28+$0x6B90];
	v39 =	vmul.f32 v56, v55;
	v18 =	vadd.f32 v60, v18  }
0x26c: {  	v40 =	vld [tilespmem:s28+$0xBC0]  }
0x26d: {  	v43 =	vld [tilespmem:s28+$0xBD0];
	v42 =	vmul.f32 v59, v58;
	v18 =	vadd.f32 v39, v18  }
0x26e: {  	v19 =	vld [tilespmem:s28+$0x6BA0]  }
0x26f: {  	v44 =	vld [tilespmem:s28+$0x6BD0];
	v45 =	vmul.f32 v62, v61;
	v18 =	vadd.f32 v42, v18  }
0x270: {  	v46 =	vld [tilespmem:s28+$0xBE0]  }
0x271: {  	v47 =	vld [tilespmem:s28+$0x6BE0];
	v18 =	vadd.f32 v45, v18  }
0x272: {  	v48 =	vld [tilespmem:s28+$0xBF0]  }
0x273: {  	v49 =	vld [tilespmem:s28+$0x6BF0];
	[tilespmem:s0+$0xCD00] =	vst v18  }
0x274: {  	v18 =	vld [tilespmem:s31+$0xB80]  }
0x275: {  	v34 =	vld [tilespmem:s31+$0x6B80]  }
0x276: {  	v35 =	vld [tilespmem:s31+$0xB90]  }
0x277: {  	v17 =	vmul.f32 v22, v17;
	v20 =	vmul.f32 v20, v23;
	v36 =	vld [tilespmem:s31+$0x6B90]  }
0x278: {  	v37 =	vld [tilespmem:s31+$0xBA0]  }
0x279: {  	v17 =	vadd.f32 v20, v17;
	v19 =	vmul.f32 v19, v21;
	v50 =	vld [tilespmem:s31+$0x6BA0]  }
0x27a: {  	v51 =	vld [tilespmem:s31+$0xBB0]  }
0x27b: {  	v17 =	vadd.f32 v19, v17;
	v19 =	vmul.f32 v63, v24;
	v52 =	vld [tilespmem:s31+$0x6BB0]  }
0x27c: {  	v54 =	vld [tilespmem:s31+$0xBC0];
	v18 =	vmul.f32 v34, v18;
	v53 =	vmul.f32 v36, v35  }
0x27d: {  	v17 =	vadd.f32 v19, v17;
	v19 =	vmul.f32 v41, v40;
	v55 =	vld [tilespmem:s31+$0x6BC0]  }
0x27e: {  	v57 =	vld [tilespmem:s31+$0xBD0];
	v56 =	vmul.f32 v50, v37;
	v18 =	vadd.f32 v53, v18  }
0x27f: {  	v17 =	vadd.f32 v19, v17;
	v19 =	vmul.f32 v44, v43;
	v58 =	vld [tilespmem:s31+$0x6BD0]  }
0x280: {  	v59 =	vld [tilespmem:s31+$0xBE0];
	v20 =	vmul.f32 v52, v51;
	v18 =	vadd.f32 v56, v18  }
0x281: {  	v17 =	vadd.f32 v19, v17;
	v19 =	vmul.f32 v47, v46;
	v60 =	vld [tilespmem:s31+$0x6BE0]  }
0x282: {  	v62 =	vld [tilespmem:s31+$0xBF0];
	v61 =	vmul.f32 v55, v54;
	v18 =	vadd.f32 v20, v18  }
0x283: {  	v17 =	vadd.f32 v19, v17;
	v19 =	vmul.f32 v49, v48;
	v63 =	vld [tilespmem:s31+$0x6BF0]  }
0x284: {  	v27 =	vmul.f32 v58, v57;
	v18 =	vadd.f32 v61, v18  }
0x285: {  	v17 =	vadd.f32 v19, v17  }
0x286: {  	v19 =	vor.u32 s25, v1;
	v30 =	vmul.f32 v60, v59;
	v18 =	vadd.f32 v27, v18  }
0x287: {  	v28 =	vor.u32 s25, v0  }
0x288: {  	v32 =	vor.u32 s30, v0;
	v31 =	vmul.f32 v63, v62;
	v18 =	vadd.f32 v30, v18  }
0x289: {  	v33 =	vor.u32 s30, v1  }
0x28a: {  	[tilespmem:s26+$0xCD80] =	vst v17;
	v17 =	vor.u32 s25, v2;
	v18 =	vadd.f32 v31, v18  }
0x28b: {  	v19 =	vld.idx.msk [tilespmem:v19+s18+$0x0], $0xffff;
	v35 =	vor.u32 s30, v2  }
0x28c: {  	v34 =	vld.idx.msk [tilespmem:v28+s18+$0x0], $0xffff;
	v36 =	vor.u32 s25, v3;
	[tilespmem:s0+$0xCD80] =	vst v18  }
0x28d: {  	v37 =	vor.u32 s30, v3;
	v18 =	vld.idx.msk [tilespmem:v32+s18+$0x0], $0xffff  }
0x28e: {  	v38 =	vor.u32 s25, v4;
	v23 =	vld.idx.msk [tilespmem:v33+s18+$0x0], $0xffff  }
0x28f: {  	v39 =	vor.u32 s30, v4;
	v17 =	vld.idx.msk [tilespmem:v17+s18+$0x0], $0xffff  }
0x290: {  	v40 =	vor.u32 s25, v5;
	v22 =	vld.idx.msk [tilespmem:v35+s18+$0x0], $0xffff  }
0x291: {  	v41 =	vor.u32 s30, v5;
	v24 =	vld.idx.msk [tilespmem:v36+s18+$0x0], $0xffff  }
0x292: {  	v42 =	vor.u32 s25, v6;
	v19 =	vadd.f32 v19, v34;
	v21 =	vld.idx.msk [tilespmem:v37+s18+$0x0], $0xffff  }
0x293: {  	v43 =	vor.u32 s30, v6;
	v25 =	vld.idx.msk [tilespmem:v38+s18+$0x0], $0xffff;
	v18 =	vadd.f32 v23, v18  }
0x294: {  	v17 =	vadd.f32 v17, v19;
	v19 =	vor.u32 s25, v7;
	v26 =	vld.idx.msk [tilespmem:v39+s18+$0x0], $0xffff  }
0x295: {  	v44 =	vor.u32 s30, v7;
	v27 =	vld.idx.msk [tilespmem:v40+s18+$0x0], $0xffff;
	v18 =	vadd.f32 v22, v18  }
0x296: {  	v45 =	vor.u32 s25, v8;
	v17 =	vadd.f32 v24, v17;
	v28 =	vld.idx.msk [tilespmem:v41+s18+$0x0], $0xffff  }
0x297: {  	v46 =	vor.u32 s30, v8;
	v20 =	vld.idx.msk [tilespmem:v42+s18+$0x0], $0xffff;
	v18 =	vadd.f32 v21, v18  }
0x298: {  	v47 =	vor.u32 s25, v9;
	v17 =	vadd.f32 v25, v17;
	v23 =	vld.idx.msk [tilespmem:v43+s18+$0x0], $0xffff  }
0x299: {  	v48 =	vor.u32 s30, v9;
	v19 =	vld.idx.msk [tilespmem:v19+s18+$0x0], $0xffff;
	v18 =	vadd.f32 v26, v18  }
0x29a: {  	v49 =	vor.u32 s25, v10;
	v17 =	vadd.f32 v27, v17;
	v22 =	vld.idx.msk [tilespmem:v44+s18+$0x0], $0xffff  }
0x29b: {  	v50 =	vor.u32 s30, v10;
	v24 =	vld.idx.msk [tilespmem:v45+s18+$0x0], $0xffff;
	v18 =	vadd.f32 v28, v18  }
0x29c: {  	v51 =	vor.u32 s25, v11;
	v17 =	vadd.f32 v20, v17;
	v21 =	vld.idx.msk [tilespmem:v46+s18+$0x0], $0xffff  }
0x29d: {  	v52 =	vor.u32 s30, v11;
	v25 =	vld.idx.msk [tilespmem:v47+s18+$0x0], $0xffff;
	v18 =	vadd.f32 v23, v18  }
0x29e: {  	v17 =	vadd.f32 v19, v17;
	v19 =	vor.u32 s25, v12;
	v26 =	vld.idx.msk [tilespmem:v48+s18+$0x0], $0xffff  }
0x29f: {  	v53 =	vor.u32 s30, v12;
	v27 =	vld.idx.msk [tilespmem:v49+s18+$0x0], $0xffff;
	v18 =	vadd.f32 v22, v18  }
0x2a0: {  	v54 =	vor.u32 s25, v13;
	v17 =	vadd.f32 v24, v17;
	v28 =	vld.idx.msk [tilespmem:v50+s18+$0x0], $0xffff  }
0x2a1: {  	v55 =	vor.u32 s30, v13;
	v20 =	vld.idx.msk [tilespmem:v51+s18+$0x0], $0xffff;
	v18 =	vadd.f32 v21, v18  }
0x2a2: {  	v56 =	vor.u32 s25, v14;
	v17 =	vadd.f32 v25, v17;
	v23 =	vld.idx.msk [tilespmem:v52+s18+$0x0], $0xffff  }
0x2a3: {  	v57 =	vor.u32 s30, v14;
	v19 =	vld.idx.msk [tilespmem:v19+s18+$0x0], $0xffff;
	v18 =	vadd.f32 v26, v18  }
0x2a4: {  	v58 =	vor.u32 s25, v15;
	v17 =	vadd.f32 v27, v17;
	v22 =	vld.idx.msk [tilespmem:v53+s18+$0x0], $0xffff  }
0x2a5: {  	v59 =	vor.u32 s30, v15;
	v24 =	vld.idx.msk [tilespmem:v54+s18+$0x0], $0xffff;
	v18 =	vadd.f32 v28, v18  }
0x2a6: {  	v60 =	vld.idx.msk [tilespmem:v55+s18+$0x0], $0xffff;
	v17 =	vadd.f32 v20, v17  }
0x2a7: {  	v61 =	vld.idx.msk [tilespmem:v56+s18+$0x0], $0xffff;
	v18 =	vadd.f32 v23, v18  }
0x2a8: {  	v17 =	vadd.f32 v19, v17;
	v19 =	vld.idx.msk [tilespmem:v57+s18+$0x0], $0xffff  }
0x2a9: {  	v62 =	vld.idx.msk [tilespmem:v58+s18+$0x0], $0xffff;
	v18 =	vadd.f32 v22, v18  }
0x2aa: {  	v63 =	vld.idx.msk [tilespmem:v59+s18+$0x0], $0xffff;
	v17 =	vadd.f32 v24, v17  }
0x2ab: {  	v18 =	vadd.f32 v60, v18  }
0x2ac: {  	p1 =	por p0, p0;
	v17 =	vadd.f32 v61, v17  }
.Ltmp6:
0x2ad: {  	v18 =	vadd.f32 v19, v18;
	(pc) =	sbr.rel @p1 .LBB2_11-.Ltmp6, $4  }
0x2ae: {  	v17 =	vadd.f32 v62, v17  }
0x2af: {  	v18 =	vadd.f32 v63, v18  }
0x2b0: {  	[tilespmem:v16+s24+$0x0 ss:$0x1] =	vst.idx.msk $0xffff, v17  }
0x2b1: {  	p0 =	por $0x0, $0x0;
	s0 =	simm.s32 $0x2;
	[tilespmem:v16+s29+$0x0 ss:$0x1] =	vst.idx.msk $0xffff, v18  }
0x2b2: {  	s21 =	sadd.s32 $0x1, s21  }
0x2b3: {  	p0 =	sne.s32 s21, $0x8  }
.Ltmp7:
0x2b4: {  	_ = 	snop;
	(pc) =	sbr.rel @p0 .LBB2_2-.Ltmp7, $4  }
0x2b5: {  	s0 =	sor.u32 s6, s22  }
0x2b6: {  	s0 =	sshrl.u32 s0, $0x3  }
0x2b7: {  	s31 =	sadd.s32 $0xC400, s22;
	s0 =	sadd.s32 s4, s0  }
0x2b8: {  	[hbm4b:s0+s5] =	stream.linear.scatter [tilespmem:s31], [sflag:$0x8], $0x40, $0x38;
	[tilespmem:$0xE600] =	vst v63  }
0x2b9: {  	_ =	swait.ge [sflag:s19], $0x40  }
0x2ba: {  	[sflag:s19] =	ssyncset.done $0x0  }
0x2bb: {  	[sflag:s19] =	ssyncadd.s32 $0xFFFFFFC0  }
0x2bc: {  	_ =	swait.ge [sflag:s19], $0x40  }
0x2bd: {  	[sflag:s19] =	ssyncset.done $0x0  }
0x2be: {  	[sflag:s19] =	ssyncadd.s32 $0xFFFFFFC0  }
0x2bf: {  	_ =	swait.ge [sflag:s19], $0x40  }
0x2c0: {  	[sflag:s19] =	ssyncset.done $0x0  }
0x2c1: {  	[sflag:s19] =	ssyncadd.s32 $0xFFFFFFC0  }
0x2c2: {  	_ =	swait.ge [sflag:s19], $0x40  }
0x2c3: {  	[sflag:s19] =	ssyncset.done $0x0  }
0x2c4: {  	[sflag:s19] =	ssyncadd.s32 $0xFFFFFFC0  }
0x2c5: {  	_ =	swait.ge [sflag:s19], $0x40  }
0x2c6: {  	[sflag:s19] =	ssyncset.done $0x0  }
0x2c7: {  	[sflag:s19] =	ssyncadd.s32 $0xFFFFFFC0  }
0x2c8: {  	_ =	swait.ge [sflag:s19], $0x40  }
0x2c9: {  	[sflag:s19] =	ssyncset.done $0x0  }
0x2ca: {  	s20 =	sadd.s32 $0x1, s20;
	[sflag:s19] =	ssyncadd.s32 $0xFFFFFFC0  }
0x2cb: {  	p0 =	sne.s32 s20, s9;
	_ =	swait.ge [sflag:s19], $0x40  }
.Ltmp8:
0x2cc: {  	[sflag:s19] =	ssyncset.done $0x0;
	(pc) =	sbr.rel @p0 .LBB2_1-.Ltmp8, $4  }
0x2cd: {  	[sflag:s19] =	ssyncadd.s32 $0xFFFFFFC0  }
0x2ce: {  	_ =	swait.ge [sflag:s19], $0x40  }
0x2cf: {  	[sflag:s19] =	ssyncset.done $0x0  }
0x2d0: {  	[sflag:s19] =	ssyncadd.s32 $0xFFFFFFC0  }
0x2d1: {  	_ =	sfence.sel $0x180000  }
0x2d2: {  	[bflag:$0x0] =	sbarrier.arrive $0xFFFF  }
0x2d3: {  	_ =	strace $0x90000047  }
0x2d4: {  	[bflag:$0x2] =	sbarrier.arrive $0xFFFF  }
0x2d5: {  	p0 =	sne.s32 s2, $0x0;
	s0 =	rddreg [dreg:$0x5]  }
0x2d6: {  	s0 =	sadd.s32 @!p0 $0x100000, s0  }
0x2d7: {  	[sflag:s0] =	ssyncadd.tile.s32 @!p0 $0x1;
	_ =	shalt  }
.Lfunc_end2:
_tile_overlayer_lowered:
.L_overlay_start_2:
0x2d8: {  	(tag) =	ssettag $0x2  }
0x2d9: {  	s0 =	rddreg [dreg:$0x0];
	s2 =	stileid.u32  }
0x2da: {  	s1 =	rddreg [dreg:$0x1];
	p0 =	sne.s32 s2, $0x0  }
0x2db: {  	s3 =	rddreg [dreg:$0x2];
	[bflag:$0x3] =	sbarrier.arrive $0xFFFF;
	s2 =	simm.s32 @!p0 $0x1C09  }
0x2dc: {  	[timem:s3], [sflag:s2] =	dma.local @!p0 [hbm:s0], s1  }
0x2dd: {  	s0 =	simm.s32 @!p0 $0x9  }
0x2de: {  	_ =	swait.ge @!p0 [sflag:s0], s1  }
0x2df: {  	s1 =	ssub.s32 @!p0 $0x0, s1;
	[sflag:s0] =	ssyncset.done @!p0 $0x0  }
0x2e0: {  	[sflag:s0] =	ssyncadd.s32 @!p0 s1  }
0x2e1: {  	[bflag:$0x3] =	sbarrier.arrive $0xFFFF  }
0x2e2: {  	_ =	shalt  }

</sc_bundles>
